<compile_context>
chip_gen: v7x
topology: tpu7x:2x2x1
jax: 0.10.2.dev20260603
libtpu: 0.0.44.dev20260713+nightly
codegen_flags: <defaults>
</compile_context>

<pallas_src>
import functools

import jax
import jax.numpy as jnp
from jax import lax
from jax.experimental import pallas as pl
from jax.experimental.pallas import tpu as pltpu
from jax.experimental.pallas import tpu_sc as plsc

_VD = 23040
_NROWS = 16
_B = 2
_C = 8
_N = 128 * 128 * 90 * 2
_W = 180
_H = _N // _W
_NW = 32
_HL = 128
_K = _HL * _W
_HPS = _H // 2
_CHUNKS = _HPS // _HL
_PITCH = 129
_TWO23 = 8388608.0
_GOFFS = tuple(range(0, 176, 16)) + (164,)


def _sc_gather(x_flat, idx):
    mesh = plsc.VectorSubcoreMesh(core_axis_name="c", subcore_axis_name="s")

    @functools.partial(
        pl.kernel,
        out_type=jax.ShapeDtypeStruct((_B, _W, _C, _H), jnp.float32),
        mesh=mesh,
        compiler_params=pltpu.CompilerParams(
            needs_layout_passes=False, use_tc_tiling_on_sc=False
        ),
        scratch_types=[
            pltpu.VMEM((_VD,), jnp.float32),
            pltpu.VMEM((2, _K), jnp.float32),
            pltpu.VMEM((2, _W, _PITCH), jnp.float32),
            pltpu.SemaphoreType.DMA,
            pltpu.SemaphoreType.DMA,
            pltpu.SemaphoreType.DMA,
            pltpu.SemaphoreType.DMA,
            pltpu.SemaphoreType.DMA,
        ],
    )
    def k(x_hbm, idx_hbm, out_t, tab_v, ibuf, obuf,
          s_tab, s_in0, s_in1, s_out0, s_out1):
        s_in = (s_in0, s_in1)
        s_out = (s_out0, s_out1)
        cid = lax.axis_index("c")
        sid = lax.axis_index("s")
        wid = sid * 2 + cid
        bc = wid // 2
        half = wid % 2
        bi = bc // _C
        ci = bc % _C
        h_base = half * _HPS
        base = h_base * _W

        tab_cp = pltpu.async_copy(
            x_hbm.at[pl.ds(bc * _VD, _VD)], tab_v, s_tab
        )
        pltpu.async_copy(idx_hbm.at[pl.ds(base, _K)], ibuf.at[0], s_in[0])
        tab_cp.wait()

        lanes = lax.iota(jnp.int32, 16)
        wvecs = [lanes + o for o in _GOFFS]

        def pair_body(h, carry):
            for b in range(2):
                c = h * 2 + b
                off = base + c * _K
                h0 = h_base + c * _HL

                @pl.when(c + 1 < _CHUNKS)
                def _():
                    pltpu.async_copy(
                        idx_hbm.at[pl.ds(off + _K, _K)],
                        ibuf.at[1 - b],
                        s_in[1 - b],
                    )

                pltpu.make_async_copy(
                    idx_hbm.at[pl.ds(off, _K)], ibuf.at[b], s_in[b]
                ).wait()

                @pl.when(c >= 2)
                def _():
                    pltpu.make_async_copy(
                        obuf.at[b, :, pl.ds(0, _HL)],
                        out_t.at[bi, :, ci, pl.ds(h0 - 2 * _HL, _HL)],
                        s_out[b],
                    ).wait()

                @plsc.parallel_loop(0, _HL, unroll=2)
                def _(j):
                    jo = j * _W
                    hv = jnp.full((16,), 0, jnp.int32) + j
                    for gi, o in enumerate(_GOFFS):
                        f = ibuf[b, pl.ds(jo + o, 16)]
                        zi = plsc.bitcast(f + _TWO23, jnp.int32)
                        ii = jnp.minimum(zi & 0x7FFFFF, _VD - 1)
                        vals = plsc.load_gather(tab_v, [ii])
                        plsc.store_scatter(
                            obuf.at[b], [wvecs[gi], hv], vals
                        )

                pltpu.async_copy(
                    obuf.at[b, :, pl.ds(0, _HL)],
                    out_t.at[bi, :, ci, pl.ds(h0, _HL)],
                    s_out[b],
                )
            return carry

        lax.fori_loop(0, _CHUNKS // 2, pair_body, 0)

        for c in (_CHUNKS - 2, _CHUNKS - 1):
            b = c % 2
            h0 = h_base + c * _HL
            pltpu.make_async_copy(
                obuf.at[b, :, pl.ds(0, _HL)],
                out_t.at[bi, :, ci, pl.ds(h0, _HL)],
                s_out[b],
            ).wait()

    return k(x_flat, idx)


def kernel(input, indices):
    x_flat = input.reshape(_NROWS * _VD)
    out_t = _sc_gather(x_flat, indices)
    return jnp.transpose(out_t, (0, 2, 3, 1))

# --- scband reference (transcript-rebuilt; emitter-appended) ---
"""Pipeline reference for scband-back-proj-net-43198781063626 (READ-ONLY COPY).

The authoritative reference and input builder live on the scoring server;
editing this copy changes nothing except your own understanding.
"""

import jax, jax.numpy as jnp
import numpy as np

GEO = {'nVoxelX': 128, 'nVoxelY': 128, 'views': 90, 'nDetecU': 256, 'extent': 2}
CHANNEL = 8
B = 2


def setup_inputs(seed: int = 0) -> dict:
    key = jax.random.key(seed)
    k1, k2 = jax.random.split(key)
    VD = GEO['views'] * GEO['nDetecU']
    inp = jax.random.normal(k1, (B, CHANNEL * VD), dtype=jnp.float32)
    n_idx = GEO['nVoxelX'] * GEO['nVoxelY'] * GEO['views'] * GEO['extent']
    # geo['indices'] in the torch module: float-valued detector indices, rounded in forward
    indices = jax.random.uniform(k2, (n_idx,), dtype=jnp.float32, minval=0.0, maxval=float(VD))
    return {'input': inp, 'indices': indices}


def reference(input, indices):
    VD = GEO['views'] * GEO['nDetecU']
    x = input.reshape(input.shape[0], CHANNEL, VD)
    idx = jnp.round(indices)
    idx = jnp.where(idx >= VD, VD - 1, idx).astype(jnp.int32)
    out = jnp.take(x, idx, axis=-1)
    out = out.reshape(input.shape[0], CHANNEL, -1, GEO['views'] * GEO['extent'])
    return out

if __name__ == "__main__":
    import jax
    _d = setup_inputs()
    print(jax.jit(kernel)(*tuple(_d.values())))

</pallas_src>

<mosaic_0001>
#map = affine_map<(d0, d1) -> (0)>
#map1 = affine_map<(d0, d1) -> (0, 0, 0, 0)>
module attributes {stable_mosaic.version = 14 : i64} {
  func.func @k(%arg0: i32, %arg1: i32, %arg2: memref<368640xf32, #tpu.memory_space<hbm>>, %arg3: memref<2949120xf32, #tpu.memory_space<hbm>>, %arg4: memref<2x180x8x16384xf32, #tpu.memory_space<hbm>>, %arg5: memref<23040xf32, #tpu.memory_space<vmem>>, %arg6: memref<2x23040xf32, #tpu.memory_space<vmem>>, %arg7: memref<2x180x129xf32, #tpu.memory_space<vmem>>, %arg8: memref<!tpu.dma_semaphore, #tpu.memory_space<semaphore_mem>>, %arg9: memref<!tpu.dma_semaphore, #tpu.memory_space<semaphore_mem>>, %arg10: memref<!tpu.dma_semaphore, #tpu.memory_space<semaphore_mem>>, %arg11: memref<!tpu.dma_semaphore, #tpu.memory_space<semaphore_mem>>, %arg12: memref<!tpu.dma_semaphore, #tpu.memory_space<semaphore_mem>>) attributes {dimension_semantics = [#tpu.dimension_semantics<core_parallel>, #tpu.dimension_semantics<subcore_parallel>], iteration_bounds = array<i64: 2, 16>, scalar_prefetch = 0 : i64, scratch_operands = 8 : i64, tpu.core_type = #tpu.core_type<sc_vector_subcore>, window_params = [{transform_indices = #map}, {transform_indices = #map}, {transform_indices = #map1}]} {
    %mul3A = arith.constant 2 : i32
    %mul3A_0 = arith.muli %arg1, %mul3A : i32
    %add3A = arith.addi %mul3A_0, %arg0 : i32
    %jit3A = arith.constant 2 : i32
    %div3A = arith.divsi %add3A, %jit3A : i32
    %sign3A = arith.constant 0 : i32
    %sign3A_1 = arith.cmpi sgt, %add3A, %sign3A : i32
    %sign3A_2 = arith.extui %sign3A_1 : i1 to i32
    %sign3A_3 = arith.constant 0 : i32
    %sign3A_4 = arith.cmpi slt, %add3A, %sign3A_3 : i32
    %sign3A_5 = arith.extui %sign3A_4 : i1 to i32
    %sign3A_6 = arith.subi %sign3A_2, %sign3A_5 : i32
    %sign3A_7 = arith.constant 0 : i32
    %sign3A_8 = arith.cmpi sgt, %jit3A, %sign3A_7 : i32
    %sign3A_9 = arith.extui %sign3A_8 : i1 to i32
    %sign3A_10 = arith.constant 0 : i32
    %sign3A_11 = arith.cmpi slt, %jit3A, %sign3A_10 : i32
    %sign3A_12 = arith.extui %sign3A_11 : i1 to i32
    %sign3A_13 = arith.subi %sign3A_9, %sign3A_12 : i32
    %ne3A = arith.cmpi ne, %sign3A_6, %sign3A_13 : i32
    %rem3A = arith.remsi %add3A, %jit3A : i32
    %ne3A_14 = arith.constant 0 : i32
    %ne3A_15 = arith.cmpi ne, %rem3A, %ne3A_14 : i32
    %and3A = arith.andi %ne3A, %ne3A_15 : i1
    %sub3A = arith.constant 1 : i32
    %sub3A_16 = arith.subi %div3A, %sub3A : i32
    %select_n3A = arith.select %and3A, %sub3A_16, %div3A : i32
    %jit3A_17 = arith.constant 2 : i32
    %eq3A = arith.constant 0 : i32
    %eq3A_18 = arith.cmpi eq, %jit3A_17, %eq3A : i32
    %jit3A_19 = arith.constant 1 : i32
    %select_n3A_20 = arith.select %eq3A_18, %jit3A_19, %jit3A_17 : i32
    %rem3A_21 = arith.remsi %add3A, %select_n3A_20 : i32
    %ne3A_22 = arith.constant 0 : i32
    %ne3A_23 = arith.cmpi ne, %rem3A_21, %ne3A_22 : i32
    %lt3A = arith.constant 0 : i32
    %lt3A_24 = arith.cmpi slt, %rem3A_21, %lt3A : i32
    %lt3A_25 = arith.constant 0 : i32
    %lt3A_26 = arith.cmpi slt, %select_n3A_20, %lt3A_25 : i32
    %ne3A_27 = arith.xori %lt3A_24, %lt3A_26 : i1
    %and3A_28 = arith.andi %ne3A_27, %ne3A_23 : i1
    %add3A_29 = arith.addi %rem3A_21, %select_n3A_20 : i32
    %select_n3A_30 = arith.select %and3A_28, %add3A_29, %rem3A_21 : i32
    %jit3A_31 = arith.constant 8 : i32
    %div3A_32 = arith.divsi %select_n3A, %jit3A_31 : i32
    %sign3A_33 = arith.constant 0 : i32
    %sign3A_34 = arith.cmpi sgt, %select_n3A, %sign3A_33 : i32
    %sign3A_35 = arith.extui %sign3A_34 : i1 to i32
    %sign3A_36 = arith.constant 0 : i32
    %sign3A_37 = arith.cmpi slt, %select_n3A, %sign3A_36 : i32
    %sign3A_38 = arith.extui %sign3A_37 : i1 to i32
    %sign3A_39 = arith.subi %sign3A_35, %sign3A_38 : i32
    %sign3A_40 = arith.constant 0 : i32
    %sign3A_41 = arith.cmpi sgt, %jit3A_31, %sign3A_40 : i32
    %sign3A_42 = arith.extui %sign3A_41 : i1 to i32
    %sign3A_43 = arith.constant 0 : i32
    %sign3A_44 = arith.cmpi slt, %jit3A_31, %sign3A_43 : i32
    %sign3A_45 = arith.extui %sign3A_44 : i1 to i32
    %sign3A_46 = arith.subi %sign3A_42, %sign3A_45 : i32
    %ne3A_47 = arith.cmpi ne, %sign3A_39, %sign3A_46 : i32
    %rem3A_48 = arith.remsi %select_n3A, %jit3A_31 : i32
    %ne3A_49 = arith.constant 0 : i32
    %ne3A_50 = arith.cmpi ne, %rem3A_48, %ne3A_49 : i32
    %and3A_51 = arith.andi %ne3A_47, %ne3A_50 : i1
    %sub3A_52 = arith.constant 1 : i32
    %sub3A_53 = arith.subi %div3A_32, %sub3A_52 : i32
    %select_n3A_54 = arith.select %and3A_51, %sub3A_53, %div3A_32 : i32
    %jit3A_55 = arith.constant 8 : i32
    %eq3A_56 = arith.constant 0 : i32
    %eq3A_57 = arith.cmpi eq, %jit3A_55, %eq3A_56 : i32
    %jit3A_58 = arith.constant 1 : i32
    %select_n3A_59 = arith.select %eq3A_57, %jit3A_58, %jit3A_55 : i32
    %rem3A_60 = arith.remsi %select_n3A, %select_n3A_59 : i32
    %ne3A_61 = arith.constant 0 : i32
    %ne3A_62 = arith.cmpi ne, %rem3A_60, %ne3A_61 : i32
    %lt3A_63 = arith.constant 0 : i32
    %lt3A_64 = arith.cmpi slt, %rem3A_60, %lt3A_63 : i32
    %lt3A_65 = arith.constant 0 : i32
    %lt3A_66 = arith.cmpi slt, %select_n3A_59, %lt3A_65 : i32
    %ne3A_67 = arith.xori %lt3A_64, %lt3A_66 : i1
    %and3A_68 = arith.andi %ne3A_67, %ne3A_62 : i1
    %add3A_69 = arith.addi %rem3A_60, %select_n3A_59 : i32
    %select_n3A_70 = arith.select %and3A_68, %add3A_69, %rem3A_60 : i32
    %mul3A_71 = arith.constant 8192 : i32
    %mul3A_72 = arith.muli %select_n3A_30, %mul3A_71 : i32
    %mul3A_73 = arith.constant 180 : i32
    %mul3A_74 = arith.muli %mul3A_72, %mul3A_73 : i32
    %mul3A_75 = arith.constant 23040 : i32
    %mul3A_76 = arith.muli %select_n3A, %mul3A_75 : i32
    %dma_start3A = tpu.memref_slice %arg2[%mul3A_76] : memref<368640xf32, #tpu.memory_space<hbm>> -> memref<23040xf32, #tpu.memory_space<hbm>>
    %dma_start3A_77 = tpu.memref_slice %arg2[%mul3A_76] : memref<368640xf32, #tpu.memory_space<hbm>> -> memref<23040xf32, #tpu.memory_space<hbm>>
    tpu.enqueue_dma source(%dma_start3A_77 : memref<23040xf32, #tpu.memory_space<hbm>>) target(%arg5 : memref<23040xf32, #tpu.memory_space<vmem>>) target_semaphore(%arg8 : memref<!tpu.dma_semaphore, #tpu.memory_space<semaphore_mem>>)
    %dma_start3A_78 = arith.constant 0 : i32
    %dma_start3A_79 = arith.constant 0 : i32
    %dma_start3A_80 = tpu.memref_slice %arg6[%dma_start3A_78, %dma_start3A_79] : memref<2x23040xf32, #tpu.memory_space<vmem>> -> memref<1x23040xf32, #tpu.memory_space<vmem>>
    %dma_start3A_81 = tpu.memref_squeeze %dma_start3A_80 : memref<1x23040xf32, #tpu.memory_space<vmem>> -> memref<23040xf32, #tpu.memory_space<vmem>>
    %dma_start3A_82 = tpu.memref_slice %arg3[%mul3A_74] : memref<2949120xf32, #tpu.memory_space<hbm>> -> memref<23040xf32, #tpu.memory_space<hbm>>
    %dma_start3A_83 = arith.constant 0 : i32
    %dma_start3A_84 = tpu.memref_slice %arg6[%dma_start3A_78, %dma_start3A_83] : memref<2x23040xf32, #tpu.memory_space<vmem>> -> memref<1x23040xf32, #tpu.memory_space<vmem>>
    %dma_start3A_85 = tpu.memref_squeeze %dma_start3A_84 : memref<1x23040xf32, #tpu.memory_space<vmem>> -> memref<23040xf32, #tpu.memory_space<vmem>>
    %dma_start3A_86 = tpu.memref_slice %arg3[%mul3A_74] : memref<2949120xf32, #tpu.memory_space<hbm>> -> memref<23040xf32, #tpu.memory_space<hbm>>
    tpu.enqueue_dma source(%dma_start3A_86 : memref<23040xf32, #tpu.memory_space<hbm>>) target(%dma_start3A_85 : memref<23040xf32, #tpu.memory_space<vmem>>) target_semaphore(%arg9 : memref<!tpu.dma_semaphore, #tpu.memory_space<semaphore_mem>>)
    %dma_wait3A = tpu.memref_slice %arg2[%mul3A_76] : memref<368640xf32, #tpu.memory_space<hbm>> -> memref<23040xf32, #tpu.memory_space<hbm>>
    %dma_wait3A_87 = tpu.memref_slice %arg2[%mul3A_76] : memref<368640xf32, #tpu.memory_space<hbm>> -> memref<23040xf32, #tpu.memory_space<hbm>>
    tpu.wait_dma2 semaphore(%arg8 : memref<!tpu.dma_semaphore, #tpu.memory_space<semaphore_mem>>) src(%dma_wait3A_87 : memref<23040xf32, #tpu.memory_space<hbm>>) dst(%arg5 : memref<23040xf32, #tpu.memory_space<vmem>>)
    %iota3A = tpu.iota {dimensions = array<i32: 0>} : vector<16xi32>
    %add3A_88 = arith.constant 0 : i32
    %add3A_89 = vector.broadcast %add3A_88 : i32 to vector<16xi32>
    %add3A_90 = arith.addi %iota3A, %add3A_89 : vector<16xi32>
    %add3A_91 = arith.constant 16 : i32
    %add3A_92 = vector.broadcast %add3A_91 : i32 to vector<16xi32>
    %add3A_93 = arith.addi %iota3A, %add3A_92 : vector<16xi32>
    %add3A_94 = arith.constant 32 : i32
    %add3A_95 = vector.broadcast %add3A_94 : i32 to vector<16xi32>
    %add3A_96 = arith.addi %iota3A, %add3A_95 : vector<16xi32>
    %add3A_97 = arith.constant 48 : i32
    %add3A_98 = vector.broadcast %add3A_97 : i32 to vector<16xi32>
    %add3A_99 = arith.addi %iota3A, %add3A_98 : vector<16xi32>
    %add3A_100 = arith.constant 64 : i32
    %add3A_101 = vector.broadcast %add3A_100 : i32 to vector<16xi32>
    %add3A_102 = arith.addi %iota3A, %add3A_101 : vector<16xi32>
    %add3A_103 = arith.constant 80 : i32
    %add3A_104 = vector.broadcast %add3A_103 : i32 to vector<16xi32>
    %add3A_105 = arith.addi %iota3A, %add3A_104 : vector<16xi32>
    %add3A_106 = arith.constant 96 : i32
    %add3A_107 = vector.broadcast %add3A_106 : i32 to vector<16xi32>
    %add3A_108 = arith.addi %iota3A, %add3A_107 : vector<16xi32>
    %add3A_109 = arith.constant 112 : i32
    %add3A_110 = vector.broadcast %add3A_109 : i32 to vector<16xi32>
    %add3A_111 = arith.addi %iota3A, %add3A_110 : vector<16xi32>
    %add3A_112 = arith.constant 128 : i32
    %add3A_113 = vector.broadcast %add3A_112 : i32 to vector<16xi32>
    %add3A_114 = arith.addi %iota3A, %add3A_113 : vector<16xi32>
    %add3A_115 = arith.constant 144 : i32
    %add3A_116 = vector.broadcast %add3A_115 : i32 to vector<16xi32>
    %add3A_117 = arith.addi %iota3A, %add3A_116 : vector<16xi32>
    %add3A_118 = arith.constant 160 : i32
    %add3A_119 = vector.broadcast %add3A_118 : i32 to vector<16xi32>
    %add3A_120 = arith.addi %iota3A, %add3A_119 : vector<16xi32>
    %add3A_121 = arith.constant 164 : i32
    %add3A_122 = vector.broadcast %add3A_121 : i32 to vector<16xi32>
    %add3A_123 = arith.addi %iota3A, %add3A_122 : vector<16xi32>
    %scan3A = arith.constant 0 : i32
    %scan3A_124 = arith.constant 0 : i32
    %scan3A_125 = arith.constant 32 : i32
    %scan3A_126 = arith.addi %scan3A_124, %scan3A_125 : i32
    %scan3A_127 = arith.constant 1 : i32
    scf.for %scan3A_163 = %scan3A_124 to %scan3A_126 step %scan3A_127  : i32 {
      %mul3A_164 = arith.constant 2 : i32
      %mul3A_165 = arith.muli %scan3A_163, %mul3A_164 : i32
      %add3A_166 = arith.constant 0 : i32
      %add3A_167 = arith.addi %mul3A_165, %add3A_166 : i32
      %mul3A_168 = arith.constant 23040 : i32
      %mul3A_169 = arith.muli %add3A_167, %mul3A_168 : i32
      %add3A_170 = arith.addi %mul3A_74, %mul3A_169 : i32
      %mul3A_171 = arith.constant 128 : i32
      %mul3A_172 = arith.muli %add3A_167, %mul3A_171 : i32
      %add3A_173 = arith.addi %mul3A_72, %mul3A_172 : i32
      %add3A_174 = arith.constant 1 : i32
      %add3A_175 = arith.addi %add3A_167, %add3A_174 : i32
      %lt3A_176 = arith.constant 64 : i32
      %lt3A_177 = arith.cmpi slt, %add3A_175, %lt3A_176 : i32
      %convert_element_type3A = arith.extui %lt3A_177 : i1 to i32
      %cond3A = arith.constant 0 : i32
      %cond3A_178 = arith.cmpi ne, %convert_element_type3A, %cond3A : i32
      scf.if %cond3A_178 {
        %add3A_258 = arith.constant 23040 : i32
        %add3A_259 = arith.addi %add3A_170, %add3A_258 : i32
        %dma_start3A_260 = arith.constant 1 : i32
        %dma_start3A_261 = arith.constant 0 : i32
        %dma_start3A_262 = tpu.memref_slice %arg6[%dma_start3A_260, %dma_start3A_261] : memref<2x23040xf32, #tpu.memory_space<vmem>> -> memref<1x23040xf32, #tpu.memory_space<vmem>>
        %dma_start3A_263 = tpu.memref_squeeze %dma_start3A_262 : memref<1x23040xf32, #tpu.memory_space<vmem>> -> memref<23040xf32, #tpu.memory_space<vmem>>
        %dma_start3A_264 = tpu.memref_slice %arg3[%add3A_259] : memref<2949120xf32, #tpu.memory_space<hbm>> -> memref<23040xf32, #tpu.memory_space<hbm>>
        %dma_start3A_265 = arith.constant 0 : i32
        %dma_start3A_266 = tpu.memref_slice %arg6[%dma_start3A_260, %dma_start3A_265] : memref<2x23040xf32, #tpu.memory_space<vmem>> -> memref<1x23040xf32, #tpu.memory_space<vmem>>
        %dma_start3A_267 = tpu.memref_squeeze %dma_start3A_266 : memref<1x23040xf32, #tpu.memory_space<vmem>> -> memref<23040xf32, #tpu.memory_space<vmem>>
        %dma_start3A_268 = tpu.memref_slice %arg3[%add3A_259] : memref<2949120xf32, #tpu.memory_space<hbm>> -> memref<23040xf32, #tpu.memory_space<hbm>>
        tpu.enqueue_dma source(%dma_start3A_268 : memref<23040xf32, #tpu.memory_space<hbm>>) target(%dma_start3A_267 : memref<23040xf32, #tpu.memory_space<vmem>>) target_semaphore(%arg10 : memref<!tpu.dma_semaphore, #tpu.memory_space<semaphore_mem>>)
      } else {
      }
      %dma_wait3A_179 = arith.constant 0 : i32
      %dma_wait3A_180 = arith.constant 0 : i32
      %dma_wait3A_181 = tpu.memref_slice %arg6[%dma_wait3A_179, %dma_wait3A_180] : memref<2x23040xf32, #tpu.memory_space<vmem>> -> memref<1x23040xf32, #tpu.memory_space<vmem>>
      %dma_wait3A_182 = tpu.memref_squeeze %dma_wait3A_181 : memref<1x23040xf32, #tpu.memory_space<vmem>> -> memref<23040xf32, #tpu.memory_space<vmem>>
      %dma_wait3A_183 = tpu.memref_slice %arg3[%add3A_170] : memref<2949120xf32, #tpu.memory_space<hbm>> -> memref<23040xf32, #tpu.memory_space<hbm>>
      %dma_wait3A_184 = arith.constant 0 : i32
      %dma_wait3A_185 = tpu.memref_slice %arg6[%dma_wait3A_179, %dma_wait3A_184] : memref<2x23040xf32, #tpu.memory_space<vmem>> -> memref<1x23040xf32, #tpu.memory_space<vmem>>
      %dma_wait3A_186 = tpu.memref_squeeze %dma_wait3A_185 : memref<1x23040xf32, #tpu.memory_space<vmem>> -> memref<23040xf32, #tpu.memory_space<vmem>>
      %dma_wait3A_187 = tpu.memref_slice %arg3[%add3A_170] : memref<2949120xf32, #tpu.memory_space<hbm>> -> memref<23040xf32, #tpu.memory_space<hbm>>
      tpu.wait_dma2 semaphore(%arg9 : memref<!tpu.dma_semaphore, #tpu.memory_space<semaphore_mem>>) src(%dma_wait3A_187 : memref<23040xf32, #tpu.memory_space<hbm>>) dst(%dma_wait3A_186 : memref<23040xf32, #tpu.memory_space<vmem>>)
      %ge3A = arith.constant 2 : i32
      %ge3A_188 = arith.cmpi sge, %add3A_167, %ge3A : i32
      %convert_element_type3A_189 = arith.extui %ge3A_188 : i1 to i32
      %cond3A_190 = arith.constant 0 : i32
      %cond3A_191 = arith.cmpi ne, %convert_element_type3A_189, %cond3A_190 : i32
      scf.if %cond3A_191 {
        %sub3A_258 = arith.constant 256 : i32
        %sub3A_259 = arith.subi %add3A_173, %sub3A_258 : i32
        %dma_wait3A_260 = arith.constant 0 : i32
        %dma_wait3A_261 = arith.constant 0 : i32
        %dma_wait3A_262 = arith.constant 0 : i32
        %dma_wait3A_263 = tpu.memref_slice %arg7[%dma_wait3A_260, %dma_wait3A_261, %dma_wait3A_262] : memref<2x180x129xf32, #tpu.memory_space<vmem>> -> memref<1x180x128xf32, #tpu.memory_space<vmem>>
        %dma_wait3A_264 = tpu.memref_squeeze %dma_wait3A_263 : memref<1x180x128xf32, #tpu.memory_space<vmem>> -> memref<180x128xf32, #tpu.memory_space<vmem>>
        %dma_wait3A_265 = arith.constant 0 : i32
        %dma_wait3A_266 = tpu.memref_slice %arg4[%select_n3A_54, %dma_wait3A_265, %select_n3A_70, %sub3A_259] : memref<2x180x8x16384xf32, #tpu.memory_space<hbm>> -> memref<1x180x1x128xf32, #tpu.memory_space<hbm>>
        %dma_wait3A_267 = tpu.memref_squeeze %dma_wait3A_266 : memref<1x180x1x128xf32, #tpu.memory_space<hbm>> -> memref<180x128xf32, #tpu.memory_space<hbm>>
        %dma_wait3A_268 = arith.constant 0 : i32
        %dma_wait3A_269 = tpu.memref_slice %arg4[%select_n3A_54, %dma_wait3A_268, %select_n3A_70, %sub3A_259] : memref<2x180x8x16384xf32, #tpu.memory_space<hbm>> -> memref<1x180x1x128xf32, #tpu.memory_space<hbm>>
        %dma_wait3A_270 = tpu.memref_squeeze %dma_wait3A_269 : memref<1x180x1x128xf32, #tpu.memory_space<hbm>> -> memref<180x128xf32, #tpu.memory_space<hbm>>
        %dma_wait3A_271 = arith.constant 0 : i32
        %dma_wait3A_272 = arith.constant 0 : i32
        %dma_wait3A_273 = tpu.memref_slice %arg7[%dma_wait3A_260, %dma_wait3A_271, %dma_wait3A_272] : memref<2x180x129xf32, #tpu.memory_space<vmem>> -> memref<1x180x128xf32, #tpu.memory_space<vmem>>
        %dma_wait3A_274 = tpu.memref_squeeze %dma_wait3A_273 : memref<1x180x128xf32, #tpu.memory_space<vmem>> -> memref<180x128xf32, #tpu.memory_space<vmem>>
        tpu.wait_dma2 semaphore(%arg11 : memref<!tpu.dma_semaphore, #tpu.memory_space<semaphore_mem>>) src(%dma_wait3A_274 : memref<180x128xf32, #tpu.memory_space<vmem>>) dst(%dma_wait3A_270 : memref<180x128xf32, #tpu.memory_space<hbm>>)
      } else {
      }
      %parallel_loop3A = arith.constant 0 : i32
      %parallel_loop3A_192 = arith.constant 128 : i32
      %parallel_loop3A_193 = arith.constant 1 : i32
      scf.for %parallel_loop3A_258 = %parallel_loop3A to %parallel_loop3A_192 step %parallel_loop3A_193  : i32 {
        %parallel_loop3A_259 = arith.constant 180 : i32
        %parallel_loop3A_260 = arith.muli %parallel_loop3A_258, %parallel_loop3A_259 : i32
        %parallel_loop3A_261 = arith.constant 0 : i32
        %parallel_loop3A_262 = vector.broadcast %parallel_loop3A_261 : i32 to vector<16xi32>
        %parallel_loop3A_263 = vector.broadcast %parallel_loop3A_258 : i32 to vector<16xi32>
        %parallel_loop3A_264 = arith.addi %parallel_loop3A_262, %parallel_loop3A_263 : vector<16xi32>
        %parallel_loop3A_265 = arith.constant 0 : i32
        %parallel_loop3A_266 = arith.addi %parallel_loop3A_260, %parallel_loop3A_265 : i32
        %parallel_loop3A_267 = arith.constant 0 : i32
        %parallel_loop3A_268 = arith.index_cast %parallel_loop3A_267 : i32 to index
        %parallel_loop3A_269 = arith.index_cast %parallel_loop3A_266 : i32 to index
        %parallel_loop3A_270 = tpu.vector_load %arg6[%parallel_loop3A_268, %parallel_loop3A_269] {strides = array<i32>} : memref<2x23040xf32, #tpu.memory_space<vmem>>, vector<16xf32>,
        %parallel_loop3A_271 = arith.constant 0x4B000000 : f32
        %parallel_loop3A_272 = vector.broadcast %parallel_loop3A_271 : f32 to vector<16xf32>
        %parallel_loop3A_273 = arith.addf %parallel_loop3A_270, %parallel_loop3A_272 : vector<16xf32>
        %parallel_loop3A_274 = vector.bitcast %parallel_loop3A_273 : vector<16xf32> to vector<16xi32>
        %parallel_loop3A_275 = arith.constant 8388607 : i32
        %parallel_loop3A_276 = vector.broadcast %parallel_loop3A_275 : i32 to vector<16xi32>
        %parallel_loop3A_277 = arith.andi %parallel_loop3A_274, %parallel_loop3A_276 : vector<16xi32>
        %parallel_loop3A_278 = arith.constant 23039 : i32
        %parallel_loop3A_279 = vector.broadcast %parallel_loop3A_278 : i32 to vector<16xi32>
        %parallel_loop3A_280 = arith.minsi %parallel_loop3A_277, %parallel_loop3A_279 : vector<16xi32>
        %parallel_loop3A_281 = tpu.vector_load_idx %arg5[%parallel_loop3A_280] : memref<23040xf32, #tpu.memory_space<vmem>>[vector<16xi32>], vector<16xf32>,
        %parallel_loop3A_282 = arith.constant 0 : i32
        %parallel_loop3A_283 = arith.constant 0 : i32
        %parallel_loop3A_284 = arith.constant 0 : i32
        %parallel_loop3A_285 = tpu.memref_slice %arg7[%parallel_loop3A_282, %parallel_loop3A_283, %parallel_loop3A_284] : memref<2x180x129xf32, #tpu.memory_space<vmem>> -> memref<1x180x129xf32, #tpu.memory_space<vmem>>
        %parallel_loop3A_286 = tpu.memref_squeeze %parallel_loop3A_285 : memref<1x180x129xf32, #tpu.memory_space<vmem>> -> memref<180x129xf32, #tpu.memory_space<vmem>>
        tpu.vector_store_idx %parallel_loop3A_286[%add3A_90, %parallel_loop3A_264], %parallel_loop3A_281 : memref<180x129xf32, #tpu.memory_space<vmem>>[vector<16xi32>, vector<16xi32>], vector<16xf32>,
        %parallel_loop3A_287 = arith.constant 16 : i32
        %parallel_loop3A_288 = arith.addi %parallel_loop3A_260, %parallel_loop3A_287 : i32
        %parallel_loop3A_289 = arith.constant 0 : i32
        %parallel_loop3A_290 = arith.index_cast %parallel_loop3A_289 : i32 to index
        %parallel_loop3A_291 = arith.index_cast %parallel_loop3A_288 : i32 to index
        %parallel_loop3A_292 = tpu.vector_load %arg6[%parallel_loop3A_290, %parallel_loop3A_291] {strides = array<i32>} : memref<2x23040xf32, #tpu.memory_space<vmem>>, vector<16xf32>,
        %parallel_loop3A_293 = arith.constant 0x4B000000 : f32
        %parallel_loop3A_294 = vector.broadcast %parallel_loop3A_293 : f32 to vector<16xf32>
        %parallel_loop3A_295 = arith.addf %parallel_loop3A_292, %parallel_loop3A_294 : vector<16xf32>
        %parallel_loop3A_296 = vector.bitcast %parallel_loop3A_295 : vector<16xf32> to vector<16xi32>
        %parallel_loop3A_297 = arith.constant 8388607 : i32
        %parallel_loop3A_298 = vector.broadcast %parallel_loop3A_297 : i32 to vector<16xi32>
        %parallel_loop3A_299 = arith.andi %parallel_loop3A_296, %parallel_loop3A_298 : vector<16xi32>
        %parallel_loop3A_300 = arith.constant 23039 : i32
        %parallel_loop3A_301 = vector.broadcast %parallel_loop3A_300 : i32 to vector<16xi32>
        %parallel_loop3A_302 = arith.minsi %parallel_loop3A_299, %parallel_loop3A_301 : vector<16xi32>
        %parallel_loop3A_303 = tpu.vector_load_idx %arg5[%parallel_loop3A_302] : memref<23040xf32, #tpu.memory_space<vmem>>[vector<16xi32>], vector<16xf32>,
        %parallel_loop3A_304 = arith.constant 0 : i32
        %parallel_loop3A_305 = arith.constant 0 : i32
        %parallel_loop3A_306 = arith.constant 0 : i32
        %parallel_loop3A_307 = tpu.memref_slice %arg7[%parallel_loop3A_304, %parallel_loop3A_305, %parallel_loop3A_306] : memref<2x180x129xf32, #tpu.memory_space<vmem>> -> memref<1x180x129xf32, #tpu.memory_space<vmem>>
        %parallel_loop3A_308 = tpu.memref_squeeze %parallel_loop3A_307 : memref<1x180x129xf32, #tpu.memory_space<vmem>> -> memref<180x129xf32, #tpu.memory_space<vmem>>
        tpu.vector_store_idx %parallel_loop3A_308[%add3A_93, %parallel_loop3A_264], %parallel_loop3A_303 : memref<180x129xf32, #tpu.memory_space<vmem>>[vector<16xi32>, vector<16xi32>], vector<16xf32>,
        %parallel_loop3A_309 = arith.constant 32 : i32
        %parallel_loop3A_310 = arith.addi %parallel_loop3A_260, %parallel_loop3A_309 : i32
        %parallel_loop3A_311 = arith.constant 0 : i32
        %parallel_loop3A_312 = arith.index_cast %parallel_loop3A_311 : i32 to index
        %parallel_loop3A_313 = arith.index_cast %parallel_loop3A_310 : i32 to index
        %parallel_loop3A_314 = tpu.vector_load %arg6[%parallel_loop3A_312, %parallel_loop3A_313] {strides = array<i32>} : memref<2x23040xf32, #tpu.memory_space<vmem>>, vector<16xf32>,
        %parallel_loop3A_315 = arith.constant 0x4B000000 : f32
        %parallel_loop3A_316 = vector.broadcast %parallel_loop3A_315 : f32 to vector<16xf32>
        %parallel_loop3A_317 = arith.addf %parallel_loop3A_314, %parallel_loop3A_316 : vector<16xf32>
        %parallel_loop3A_318 = vector.bitcast %parallel_loop3A_317 : vector<16xf32> to vector<16xi32>
        %parallel_loop3A_319 = arith.constant 8388607 : i32
        %parallel_loop3A_320 = vector.broadcast %parallel_loop3A_319 : i32 to vector<16xi32>
        %parallel_loop3A_321 = arith.andi %parallel_loop3A_318, %parallel_loop3A_320 : vector<16xi32>
        %parallel_loop3A_322 = arith.constant 23039 : i32
        %parallel_loop3A_323 = vector.broadcast %parallel_loop3A_322 : i32 to vector<16xi32>
        %parallel_loop3A_324 = arith.minsi %parallel_loop3A_321, %parallel_loop3A_323 : vector<16xi32>
        %parallel_loop3A_325 = tpu.vector_load_idx %arg5[%parallel_loop3A_324] : memref<23040xf32, #tpu.memory_space<vmem>>[vector<16xi32>], vector<16xf32>,
        %parallel_loop3A_326 = arith.constant 0 : i32
        %parallel_loop3A_327 = arith.constant 0 : i32
        %parallel_loop3A_328 = arith.constant 0 : i32
        %parallel_loop3A_329 = tpu.memref_slice %arg7[%parallel_loop3A_326, %parallel_loop3A_327, %parallel_loop3A_328] : memref<2x180x129xf32, #tpu.memory_space<vmem>> -> memref<1x180x129xf32, #tpu.memory_space<vmem>>
        %parallel_loop3A_330 = tpu.memref_squeeze %parallel_loop3A_329 : memref<1x180x129xf32, #tpu.memory_space<vmem>> -> memref<180x129xf32, #tpu.memory_space<vmem>>
        tpu.vector_store_idx %parallel_loop3A_330[%add3A_96, %parallel_loop3A_264], %parallel_loop3A_325 : memref<180x129xf32, #tpu.memory_space<vmem>>[vector<16xi32>, vector<16xi32>], vector<16xf32>,
        %parallel_loop3A_331 = arith.constant 48 : i32
        %parallel_loop3A_332 = arith.addi %parallel_loop3A_260, %parallel_loop3A_331 : i32
        %parallel_loop3A_333 = arith.constant 0 : i32
        %parallel_loop3A_334 = arith.index_cast %parallel_loop3A_333 : i32 to index
        %parallel_loop3A_335 = arith.index_cast %parallel_loop3A_332 : i32 to index
        %parallel_loop3A_336 = tpu.vector_load %arg6[%parallel_loop3A_334, %parallel_loop3A_335] {strides = array<i32>} : memref<2x23040xf32, #tpu.memory_space<vmem>>, vector<16xf32>,
        %parallel_loop3A_337 = arith.constant 0x4B000000 : f32
        %parallel_loop3A_338 = vector.broadcast %parallel_loop3A_337 : f32 to vector<16xf32>
        %parallel_loop3A_339 = arith.addf %parallel_loop3A_336, %parallel_loop3A_338 : vector<16xf32>
        %parallel_loop3A_340 = vector.bitcast %parallel_loop3A_339 : vector<16xf32> to vector<16xi32>
        %parallel_loop3A_341 = arith.constant 8388607 : i32
        %parallel_loop3A_342 = vector.broadcast %parallel_loop3A_341 : i32 to vector<16xi32>
        %parallel_loop3A_343 = arith.andi %parallel_loop3A_340, %parallel_loop3A_342 : vector<16xi32>
        %parallel_loop3A_344 = arith.constant 23039 : i32
        %parallel_loop3A_345 = vector.broadcast %parallel_loop3A_344 : i32 to vector<16xi32>
        %parallel_loop3A_346 = arith.minsi %parallel_loop3A_343, %parallel_loop3A_345 : vector<16xi32>
        %parallel_loop3A_347 = tpu.vector_load_idx %arg5[%parallel_loop3A_346] : memref<23040xf32, #tpu.memory_space<vmem>>[vector<16xi32>], vector<16xf32>,
        %parallel_loop3A_348 = arith.constant 0 : i32
        %parallel_loop3A_349 = arith.constant 0 : i32
        %parallel_loop3A_350 = arith.constant 0 : i32
        %parallel_loop3A_351 = tpu.memref_slice %arg7[%parallel_loop3A_348, %parallel_loop3A_349, %parallel_loop3A_350] : memref<2x180x129xf32, #tpu.memory_space<vmem>> -> memref<1x180x129xf32, #tpu.memory_space<vmem>>
        %parallel_loop3A_352 = tpu.memref_squeeze %parallel_loop3A_351 : memref<1x180x129xf32, #tpu.memory_space<vmem>> -> memref<180x129xf32, #tpu.memory_space<vmem>>
        tpu.vector_store_idx %parallel_loop3A_352[%add3A_99, %parallel_loop3A_264], %parallel_loop3A_347 : memref<180x129xf32, #tpu.memory_space<vmem>>[vector<16xi32>, vector<16xi32>], vector<16xf32>,
        %parallel_loop3A_353 = arith.constant 64 : i32
        %parallel_loop3A_354 = arith.addi %parallel_loop3A_260, %parallel_loop3A_353 : i32
        %parallel_loop3A_355 = arith.constant 0 : i32
        %parallel_loop3A_356 = arith.index_cast %parallel_loop3A_355 : i32 to index
        %parallel_loop3A_357 = arith.index_cast %parallel_loop3A_354 : i32 to index
        %parallel_loop3A_358 = tpu.vector_load %arg6[%parallel_loop3A_356, %parallel_loop3A_357] {strides = array<i32>} : memref<2x23040xf32, #tpu.memory_space<vmem>>, vector<16xf32>,
        %parallel_loop3A_359 = arith.constant 0x4B000000 : f32
        %parallel_loop3A_360 = vector.broadcast %parallel_loop3A_359 : f32 to vector<16xf32>
        %parallel_loop3A_361 = arith.addf %parallel_loop3A_358, %parallel_loop3A_360 : vector<16xf32>
        %parallel_loop3A_362 = vector.bitcast %parallel_loop3A_361 : vector<16xf32> to vector<16xi32>
        %parallel_loop3A_363 = arith.constant 8388607 : i32
        %parallel_loop3A_364 = vector.broadcast %parallel_loop3A_363 : i32 to vector<16xi32>
        %parallel_loop3A_365 = arith.andi %parallel_loop3A_362, %parallel_loop3A_364 : vector<16xi32>
        %parallel_loop3A_366 = arith.constant 23039 : i32
        %parallel_loop3A_367 = vector.broadcast %parallel_loop3A_366 : i32 to vector<16xi32>
        %parallel_loop3A_368 = arith.minsi %parallel_loop3A_365, %parallel_loop3A_367 : vector<16xi32>
        %parallel_loop3A_369 = tpu.vector_load_idx %arg5[%parallel_loop3A_368] : memref<23040xf32, #tpu.memory_space<vmem>>[vector<16xi32>], vector<16xf32>,
        %parallel_loop3A_370 = arith.constant 0 : i32
        %parallel_loop3A_371 = arith.constant 0 : i32
        %parallel_loop3A_372 = arith.constant 0 : i32
        %parallel_loop3A_373 = tpu.memref_slice %arg7[%parallel_loop3A_370, %parallel_loop3A_371, %parallel_loop3A_372] : memref<2x180x129xf32, #tpu.memory_space<vmem>> -> memref<1x180x129xf32, #tpu.memory_space<vmem>>
        %parallel_loop3A_374 = tpu.memref_squeeze %parallel_loop3A_373 : memref<1x180x129xf32, #tpu.memory_space<vmem>> -> memref<180x129xf32, #tpu.memory_space<vmem>>
        tpu.vector_store_idx %parallel_loop3A_374[%add3A_102, %parallel_loop3A_264], %parallel_loop3A_369 : memref<180x129xf32, #tpu.memory_space<vmem>>[vector<16xi32>, vector<16xi32>], vector<16xf32>,
        %parallel_loop3A_375 = arith.constant 80 : i32
        %parallel_loop3A_376 = arith.addi %parallel_loop3A_260, %parallel_loop3A_375 : i32
        %parallel_loop3A_377 = arith.constant 0 : i32
        %parallel_loop3A_378 = arith.index_cast %parallel_loop3A_377 : i32 to index
        %parallel_loop3A_379 = arith.index_cast %parallel_loop3A_376 : i32 to index
        %parallel_loop3A_380 = tpu.vector_load %arg6[%parallel_loop3A_378, %parallel_loop3A_379] {strides = array<i32>} : memref<2x23040xf32, #tpu.memory_space<vmem>>, vector<16xf32>,
        %parallel_loop3A_381 = arith.constant 0x4B000000 : f32
        %parallel_loop3A_382 = vector.broadcast %parallel_loop3A_381 : f32 to vector<16xf32>
        %parallel_loop3A_383 = arith.addf %parallel_loop3A_380, %parallel_loop3A_382 : vector<16xf32>
        %parallel_loop3A_384 = vector.bitcast %parallel_loop3A_383 : vector<16xf32> to vector<16xi32>
        %parallel_loop3A_385 = arith.constant 8388607 : i32
        %parallel_loop3A_386 = vector.broadcast %parallel_loop3A_385 : i32 to vector<16xi32>
        %parallel_loop3A_387 = arith.andi %parallel_loop3A_384, %parallel_loop3A_386 : vector<16xi32>
        %parallel_loop3A_388 = arith.constant 23039 : i32
        %parallel_loop3A_389 = vector.broadcast %parallel_loop3A_388 : i32 to vector<16xi32>
        %parallel_loop3A_390 = arith.minsi %parallel_loop3A_387, %parallel_loop3A_389 : vector<16xi32>
        %parallel_loop3A_391 = tpu.vector_load_idx %arg5[%parallel_loop3A_390] : memref<23040xf32, #tpu.memory_space<vmem>>[vector<16xi32>], vector<16xf32>,
        %parallel_loop3A_392 = arith.constant 0 : i32
        %parallel_loop3A_393 = arith.constant 0 : i32
        %parallel_loop3A_394 = arith.constant 0 : i32
        %parallel_loop3A_395 = tpu.memref_slice %arg7[%parallel_loop3A_392, %parallel_loop3A_393, %parallel_loop3A_394] : memref<2x180x129xf32, #tpu.memory_space<vmem>> -> memref<1x180x129xf32, #tpu.memory_space<vmem>>
        %parallel_loop3A_396 = tpu.memref_squeeze %parallel_loop3A_395 : memref<1x180x129xf32, #tpu.memory_space<vmem>> -> memref<180x129xf32, #tpu.memory_space<vmem>>
        tpu.vector_store_idx %parallel_loop3A_396[%add3A_105, %parallel_loop3A_264], %parallel_loop3A_391 : memref<180x129xf32, #tpu.memory_space<vmem>>[vector<16xi32>, vector<16xi32>], vector<16xf32>,
        %parallel_loop3A_397 = arith.constant 96 : i32
        %parallel_loop3A_398 = arith.addi %parallel_loop3A_260, %parallel_loop3A_397 : i32
        %parallel_loop3A_399 = arith.constant 0 : i32
        %parallel_loop3A_400 = arith.index_cast %parallel_loop3A_399 : i32 to index
        %parallel_loop3A_401 = arith.index_cast %parallel_loop3A_398 : i32 to index
        %parallel_loop3A_402 = tpu.vector_load %arg6[%parallel_loop3A_400, %parallel_loop3A_401] {strides = array<i32>} : memref<2x23040xf32, #tpu.memory_space<vmem>>, vector<16xf32>,
        %parallel_loop3A_403 = arith.constant 0x4B000000 : f32
        %parallel_loop3A_404 = vector.broadcast %parallel_loop3A_403 : f32 to vector<16xf32>
        %parallel_loop3A_405 = arith.addf %parallel_loop3A_402, %parallel_loop3A_404 : vector<16xf32>
        %parallel_loop3A_406 = vector.bitcast %parallel_loop3A_405 : vector<16xf32> to vector<16xi32>
        %parallel_loop3A_407 = arith.constant 8388607 : i32
        %parallel_loop3A_408 = vector.broadcast %parallel_loop3A_407 : i32 to vector<16xi32>
        %parallel_loop3A_409 = arith.andi %parallel_loop3A_406, %parallel_loop3A_408 : vector<16xi32>
        %parallel_loop3A_410 = arith.constant 23039 : i32
        %parallel_loop3A_411 = vector.broadcast %parallel_loop3A_410 : i32 to vector<16xi32>
        %parallel_loop3A_412 = arith.minsi %parallel_loop3A_409, %parallel_loop3A_411 : vector<16xi32>
        %parallel_loop3A_413 = tpu.vector_load_idx %arg5[%parallel_loop3A_412] : memref<23040xf32, #tpu.memory_space<vmem>>[vector<16xi32>], vector<16xf32>,
        %parallel_loop3A_414 = arith.constant 0 : i32
        %parallel_loop3A_415 = arith.constant 0 : i32
        %parallel_loop3A_416 = arith.constant 0 : i32
        %parallel_loop3A_417 = tpu.memref_slice %arg7[%parallel_loop3A_414, %parallel_loop3A_415, %parallel_loop3A_416] : memref<2x180x129xf32, #tpu.memory_space<vmem>> -> memref<1x180x129xf32, #tpu.memory_space<vmem>>
        %parallel_loop3A_418 = tpu.memref_squeeze %parallel_loop3A_417 : memref<1x180x129xf32, #tpu.memory_space<vmem>> -> memref<180x129xf32, #tpu.memory_space<vmem>>
        tpu.vector_store_idx %parallel_loop3A_418[%add3A_108, %parallel_loop3A_264], %parallel_loop3A_413 : memref<180x129xf32, #tpu.memory_space<vmem>>[vector<16xi32>, vector<16xi32>], vector<16xf32>,
        %parallel_loop3A_419 = arith.constant 112 : i32
        %parallel_loop3A_420 = arith.addi %parallel_loop3A_260, %parallel_loop3A_419 : i32
        %parallel_loop3A_421 = arith.constant 0 : i32
        %parallel_loop3A_422 = arith.index_cast %parallel_loop3A_421 : i32 to index
        %parallel_loop3A_423 = arith.index_cast %parallel_loop3A_420 : i32 to index
        %parallel_loop3A_424 = tpu.vector_load %arg6[%parallel_loop3A_422, %parallel_loop3A_423] {strides = array<i32>} : memref<2x23040xf32, #tpu.memory_space<vmem>>, vector<16xf32>,
        %parallel_loop3A_425 = arith.constant 0x4B000000 : f32
        %parallel_loop3A_426 = vector.broadcast %parallel_loop3A_425 : f32 to vector<16xf32>
        %parallel_loop3A_427 = arith.addf %parallel_loop3A_424, %parallel_loop3A_426 : vector<16xf32>
        %parallel_loop3A_428 = vector.bitcast %parallel_loop3A_427 : vector<16xf32> to vector<16xi32>
        %parallel_loop3A_429 = arith.constant 8388607 : i32
        %parallel_loop3A_430 = vector.broadcast %parallel_loop3A_429 : i32 to vector<16xi32>
        %parallel_loop3A_431 = arith.andi %parallel_loop3A_428, %parallel_loop3A_430 : vector<16xi32>
        %parallel_loop3A_432 = arith.constant 23039 : i32
        %parallel_loop3A_433 = vector.broadcast %parallel_loop3A_432 : i32 to vector<16xi32>
        %parallel_loop3A_434 = arith.minsi %parallel_loop3A_431, %parallel_loop3A_433 : vector<16xi32>
        %parallel_loop3A_435 = tpu.vector_load_idx %arg5[%parallel_loop3A_434] : memref<23040xf32, #tpu.memory_space<vmem>>[vector<16xi32>], vector<16xf32>,
        %parallel_loop3A_436 = arith.constant 0 : i32
        %parallel_loop3A_437 = arith.constant 0 : i32
        %parallel_loop3A_438 = arith.constant 0 : i32
        %parallel_loop3A_439 = tpu.memref_slice %arg7[%parallel_loop3A_436, %parallel_loop3A_437, %parallel_loop3A_438] : memref<2x180x129xf32, #tpu.memory_space<vmem>> -> memref<1x180x129xf32, #tpu.memory_space<vmem>>
        %parallel_loop3A_440 = tpu.memref_squeeze %parallel_loop3A_439 : memref<1x180x129xf32, #tpu.memory_space<vmem>> -> memref<180x129xf32, #tpu.memory_space<vmem>>
        tpu.vector_store_idx %parallel_loop3A_440[%add3A_111, %parallel_loop3A_264], %parallel_loop3A_435 : memref<180x129xf32, #tpu.memory_space<vmem>>[vector<16xi32>, vector<16xi32>], vector<16xf32>,
        %parallel_loop3A_441 = arith.constant 128 : i32
        %parallel_loop3A_442 = arith.addi %parallel_loop3A_260, %parallel_loop3A_441 : i32
        %parallel_loop3A_443 = arith.constant 0 : i32
        %parallel_loop3A_444 = arith.index_cast %parallel_loop3A_443 : i32 to index
        %parallel_loop3A_445 = arith.index_cast %parallel_loop3A_442 : i32 to index
        %parallel_loop3A_446 = tpu.vector_load %arg6[%parallel_loop3A_444, %parallel_loop3A_445] {strides = array<i32>} : memref<2x23040xf32, #tpu.memory_space<vmem>>, vector<16xf32>,
        %parallel_loop3A_447 = arith.constant 0x4B000000 : f32
        %parallel_loop3A_448 = vector.broadcast %parallel_loop3A_447 : f32 to vector<16xf32>
        %parallel_loop3A_449 = arith.addf %parallel_loop3A_446, %parallel_loop3A_448 : vector<16xf32>
        %parallel_loop3A_450 = vector.bitcast %parallel_loop3A_449 : vector<16xf32> to vector<16xi32>
        %parallel_loop3A_451 = arith.constant 8388607 : i32
        %parallel_loop3A_452 = vector.broadcast %parallel_loop3A_451 : i32 to vector<16xi32>
        %parallel_loop3A_453 = arith.andi %parallel_loop3A_450, %parallel_loop3A_452 : vector<16xi32>
        %parallel_loop3A_454 = arith.constant 23039 : i32
        %parallel_loop3A_455 = vector.broadcast %parallel_loop3A_454 : i32 to vector<16xi32>
        %parallel_loop3A_456 = arith.minsi %parallel_loop3A_453, %parallel_loop3A_455 : vector<16xi32>
        %parallel_loop3A_457 = tpu.vector_load_idx %arg5[%parallel_loop3A_456] : memref<23040xf32, #tpu.memory_space<vmem>>[vector<16xi32>], vector<16xf32>,
        %parallel_loop3A_458 = arith.constant 0 : i32
        %parallel_loop3A_459 = arith.constant 0 : i32
        %parallel_loop3A_460 = arith.constant 0 : i32
        %parallel_loop3A_461 = tpu.memref_slice %arg7[%parallel_loop3A_458, %parallel_loop3A_459, %parallel_loop3A_460] : memref<2x180x129xf32, #tpu.memory_space<vmem>> -> memref<1x180x129xf32, #tpu.memory_space<vmem>>
        %parallel_loop3A_462 = tpu.memref_squeeze %parallel_loop3A_461 : memref<1x180x129xf32, #tpu.memory_space<vmem>> -> memref<180x129xf32, #tpu.memory_space<vmem>>
        tpu.vector_store_idx %parallel_loop3A_462[%add3A_114, %parallel_loop3A_264], %parallel_loop3A_457 : memref<180x129xf32, #tpu.memory_space<vmem>>[vector<16xi32>, vector<16xi32>], vector<16xf32>,
        %parallel_loop3A_463 = arith.constant 144 : i32
        %parallel_loop3A_464 = arith.addi %parallel_loop3A_260, %parallel_loop3A_463 : i32
        %parallel_loop3A_465 = arith.constant 0 : i32
        %parallel_loop3A_466 = arith.index_cast %parallel_loop3A_465 : i32 to index
        %parallel_loop3A_467 = arith.index_cast %parallel_loop3A_464 : i32 to index
        %parallel_loop3A_468 = tpu.vector_load %arg6[%parallel_loop3A_466, %parallel_loop3A_467] {strides = array<i32>} : memref<2x23040xf32, #tpu.memory_space<vmem>>, vector<16xf32>,
        %parallel_loop3A_469 = arith.constant 0x4B000000 : f32
        %parallel_loop3A_470 = vector.broadcast %parallel_loop3A_469 : f32 to vector<16xf32>
        %parallel_loop3A_471 = arith.addf %parallel_loop3A_468, %parallel_loop3A_470 : vector<16xf32>
        %parallel_loop3A_472 = vector.bitcast %parallel_loop3A_471 : vector<16xf32> to vector<16xi32>
        %parallel_loop3A_473 = arith.constant 8388607 : i32
        %parallel_loop3A_474 = vector.broadcast %parallel_loop3A_473 : i32 to vector<16xi32>
        %parallel_loop3A_475 = arith.andi %parallel_loop3A_472, %parallel_loop3A_474 : vector<16xi32>
        %parallel_loop3A_476 = arith.constant 23039 : i32
        %parallel_loop3A_477 = vector.broadcast %parallel_loop3A_476 : i32 to vector<16xi32>
        %parallel_loop3A_478 = arith.minsi %parallel_loop3A_475, %parallel_loop3A_477 : vector<16xi32>
        %parallel_loop3A_479 = tpu.vector_load_idx %arg5[%parallel_loop3A_478] : memref<23040xf32, #tpu.memory_space<vmem>>[vector<16xi32>], vector<16xf32>,
        %parallel_loop3A_480 = arith.constant 0 : i32
        %parallel_loop3A_481 = arith.constant 0 : i32
        %parallel_loop3A_482 = arith.constant 0 : i32
        %parallel_loop3A_483 = tpu.memref_slice %arg7[%parallel_loop3A_480, %parallel_loop3A_481, %parallel_loop3A_482] : memref<2x180x129xf32, #tpu.memory_space<vmem>> -> memref<1x180x129xf32, #tpu.memory_space<vmem>>
        %parallel_loop3A_484 = tpu.memref_squeeze %parallel_loop3A_483 : memref<1x180x129xf32, #tpu.memory_space<vmem>> -> memref<180x129xf32, #tpu.memory_space<vmem>>
        tpu.vector_store_idx %parallel_loop3A_484[%add3A_117, %parallel_loop3A_264], %parallel_loop3A_479 : memref<180x129xf32, #tpu.memory_space<vmem>>[vector<16xi32>, vector<16xi32>], vector<16xf32>,
        %parallel_loop3A_485 = arith.constant 160 : i32
        %parallel_loop3A_486 = arith.addi %parallel_loop3A_260, %parallel_loop3A_485 : i32
        %parallel_loop3A_487 = arith.constant 0 : i32
        %parallel_loop3A_488 = arith.index_cast %parallel_loop3A_487 : i32 to index
        %parallel_loop3A_489 = arith.index_cast %parallel_loop3A_486 : i32 to index
        %parallel_loop3A_490 = tpu.vector_load %arg6[%parallel_loop3A_488, %parallel_loop3A_489] {strides = array<i32>} : memref<2x23040xf32, #tpu.memory_space<vmem>>, vector<16xf32>,
        %parallel_loop3A_491 = arith.constant 0x4B000000 : f32
        %parallel_loop3A_492 = vector.broadcast %parallel_loop3A_491 : f32 to vector<16xf32>
        %parallel_loop3A_493 = arith.addf %parallel_loop3A_490, %parallel_loop3A_492 : vector<16xf32>
        %parallel_loop3A_494 = vector.bitcast %parallel_loop3A_493 : vector<16xf32> to vector<16xi32>
        %parallel_loop3A_495 = arith.constant 8388607 : i32
        %parallel_loop3A_496 = vector.broadcast %parallel_loop3A_495 : i32 to vector<16xi32>
        %parallel_loop3A_497 = arith.andi %parallel_loop3A_494, %parallel_loop3A_496 : vector<16xi32>
        %parallel_loop3A_498 = arith.constant 23039 : i32
        %parallel_loop3A_499 = vector.broadcast %parallel_loop3A_498 : i32 to vector<16xi32>
        %parallel_loop3A_500 = arith.minsi %parallel_loop3A_497, %parallel_loop3A_499 : vector<16xi32>
        %parallel_loop3A_501 = tpu.vector_load_idx %arg5[%parallel_loop3A_500] : memref<23040xf32, #tpu.memory_space<vmem>>[vector<16xi32>], vector<16xf32>,
        %parallel_loop3A_502 = arith.constant 0 : i32
        %parallel_loop3A_503 = arith.constant 0 : i32
        %parallel_loop3A_504 = arith.constant 0 : i32
        %parallel_loop3A_505 = tpu.memref_slice %arg7[%parallel_loop3A_502, %parallel_loop3A_503, %parallel_loop3A_504] : memref<2x180x129xf32, #tpu.memory_space<vmem>> -> memref<1x180x129xf32, #tpu.memory_space<vmem>>
        %parallel_loop3A_506 = tpu.memref_squeeze %parallel_loop3A_505 : memref<1x180x129xf32, #tpu.memory_space<vmem>> -> memref<180x129xf32, #tpu.memory_space<vmem>>
        tpu.vector_store_idx %parallel_loop3A_506[%add3A_120, %parallel_loop3A_264], %parallel_loop3A_501 : memref<180x129xf32, #tpu.memory_space<vmem>>[vector<16xi32>, vector<16xi32>], vector<16xf32>,
        %parallel_loop3A_507 = arith.constant 164 : i32
        %parallel_loop3A_508 = arith.addi %parallel_loop3A_260, %parallel_loop3A_507 : i32
        %parallel_loop3A_509 = arith.constant 0 : i32
        %parallel_loop3A_510 = arith.index_cast %parallel_loop3A_509 : i32 to index
        %parallel_loop3A_511 = arith.index_cast %parallel_loop3A_508 : i32 to index
        %parallel_loop3A_512 = tpu.vector_load %arg6[%parallel_loop3A_510, %parallel_loop3A_511] {strides = array<i32>} : memref<2x23040xf32, #tpu.memory_space<vmem>>, vector<16xf32>,
        %parallel_loop3A_513 = arith.constant 0x4B000000 : f32
        %parallel_loop3A_514 = vector.broadcast %parallel_loop3A_513 : f32 to vector<16xf32>
        %parallel_loop3A_515 = arith.addf %parallel_loop3A_512, %parallel_loop3A_514 : vector<16xf32>
        %parallel_loop3A_516 = vector.bitcast %parallel_loop3A_515 : vector<16xf32> to vector<16xi32>
        %parallel_loop3A_517 = arith.constant 8388607 : i32
        %parallel_loop3A_518 = vector.broadcast %parallel_loop3A_517 : i32 to vector<16xi32>
        %parallel_loop3A_519 = arith.andi %parallel_loop3A_516, %parallel_loop3A_518 : vector<16xi32>
        %parallel_loop3A_520 = arith.constant 23039 : i32
        %parallel_loop3A_521 = vector.broadcast %parallel_loop3A_520 : i32 to vector<16xi32>
        %parallel_loop3A_522 = arith.minsi %parallel_loop3A_519, %parallel_loop3A_521 : vector<16xi32>
        %parallel_loop3A_523 = tpu.vector_load_idx %arg5[%parallel_loop3A_522] : memref<23040xf32, #tpu.memory_space<vmem>>[vector<16xi32>], vector<16xf32>,
        %parallel_loop3A_524 = arith.constant 0 : i32
        %parallel_loop3A_525 = arith.constant 0 : i32
        %parallel_loop3A_526 = arith.constant 0 : i32
        %parallel_loop3A_527 = tpu.memref_slice %arg7[%parallel_loop3A_524, %parallel_loop3A_525, %parallel_loop3A_526] : memref<2x180x129xf32, #tpu.memory_space<vmem>> -> memref<1x180x129xf32, #tpu.memory_space<vmem>>
        %parallel_loop3A_528 = tpu.memref_squeeze %parallel_loop3A_527 : memref<1x180x129xf32, #tpu.memory_space<vmem>> -> memref<180x129xf32, #tpu.memory_space<vmem>>
        tpu.vector_store_idx %parallel_loop3A_528[%add3A_123, %parallel_loop3A_264], %parallel_loop3A_523 : memref<180x129xf32, #tpu.memory_space<vmem>>[vector<16xi32>, vector<16xi32>], vector<16xf32>,
      } {sc.loop_unroll_factor = 2 : i64, sc.parallel_access}
      %dma_start3A_194 = arith.constant 0 : i32
      %dma_start3A_195 = arith.constant 0 : i32
      %dma_start3A_196 = arith.constant 0 : i32
      %dma_start3A_197 = tpu.memref_slice %arg7[%dma_start3A_194, %dma_start3A_195, %dma_start3A_196] : memref<2x180x129xf32, #tpu.memory_space<vmem>> -> memref<1x180x128xf32, #tpu.memory_space<vmem>>
      %dma_start3A_198 = tpu.memref_squeeze %dma_start3A_197 : memref<1x180x128xf32, #tpu.memory_space<vmem>> -> memref<180x128xf32, #tpu.memory_space<vmem>>
      %dma_start3A_199 = arith.constant 0 : i32
      %dma_start3A_200 = tpu.memref_slice %arg4[%select_n3A_54, %dma_start3A_199, %select_n3A_70, %add3A_173] : memref<2x180x8x16384xf32, #tpu.memory_space<hbm>> -> memref<1x180x1x128xf32, #tpu.memory_space<hbm>>
      %dma_start3A_201 = tpu.memref_squeeze %dma_start3A_200 : memref<1x180x1x128xf32, #tpu.memory_space<hbm>> -> memref<180x128xf32, #tpu.memory_space<hbm>>
      %dma_start3A_202 = arith.constant 0 : i32
      %dma_start3A_203 = tpu.memref_slice %arg4[%select_n3A_54, %dma_start3A_202, %select_n3A_70, %add3A_173] : memref<2x180x8x16384xf32, #tpu.memory_space<hbm>> -> memref<1x180x1x128xf32, #tpu.memory_space<hbm>>
      %dma_start3A_204 = tpu.memref_squeeze %dma_start3A_203 : memref<1x180x1x128xf32, #tpu.memory_space<hbm>> -> memref<180x128xf32, #tpu.memory_space<hbm>>
      %dma_start3A_205 = arith.constant 0 : i32
      %dma_start3A_206 = arith.constant 0 : i32
      %dma_start3A_207 = tpu.memref_slice %arg7[%dma_start3A_194, %dma_start3A_205, %dma_start3A_206] : memref<2x180x129xf32, #tpu.memory_space<vmem>> -> memref<1x180x128xf32, #tpu.memory_space<vmem>>
      %dma_start3A_208 = tpu.memref_squeeze %dma_start3A_207 : memref<1x180x128xf32, #tpu.memory_space<vmem>> -> memref<180x128xf32, #tpu.memory_space<vmem>>
      tpu.enqueue_dma source(%dma_start3A_208 : memref<180x128xf32, #tpu.memory_space<vmem>>) target(%dma_start3A_204 : memref<180x128xf32, #tpu.memory_space<hbm>>) target_semaphore(%arg11 : memref<!tpu.dma_semaphore, #tpu.memory_space<semaphore_mem>>)
      %mul3A_209 = arith.constant 2 : i32
      %mul3A_210 = arith.muli %scan3A_163, %mul3A_209 : i32
      %add3A_211 = arith.constant 1 : i32
      %add3A_212 = arith.addi %mul3A_210, %add3A_211 : i32
      %mul3A_213 = arith.constant 23040 : i32
      %mul3A_214 = arith.muli %add3A_212, %mul3A_213 : i32
      %add3A_215 = arith.addi %mul3A_74, %mul3A_214 : i32
      %mul3A_216 = arith.constant 128 : i32
      %mul3A_217 = arith.muli %add3A_212, %mul3A_216 : i32
      %add3A_218 = arith.addi %mul3A_72, %mul3A_217 : i32
      %add3A_219 = arith.constant 1 : i32
      %add3A_220 = arith.addi %add3A_212, %add3A_219 : i32
      %lt3A_221 = arith.constant 64 : i32
      %lt3A_222 = arith.cmpi slt, %add3A_220, %lt3A_221 : i32
      %convert_element_type3A_223 = arith.extui %lt3A_222 : i1 to i32
      %cond3A_224 = arith.constant 0 : i32
      %cond3A_225 = arith.cmpi ne, %convert_element_type3A_223, %cond3A_224 : i32
      scf.if %cond3A_225 {
        %add3A_258 = arith.constant 23040 : i32
        %add3A_259 = arith.addi %add3A_215, %add3A_258 : i32
        %dma_start3A_260 = arith.constant 0 : i32
        %dma_start3A_261 = arith.constant 0 : i32
        %dma_start3A_262 = tpu.memref_slice %arg6[%dma_start3A_260, %dma_start3A_261] : memref<2x23040xf32, #tpu.memory_space<vmem>> -> memref<1x23040xf32, #tpu.memory_space<vmem>>
        %dma_start3A_263 = tpu.memref_squeeze %dma_start3A_262 : memref<1x23040xf32, #tpu.memory_space<vmem>> -> memref<23040xf32, #tpu.memory_space<vmem>>
        %dma_start3A_264 = tpu.memref_slice %arg3[%add3A_259] : memref<2949120xf32, #tpu.memory_space<hbm>> -> memref<23040xf32, #tpu.memory_space<hbm>>
        %dma_start3A_265 = arith.constant 0 : i32
        %dma_start3A_266 = tpu.memref_slice %arg6[%dma_start3A_260, %dma_start3A_265] : memref<2x23040xf32, #tpu.memory_space<vmem>> -> memref<1x23040xf32, #tpu.memory_space<vmem>>
        %dma_start3A_267 = tpu.memref_squeeze %dma_start3A_266 : memref<1x23040xf32, #tpu.memory_space<vmem>> -> memref<23040xf32, #tpu.memory_space<vmem>>
        %dma_start3A_268 = tpu.memref_slice %arg3[%add3A_259] : memref<2949120xf32, #tpu.memory_space<hbm>> -> memref<23040xf32, #tpu.memory_space<hbm>>
        tpu.enqueue_dma source(%dma_start3A_268 : memref<23040xf32, #tpu.memory_space<hbm>>) target(%dma_start3A_267 : memref<23040xf32, #tpu.memory_space<vmem>>) target_semaphore(%arg9 : memref<!tpu.dma_semaphore, #tpu.memory_space<semaphore_mem>>)
      } else {
      }
      %dma_wait3A_226 = arith.constant 1 : i32
      %dma_wait3A_227 = arith.constant 0 : i32
      %dma_wait3A_228 = tpu.memref_slice %arg6[%dma_wait3A_226, %dma_wait3A_227] : memref<2x23040xf32, #tpu.memory_space<vmem>> -> memref<1x23040xf32, #tpu.memory_space<vmem>>
      %dma_wait3A_229 = tpu.memref_squeeze %dma_wait3A_228 : memref<1x23040xf32, #tpu.memory_space<vmem>> -> memref<23040xf32, #tpu.memory_space<vmem>>
      %dma_wait3A_230 = tpu.memref_slice %arg3[%add3A_215] : memref<2949120xf32, #tpu.memory_space<hbm>> -> memref<23040xf32, #tpu.memory_space<hbm>>
      %dma_wait3A_231 = arith.constant 0 : i32
      %dma_wait3A_232 = tpu.memref_slice %arg6[%dma_wait3A_226, %dma_wait3A_231] : memref<2x23040xf32, #tpu.memory_space<vmem>> -> memref<1x23040xf32, #tpu.memory_space<vmem>>
      %dma_wait3A_233 = tpu.memref_squeeze %dma_wait3A_232 : memref<1x23040xf32, #tpu.memory_space<vmem>> -> memref<23040xf32, #tpu.memory_space<vmem>>
      %dma_wait3A_234 = tpu.memref_slice %arg3[%add3A_215] : memref<2949120xf32, #tpu.memory_space<hbm>> -> memref<23040xf32, #tpu.memory_space<hbm>>
      tpu.wait_dma2 semaphore(%arg10 : memref<!tpu.dma_semaphore, #tpu.memory_space<semaphore_mem>>) src(%dma_wait3A_234 : memref<23040xf32, #tpu.memory_space<hbm>>) dst(%dma_wait3A_233 : memref<23040xf32, #tpu.memory_space<vmem>>)
      %ge3A_235 = arith.constant 2 : i32
      %ge3A_236 = arith.cmpi sge, %add3A_212, %ge3A_235 : i32
      %convert_element_type3A_237 = arith.extui %ge3A_236 : i1 to i32
      %cond3A_238 = arith.constant 0 : i32
      %cond3A_239 = arith.cmpi ne, %convert_element_type3A_237, %cond3A_238 : i32
      scf.if %cond3A_239 {
        %sub3A_258 = arith.constant 256 : i32
        %sub3A_259 = arith.subi %add3A_218, %sub3A_258 : i32
        %dma_wait3A_260 = arith.constant 1 : i32
        %dma_wait3A_261 = arith.constant 0 : i32
        %dma_wait3A_262 = arith.constant 0 : i32
        %dma_wait3A_263 = tpu.memref_slice %arg7[%dma_wait3A_260, %dma_wait3A_261, %dma_wait3A_262] : memref<2x180x129xf32, #tpu.memory_space<vmem>> -> memref<1x180x128xf32, #tpu.memory_space<vmem>>
        %dma_wait3A_264 = tpu.memref_squeeze %dma_wait3A_263 : memref<1x180x128xf32, #tpu.memory_space<vmem>> -> memref<180x128xf32, #tpu.memory_space<vmem>>
        %dma_wait3A_265 = arith.constant 0 : i32
        %dma_wait3A_266 = tpu.memref_slice %arg4[%select_n3A_54, %dma_wait3A_265, %select_n3A_70, %sub3A_259] : memref<2x180x8x16384xf32, #tpu.memory_space<hbm>> -> memref<1x180x1x128xf32, #tpu.memory_space<hbm>>
        %dma_wait3A_267 = tpu.memref_squeeze %dma_wait3A_266 : memref<1x180x1x128xf32, #tpu.memory_space<hbm>> -> memref<180x128xf32, #tpu.memory_space<hbm>>
        %dma_wait3A_268 = arith.constant 0 : i32
        %dma_wait3A_269 = tpu.memref_slice %arg4[%select_n3A_54, %dma_wait3A_268, %select_n3A_70, %sub3A_259] : memref<2x180x8x16384xf32, #tpu.memory_space<hbm>> -> memref<1x180x1x128xf32, #tpu.memory_space<hbm>>
        %dma_wait3A_270 = tpu.memref_squeeze %dma_wait3A_269 : memref<1x180x1x128xf32, #tpu.memory_space<hbm>> -> memref<180x128xf32, #tpu.memory_space<hbm>>
        %dma_wait3A_271 = arith.constant 0 : i32
        %dma_wait3A_272 = arith.constant 0 : i32
        %dma_wait3A_273 = tpu.memref_slice %arg7[%dma_wait3A_260, %dma_wait3A_271, %dma_wait3A_272] : memref<2x180x129xf32, #tpu.memory_space<vmem>> -> memref<1x180x128xf32, #tpu.memory_space<vmem>>
        %dma_wait3A_274 = tpu.memref_squeeze %dma_wait3A_273 : memref<1x180x128xf32, #tpu.memory_space<vmem>> -> memref<180x128xf32, #tpu.memory_space<vmem>>
        tpu.wait_dma2 semaphore(%arg12 : memref<!tpu.dma_semaphore, #tpu.memory_space<semaphore_mem>>) src(%dma_wait3A_274 : memref<180x128xf32, #tpu.memory_space<vmem>>) dst(%dma_wait3A_270 : memref<180x128xf32, #tpu.memory_space<hbm>>)
      } else {
      }
      %parallel_loop3A_240 = arith.constant 0 : i32
      %parallel_loop3A_241 = arith.constant 128 : i32
      %parallel_loop3A_242 = arith.constant 1 : i32
      scf.for %parallel_loop3A_258 = %parallel_loop3A_240 to %parallel_loop3A_241 step %parallel_loop3A_242  : i32 {
        %parallel_loop3A_259 = arith.constant 180 : i32
        %parallel_loop3A_260 = arith.muli %parallel_loop3A_258, %parallel_loop3A_259 : i32
        %parallel_loop3A_261 = arith.constant 0 : i32
        %parallel_loop3A_262 = vector.broadcast %parallel_loop3A_261 : i32 to vector<16xi32>
        %parallel_loop3A_263 = vector.broadcast %parallel_loop3A_258 : i32 to vector<16xi32>
        %parallel_loop3A_264 = arith.addi %parallel_loop3A_262, %parallel_loop3A_263 : vector<16xi32>
        %parallel_loop3A_265 = arith.constant 0 : i32
        %parallel_loop3A_266 = arith.addi %parallel_loop3A_260, %parallel_loop3A_265 : i32
        %parallel_loop3A_267 = arith.constant 1 : i32
        %parallel_loop3A_268 = arith.index_cast %parallel_loop3A_267 : i32 to index
        %parallel_loop3A_269 = arith.index_cast %parallel_loop3A_266 : i32 to index
        %parallel_loop3A_270 = tpu.vector_load %arg6[%parallel_loop3A_268, %parallel_loop3A_269] {strides = array<i32>} : memref<2x23040xf32, #tpu.memory_space<vmem>>, vector<16xf32>,
        %parallel_loop3A_271 = arith.constant 0x4B000000 : f32
        %parallel_loop3A_272 = vector.broadcast %parallel_loop3A_271 : f32 to vector<16xf32>
        %parallel_loop3A_273 = arith.addf %parallel_loop3A_270, %parallel_loop3A_272 : vector<16xf32>
        %parallel_loop3A_274 = vector.bitcast %parallel_loop3A_273 : vector<16xf32> to vector<16xi32>
        %parallel_loop3A_275 = arith.constant 8388607 : i32
        %parallel_loop3A_276 = vector.broadcast %parallel_loop3A_275 : i32 to vector<16xi32>
        %parallel_loop3A_277 = arith.andi %parallel_loop3A_274, %parallel_loop3A_276 : vector<16xi32>
        %parallel_loop3A_278 = arith.constant 23039 : i32
        %parallel_loop3A_279 = vector.broadcast %parallel_loop3A_278 : i32 to vector<16xi32>
        %parallel_loop3A_280 = arith.minsi %parallel_loop3A_277, %parallel_loop3A_279 : vector<16xi32>
        %parallel_loop3A_281 = tpu.vector_load_idx %arg5[%parallel_loop3A_280] : memref<23040xf32, #tpu.memory_space<vmem>>[vector<16xi32>], vector<16xf32>,
        %parallel_loop3A_282 = arith.constant 1 : i32
        %parallel_loop3A_283 = arith.constant 0 : i32
        %parallel_loop3A_284 = arith.constant 0 : i32
        %parallel_loop3A_285 = tpu.memref_slice %arg7[%parallel_loop3A_282, %parallel_loop3A_283, %parallel_loop3A_284] : memref<2x180x129xf32, #tpu.memory_space<vmem>> -> memref<1x180x129xf32, #tpu.memory_space<vmem>>
        %parallel_loop3A_286 = tpu.memref_squeeze %parallel_loop3A_285 : memref<1x180x129xf32, #tpu.memory_space<vmem>> -> memref<180x129xf32, #tpu.memory_space<vmem>>
        tpu.vector_store_idx %parallel_loop3A_286[%add3A_90, %parallel_loop3A_264], %parallel_loop3A_281 : memref<180x129xf32, #tpu.memory_space<vmem>>[vector<16xi32>, vector<16xi32>], vector<16xf32>,
        %parallel_loop3A_287 = arith.constant 16 : i32
        %parallel_loop3A_288 = arith.addi %parallel_loop3A_260, %parallel_loop3A_287 : i32
        %parallel_loop3A_289 = arith.constant 1 : i32
        %parallel_loop3A_290 = arith.index_cast %parallel_loop3A_289 : i32 to index
        %parallel_loop3A_291 = arith.index_cast %parallel_loop3A_288 : i32 to index
        %parallel_loop3A_292 = tpu.vector_load %arg6[%parallel_loop3A_290, %parallel_loop3A_291] {strides = array<i32>} : memref<2x23040xf32, #tpu.memory_space<vmem>>, vector<16xf32>,
        %parallel_loop3A_293 = arith.constant 0x4B000000 : f32
        %parallel_loop3A_294 = vector.broadcast %parallel_loop3A_293 : f32 to vector<16xf32>
        %parallel_loop3A_295 = arith.addf %parallel_loop3A_292, %parallel_loop3A_294 : vector<16xf32>
        %parallel_loop3A_296 = vector.bitcast %parallel_loop3A_295 : vector<16xf32> to vector<16xi32>
        %parallel_loop3A_297 = arith.constant 8388607 : i32
        %parallel_loop3A_298 = vector.broadcast %parallel_loop3A_297 : i32 to vector<16xi32>
        %parallel_loop3A_299 = arith.andi %parallel_loop3A_296, %parallel_loop3A_298 : vector<16xi32>
        %parallel_loop3A_300 = arith.constant 23039 : i32
        %parallel_loop3A_301 = vector.broadcast %parallel_loop3A_300 : i32 to vector<16xi32>
        %parallel_loop3A_302 = arith.minsi %parallel_loop3A_299, %parallel_loop3A_301 : vector<16xi32>
        %parallel_loop3A_303 = tpu.vector_load_idx %arg5[%parallel_loop3A_302] : memref<23040xf32, #tpu.memory_space<vmem>>[vector<16xi32>], vector<16xf32>,
        %parallel_loop3A_304 = arith.constant 1 : i32
        %parallel_loop3A_305 = arith.constant 0 : i32
        %parallel_loop3A_306 = arith.constant 0 : i32
        %parallel_loop3A_307 = tpu.memref_slice %arg7[%parallel_loop3A_304, %parallel_loop3A_305, %parallel_loop3A_306] : memref<2x180x129xf32, #tpu.memory_space<vmem>> -> memref<1x180x129xf32, #tpu.memory_space<vmem>>
        %parallel_loop3A_308 = tpu.memref_squeeze %parallel_loop3A_307 : memref<1x180x129xf32, #tpu.memory_space<vmem>> -> memref<180x129xf32, #tpu.memory_space<vmem>>
        tpu.vector_store_idx %parallel_loop3A_308[%add3A_93, %parallel_loop3A_264], %parallel_loop3A_303 : memref<180x129xf32, #tpu.memory_space<vmem>>[vector<16xi32>, vector<16xi32>], vector<16xf32>,
        %parallel_loop3A_309 = arith.constant 32 : i32
        %parallel_loop3A_310 = arith.addi %parallel_loop3A_260, %parallel_loop3A_309 : i32
        %parallel_loop3A_311 = arith.constant 1 : i32
        %parallel_loop3A_312 = arith.index_cast %parallel_loop3A_311 : i32 to index
        %parallel_loop3A_313 = arith.index_cast %parallel_loop3A_310 : i32 to index
        %parallel_loop3A_314 = tpu.vector_load %arg6[%parallel_loop3A_312, %parallel_loop3A_313] {strides = array<i32>} : memref<2x23040xf32, #tpu.memory_space<vmem>>, vector<16xf32>,
        %parallel_loop3A_315 = arith.constant 0x4B000000 : f32
        %parallel_loop3A_316 = vector.broadcast %parallel_loop3A_315 : f32 to vector<16xf32>
        %parallel_loop3A_317 = arith.addf %parallel_loop3A_314, %parallel_loop3A_316 : vector<16xf32>
        %parallel_loop3A_318 = vector.bitcast %parallel_loop3A_317 : vector<16xf32> to vector<16xi32>
        %parallel_loop3A_319 = arith.constant 8388607 : i32
        %parallel_loop3A_320 = vector.broadcast %parallel_loop3A_319 : i32 to vector<16xi32>
        %parallel_loop3A_321 = arith.andi %parallel_loop3A_318, %parallel_loop3A_320 : vector<16xi32>
        %parallel_loop3A_322 = arith.constant 23039 : i32
        %parallel_loop3A_323 = vector.broadcast %parallel_loop3A_322 : i32 to vector<16xi32>
        %parallel_loop3A_324 = arith.minsi %parallel_loop3A_321, %parallel_loop3A_323 : vector<16xi32>
        %parallel_loop3A_325 = tpu.vector_load_idx %arg5[%parallel_loop3A_324] : memref<23040xf32, #tpu.memory_space<vmem>>[vector<16xi32>], vector<16xf32>,
        %parallel_loop3A_326 = arith.constant 1 : i32
        %parallel_loop3A_327 = arith.constant 0 : i32
        %parallel_loop3A_328 = arith.constant 0 : i32
        %parallel_loop3A_329 = tpu.memref_slice %arg7[%parallel_loop3A_326, %parallel_loop3A_327, %parallel_loop3A_328] : memref<2x180x129xf32, #tpu.memory_space<vmem>> -> memref<1x180x129xf32, #tpu.memory_space<vmem>>
        %parallel_loop3A_330 = tpu.memref_squeeze %parallel_loop3A_329 : memref<1x180x129xf32, #tpu.memory_space<vmem>> -> memref<180x129xf32, #tpu.memory_space<vmem>>
        tpu.vector_store_idx %parallel_loop3A_330[%add3A_96, %parallel_loop3A_264], %parallel_loop3A_325 : memref<180x129xf32, #tpu.memory_space<vmem>>[vector<16xi32>, vector<16xi32>], vector<16xf32>,
        %parallel_loop3A_331 = arith.constant 48 : i32
        %parallel_loop3A_332 = arith.addi %parallel_loop3A_260, %parallel_loop3A_331 : i32
        %parallel_loop3A_333 = arith.constant 1 : i32
        %parallel_loop3A_334 = arith.index_cast %parallel_loop3A_333 : i32 to index
        %parallel_loop3A_335 = arith.index_cast %parallel_loop3A_332 : i32 to index
        %parallel_loop3A_336 = tpu.vector_load %arg6[%parallel_loop3A_334, %parallel_loop3A_335] {strides = array<i32>} : memref<2x23040xf32, #tpu.memory_space<vmem>>, vector<16xf32>,
        %parallel_loop3A_337 = arith.constant 0x4B000000 : f32
        %parallel_loop3A_338 = vector.broadcast %parallel_loop3A_337 : f32 to vector<16xf32>
        %parallel_loop3A_339 = arith.addf %parallel_loop3A_336, %parallel_loop3A_338 : vector<16xf32>
        %parallel_loop3A_340 = vector.bitcast %parallel_loop3A_339 : vector<16xf32> to vector<16xi32>
        %parallel_loop3A_341 = arith.constant 8388607 : i32
        %parallel_loop3A_342 = vector.broadcast %parallel_loop3A_341 : i32 to vector<16xi32>
        %parallel_loop3A_343 = arith.andi %parallel_loop3A_340, %parallel_loop3A_342 : vector<16xi32>
        %parallel_loop3A_344 = arith.constant 23039 : i32
        %parallel_loop3A_345 = vector.broadcast %parallel_loop3A_344 : i32 to vector<16xi32>
        %parallel_loop3A_346 = arith.minsi %parallel_loop3A_343, %parallel_loop3A_345 : vector<16xi32>
        %parallel_loop3A_347 = tpu.vector_load_idx %arg5[%parallel_loop3A_346] : memref<23040xf32, #tpu.memory_space<vmem>>[vector<16xi32>], vector<16xf32>,
        %parallel_loop3A_348 = arith.constant 1 : i32
        %parallel_loop3A_349 = arith.constant 0 : i32
        %parallel_loop3A_350 = arith.constant 0 : i32
        %parallel_loop3A_351 = tpu.memref_slice %arg7[%parallel_loop3A_348, %parallel_loop3A_349, %parallel_loop3A_350] : memref<2x180x129xf32, #tpu.memory_space<vmem>> -> memref<1x180x129xf32, #tpu.memory_space<vmem>>
        %parallel_loop3A_352 = tpu.memref_squeeze %parallel_loop3A_351 : memref<1x180x129xf32, #tpu.memory_space<vmem>> -> memref<180x129xf32, #tpu.memory_space<vmem>>
        tpu.vector_store_idx %parallel_loop3A_352[%add3A_99, %parallel_loop3A_264], %parallel_loop3A_347 : memref<180x129xf32, #tpu.memory_space<vmem>>[vector<16xi32>, vector<16xi32>], vector<16xf32>,
        %parallel_loop3A_353 = arith.constant 64 : i32
        %parallel_loop3A_354 = arith.addi %parallel_loop3A_260, %parallel_loop3A_353 : i32
        %parallel_loop3A_355 = arith.constant 1 : i32
        %parallel_loop3A_356 = arith.index_cast %parallel_loop3A_355 : i32 to index
        %parallel_loop3A_357 = arith.index_cast %parallel_loop3A_354 : i32 to index
        %parallel_loop3A_358 = tpu.vector_load %arg6[%parallel_loop3A_356, %parallel_loop3A_357] {strides = array<i32>} : memref<2x23040xf32, #tpu.memory_space<vmem>>, vector<16xf32>,
        %parallel_loop3A_359 = arith.constant 0x4B000000 : f32
        %parallel_loop3A_360 = vector.broadcast %parallel_loop3A_359 : f32 to vector<16xf32>
        %parallel_loop3A_361 = arith.addf %parallel_loop3A_358, %parallel_loop3A_360 : vector<16xf32>
        %parallel_loop3A_362 = vector.bitcast %parallel_loop3A_361 : vector<16xf32> to vector<16xi32>
        %parallel_loop3A_363 = arith.constant 8388607 : i32
        %parallel_loop3A_364 = vector.broadcast %parallel_loop3A_363 : i32 to vector<16xi32>
        %parallel_loop3A_365 = arith.andi %parallel_loop3A_362, %parallel_loop3A_364 : vector<16xi32>
        %parallel_loop3A_366 = arith.constant 23039 : i32
        %parallel_loop3A_367 = vector.broadcast %parallel_loop3A_366 : i32 to vector<16xi32>
        %parallel_loop3A_368 = arith.minsi %parallel_loop3A_365, %parallel_loop3A_367 : vector<16xi32>
        %parallel_loop3A_369 = tpu.vector_load_idx %arg5[%parallel_loop3A_368] : memref<23040xf32, #tpu.memory_space<vmem>>[vector<16xi32>], vector<16xf32>,
        %parallel_loop3A_370 = arith.constant 1 : i32
        %parallel_loop3A_371 = arith.constant 0 : i32
        %parallel_loop3A_372 = arith.constant 0 : i32
        %parallel_loop3A_373 = tpu.memref_slice %arg7[%parallel_loop3A_370, %parallel_loop3A_371, %parallel_loop3A_372] : memref<2x180x129xf32, #tpu.memory_space<vmem>> -> memref<1x180x129xf32, #tpu.memory_space<vmem>>
        %parallel_loop3A_374 = tpu.memref_squeeze %parallel_loop3A_373 : memref<1x180x129xf32, #tpu.memory_space<vmem>> -> memref<180x129xf32, #tpu.memory_space<vmem>>
        tpu.vector_store_idx %parallel_loop3A_374[%add3A_102, %parallel_loop3A_264], %parallel_loop3A_369 : memref<180x129xf32, #tpu.memory_space<vmem>>[vector<16xi32>, vector<16xi32>], vector<16xf32>,
        %parallel_loop3A_375 = arith.constant 80 : i32
        %parallel_loop3A_376 = arith.addi %parallel_loop3A_260, %parallel_loop3A_375 : i32
        %parallel_loop3A_377 = arith.constant 1 : i32
        %parallel_loop3A_378 = arith.index_cast %parallel_loop3A_377 : i32 to index
        %parallel_loop3A_379 = arith.index_cast %parallel_loop3A_376 : i32 to index
        %parallel_loop3A_380 = tpu.vector_load %arg6[%parallel_loop3A_378, %parallel_loop3A_379] {strides = array<i32>} : memref<2x23040xf32, #tpu.memory_space<vmem>>, vector<16xf32>,
        %parallel_loop3A_381 = arith.constant 0x4B000000 : f32
        %parallel_loop3A_382 = vector.broadcast %parallel_loop3A_381 : f32 to vector<16xf32>
        %parallel_loop3A_383 = arith.addf %parallel_loop3A_380, %parallel_loop3A_382 : vector<16xf32>
        %parallel_loop3A_384 = vector.bitcast %parallel_loop3A_383 : vector<16xf32> to vector<16xi32>
        %parallel_loop3A_385 = arith.constant 8388607 : i32
        %parallel_loop3A_386 = vector.broadcast %parallel_loop3A_385 : i32 to vector<16xi32>
        %parallel_loop3A_387 = arith.andi %parallel_loop3A_384, %parallel_loop3A_386 : vector<16xi32>
        %parallel_loop3A_388 = arith.constant 23039 : i32
        %parallel_loop3A_389 = vector.broadcast %parallel_loop3A_388 : i32 to vector<16xi32>
        %parallel_loop3A_390 = arith.minsi %parallel_loop3A_387, %parallel_loop3A_389 : vector<16xi32>
        %parallel_loop3A_391 = tpu.vector_load_idx %arg5[%parallel_loop3A_390] : memref<23040xf32, #tpu.memory_space<vmem>>[vector<16xi32>], vector<16xf32>,
        %parallel_loop3A_392 = arith.constant 1 : i32
        %parallel_loop3A_393 = arith.constant 0 : i32
        %parallel_loop3A_394 = arith.constant 0 : i32
        %parallel_loop3A_395 = tpu.memref_slice %arg7[%parallel_loop3A_392, %parallel_loop3A_393, %parallel_loop3A_394] : memref<2x180x129xf32, #tpu.memory_space<vmem>> -> memref<1x180x129xf32, #tpu.memory_space<vmem>>
        %parallel_loop3A_396 = tpu.memref_squeeze %parallel_loop3A_395 : memref<1x180x129xf32, #tpu.memory_space<vmem>> -> memref<180x129xf32, #tpu.memory_space<vmem>>
        tpu.vector_store_idx %parallel_loop3A_396[%add3A_105, %parallel_loop3A_264], %parallel_loop3A_391 : memref<180x129xf32, #tpu.memory_space<vmem>>[vector<16xi32>, vector<16xi32>], vector<16xf32>,
        %parallel_loop3A_397 = arith.constant 96 : i32
        %parallel_loop3A_398 = arith.addi %parallel_loop3A_260, %parallel_loop3A_397 : i32
        %parallel_loop3A_399 = arith.constant 1 : i32
        %parallel_loop3A_400 = arith.index_cast %parallel_loop3A_399 : i32 to index
        %parallel_loop3A_401 = arith.index_cast %parallel_loop3A_398 : i32 to index
        %parallel_loop3A_402 = tpu.vector_load %arg6[%parallel_loop3A_400, %parallel_loop3A_401] {strides = array<i32>} : memref<2x23040xf32, #tpu.memory_space<vmem>>, vector<16xf32>,
        %parallel_loop3A_403 = arith.constant 0x4B000000 : f32
        %parallel_loop3A_404 = vector.broadcast %parallel_loop3A_403 : f32 to vector<16xf32>
        %parallel_loop3A_405 = arith.addf %parallel_loop3A_402, %parallel_loop3A_404 : vector<16xf32>
        %parallel_loop3A_406 = vector.bitcast %parallel_loop3A_405 : vector<16xf32> to vector<16xi32>
        %parallel_loop3A_407 = arith.constant 8388607 : i32
        %parallel_loop3A_408 = vector.broadcast %parallel_loop3A_407 : i32 to vector<16xi32>
        %parallel_loop3A_409 = arith.andi %parallel_loop3A_406, %parallel_loop3A_408 : vector<16xi32>
        %parallel_loop3A_410 = arith.constant 23039 : i32
        %parallel_loop3A_411 = vector.broadcast %parallel_loop3A_410 : i32 to vector<16xi32>
        %parallel_loop3A_412 = arith.minsi %parallel_loop3A_409, %parallel_loop3A_411 : vector<16xi32>
        %parallel_loop3A_413 = tpu.vector_load_idx %arg5[%parallel_loop3A_412] : memref<23040xf32, #tpu.memory_space<vmem>>[vector<16xi32>], vector<16xf32>,
        %parallel_loop3A_414 = arith.constant 1 : i32
        %parallel_loop3A_415 = arith.constant 0 : i32
        %parallel_loop3A_416 = arith.constant 0 : i32
        %parallel_loop3A_417 = tpu.memref_slice %arg7[%parallel_loop3A_414, %parallel_loop3A_415, %parallel_loop3A_416] : memref<2x180x129xf32, #tpu.memory_space<vmem>> -> memref<1x180x129xf32, #tpu.memory_space<vmem>>
        %parallel_loop3A_418 = tpu.memref_squeeze %parallel_loop3A_417 : memref<1x180x129xf32, #tpu.memory_space<vmem>> -> memref<180x129xf32, #tpu.memory_space<vmem>>
        tpu.vector_store_idx %parallel_loop3A_418[%add3A_108, %parallel_loop3A_264], %parallel_loop3A_413 : memref<180x129xf32, #tpu.memory_space<vmem>>[vector<16xi32>, vector<16xi32>], vector<16xf32>,
        %parallel_loop3A_419 = arith.constant 112 : i32
        %parallel_loop3A_420 = arith.addi %parallel_loop3A_260, %parallel_loop3A_419 : i32
        %parallel_loop3A_421 = arith.constant 1 : i32
        %parallel_loop3A_422 = arith.index_cast %parallel_loop3A_421 : i32 to index
        %parallel_loop3A_423 = arith.index_cast %parallel_loop3A_420 : i32 to index
        %parallel_loop3A_424 = tpu.vector_load %arg6[%parallel_loop3A_422, %parallel_loop3A_423] {strides = array<i32>} : memref<2x23040xf32, #tpu.memory_space<vmem>>, vector<16xf32>,
        %parallel_loop3A_425 = arith.constant 0x4B000000 : f32
        %parallel_loop3A_426 = vector.broadcast %parallel_loop3A_425 : f32 to vector<16xf32>
        %parallel_loop3A_427 = arith.addf %parallel_loop3A_424, %parallel_loop3A_426 : vector<16xf32>
        %parallel_loop3A_428 = vector.bitcast %parallel_loop3A_427 : vector<16xf32> to vector<16xi32>
        %parallel_loop3A_429 = arith.constant 8388607 : i32
        %parallel_loop3A_430 = vector.broadcast %parallel_loop3A_429 : i32 to vector<16xi32>
        %parallel_loop3A_431 = arith.andi %parallel_loop3A_428, %parallel_loop3A_430 : vector<16xi32>
        %parallel_loop3A_432 = arith.constant 23039 : i32
        %parallel_loop3A_433 = vector.broadcast %parallel_loop3A_432 : i32 to vector<16xi32>
        %parallel_loop3A_434 = arith.minsi %parallel_loop3A_431, %parallel_loop3A_433 : vector<16xi32>
        %parallel_loop3A_435 = tpu.vector_load_idx %arg5[%parallel_loop3A_434] : memref<23040xf32, #tpu.memory_space<vmem>>[vector<16xi32>], vector<16xf32>,
        %parallel_loop3A_436 = arith.constant 1 : i32
        %parallel_loop3A_437 = arith.constant 0 : i32
        %parallel_loop3A_438 = arith.constant 0 : i32
        %parallel_loop3A_439 = tpu.memref_slice %arg7[%parallel_loop3A_436, %parallel_loop3A_437, %parallel_loop3A_438] : memref<2x180x129xf32, #tpu.memory_space<vmem>> -> memref<1x180x129xf32, #tpu.memory_space<vmem>>
        %parallel_loop3A_440 = tpu.memref_squeeze %parallel_loop3A_439 : memref<1x180x129xf32, #tpu.memory_space<vmem>> -> memref<180x129xf32, #tpu.memory_space<vmem>>
        tpu.vector_store_idx %parallel_loop3A_440[%add3A_111, %parallel_loop3A_264], %parallel_loop3A_435 : memref<180x129xf32, #tpu.memory_space<vmem>>[vector<16xi32>, vector<16xi32>], vector<16xf32>,
        %parallel_loop3A_441 = arith.constant 128 : i32
        %parallel_loop3A_442 = arith.addi %parallel_loop3A_260, %parallel_loop3A_441 : i32
        %parallel_loop3A_443 = arith.constant 1 : i32
        %parallel_loop3A_444 = arith.index_cast %parallel_loop3A_443 : i32 to index
        %parallel_loop3A_445 = arith.index_cast %parallel_loop3A_442 : i32 to index
        %parallel_loop3A_446 = tpu.vector_load %arg6[%parallel_loop3A_444, %parallel_loop3A_445] {strides = array<i32>} : memref<2x23040xf32, #tpu.memory_space<vmem>>, vector<16xf32>,
        %parallel_loop3A_447 = arith.constant 0x4B000000 : f32
        %parallel_loop3A_448 = vector.broadcast %parallel_loop3A_447 : f32 to vector<16xf32>
        %parallel_loop3A_449 = arith.addf %parallel_loop3A_446, %parallel_loop3A_448 : vector<16xf32>
        %parallel_loop3A_450 = vector.bitcast %parallel_loop3A_449 : vector<16xf32> to vector<16xi32>
        %parallel_loop3A_451 = arith.constant 8388607 : i32
        %parallel_loop3A_452 = vector.broadcast %parallel_loop3A_451 : i32 to vector<16xi32>
        %parallel_loop3A_453 = arith.andi %parallel_loop3A_450, %parallel_loop3A_452 : vector<16xi32>
        %parallel_loop3A_454 = arith.constant 23039 : i32
        %parallel_loop3A_455 = vector.broadcast %parallel_loop3A_454 : i32 to vector<16xi32>
        %parallel_loop3A_456 = arith.minsi %parallel_loop3A_453, %parallel_loop3A_455 : vector<16xi32>
        %parallel_loop3A_457 = tpu.vector_load_idx %arg5[%parallel_loop3A_456] : memref<23040xf32, #tpu.memory_space<vmem>>[vector<16xi32>], vector<16xf32>,
        %parallel_loop3A_458 = arith.constant 1 : i32
        %parallel_loop3A_459 = arith.constant 0 : i32
        %parallel_loop3A_460 = arith.constant 0 : i32
        %parallel_loop3A_461 = tpu.memref_slice %arg7[%parallel_loop3A_458, %parallel_loop3A_459, %parallel_loop3A_460] : memref<2x180x129xf32, #tpu.memory_space<vmem>> -> memref<1x180x129xf32, #tpu.memory_space<vmem>>
        %parallel_loop3A_462 = tpu.memref_squeeze %parallel_loop3A_461 : memref<1x180x129xf32, #tpu.memory_space<vmem>> -> memref<180x129xf32, #tpu.memory_space<vmem>>
        tpu.vector_store_idx %parallel_loop3A_462[%add3A_114, %parallel_loop3A_264], %parallel_loop3A_457 : memref<180x129xf32, #tpu.memory_space<vmem>>[vector<16xi32>, vector<16xi32>], vector<16xf32>,
        %parallel_loop3A_463 = arith.constant 144 : i32
        %parallel_loop3A_464 = arith.addi %parallel_loop3A_260, %parallel_loop3A_463 : i32
        %parallel_loop3A_465 = arith.constant 1 : i32
        %parallel_loop3A_466 = arith.index_cast %parallel_loop3A_465 : i32 to index
        %parallel_loop3A_467 = arith.index_cast %parallel_loop3A_464 : i32 to index
        %parallel_loop3A_468 = tpu.vector_load %arg6[%parallel_loop3A_466, %parallel_loop3A_467] {strides = array<i32>} : memref<2x23040xf32, #tpu.memory_space<vmem>>, vector<16xf32>,
        %parallel_loop3A_469 = arith.constant 0x4B000000 : f32
        %parallel_loop3A_470 = vector.broadcast %parallel_loop3A_469 : f32 to vector<16xf32>
        %parallel_loop3A_471 = arith.addf %parallel_loop3A_468, %parallel_loop3A_470 : vector<16xf32>
        %parallel_loop3A_472 = vector.bitcast %parallel_loop3A_471 : vector<16xf32> to vector<16xi32>
        %parallel_loop3A_473 = arith.constant 8388607 : i32
        %parallel_loop3A_474 = vector.broadcast %parallel_loop3A_473 : i32 to vector<16xi32>
        %parallel_loop3A_475 = arith.andi %parallel_loop3A_472, %parallel_loop3A_474 : vector<16xi32>
        %parallel_loop3A_476 = arith.constant 23039 : i32
        %parallel_loop3A_477 = vector.broadcast %parallel_loop3A_476 : i32 to vector<16xi32>
        %parallel_loop3A_478 = arith.minsi %parallel_loop3A_475, %parallel_loop3A_477 : vector<16xi32>
        %parallel_loop3A_479 = tpu.vector_load_idx %arg5[%parallel_loop3A_478] : memref<23040xf32, #tpu.memory_space<vmem>>[vector<16xi32>], vector<16xf32>,
        %parallel_loop3A_480 = arith.constant 1 : i32
        %parallel_loop3A_481 = arith.constant 0 : i32
        %parallel_loop3A_482 = arith.constant 0 : i32
        %parallel_loop3A_483 = tpu.memref_slice %arg7[%parallel_loop3A_480, %parallel_loop3A_481, %parallel_loop3A_482] : memref<2x180x129xf32, #tpu.memory_space<vmem>> -> memref<1x180x129xf32, #tpu.memory_space<vmem>>
        %parallel_loop3A_484 = tpu.memref_squeeze %parallel_loop3A_483 : memref<1x180x129xf32, #tpu.memory_space<vmem>> -> memref<180x129xf32, #tpu.memory_space<vmem>>
        tpu.vector_store_idx %parallel_loop3A_484[%add3A_117, %parallel_loop3A_264], %parallel_loop3A_479 : memref<180x129xf32, #tpu.memory_space<vmem>>[vector<16xi32>, vector<16xi32>], vector<16xf32>,
        %parallel_loop3A_485 = arith.constant 160 : i32
        %parallel_loop3A_486 = arith.addi %parallel_loop3A_260, %parallel_loop3A_485 : i32
        %parallel_loop3A_487 = arith.constant 1 : i32
        %parallel_loop3A_488 = arith.index_cast %parallel_loop3A_487 : i32 to index
        %parallel_loop3A_489 = arith.index_cast %parallel_loop3A_486 : i32 to index
        %parallel_loop3A_490 = tpu.vector_load %arg6[%parallel_loop3A_488, %parallel_loop3A_489] {strides = array<i32>} : memref<2x23040xf32, #tpu.memory_space<vmem>>, vector<16xf32>,
        %parallel_loop3A_491 = arith.constant 0x4B000000 : f32
        %parallel_loop3A_492 = vector.broadcast %parallel_loop3A_491 : f32 to vector<16xf32>
        %parallel_loop3A_493 = arith.addf %parallel_loop3A_490, %parallel_loop3A_492 : vector<16xf32>
        %parallel_loop3A_494 = vector.bitcast %parallel_loop3A_493 : vector<16xf32> to vector<16xi32>
        %parallel_loop3A_495 = arith.constant 8388607 : i32
        %parallel_loop3A_496 = vector.broadcast %parallel_loop3A_495 : i32 to vector<16xi32>
        %parallel_loop3A_497 = arith.andi %parallel_loop3A_494, %parallel_loop3A_496 : vector<16xi32>
        %parallel_loop3A_498 = arith.constant 23039 : i32
        %parallel_loop3A_499 = vector.broadcast %parallel_loop3A_498 : i32 to vector<16xi32>
        %parallel_loop3A_500 = arith.minsi %parallel_loop3A_497, %parallel_loop3A_499 : vector<16xi32>
        %parallel_loop3A_501 = tpu.vector_load_idx %arg5[%parallel_loop3A_500] : memref<23040xf32, #tpu.memory_space<vmem>>[vector<16xi32>], vector<16xf32>,
        %parallel_loop3A_502 = arith.constant 1 : i32
        %parallel_loop3A_503 = arith.constant 0 : i32
        %parallel_loop3A_504 = arith.constant 0 : i32
        %parallel_loop3A_505 = tpu.memref_slice %arg7[%parallel_loop3A_502, %parallel_loop3A_503, %parallel_loop3A_504] : memref<2x180x129xf32, #tpu.memory_space<vmem>> -> memref<1x180x129xf32, #tpu.memory_space<vmem>>
        %parallel_loop3A_506 = tpu.memref_squeeze %parallel_loop3A_505 : memref<1x180x129xf32, #tpu.memory_space<vmem>> -> memref<180x129xf32, #tpu.memory_space<vmem>>
        tpu.vector_store_idx %parallel_loop3A_506[%add3A_120, %parallel_loop3A_264], %parallel_loop3A_501 : memref<180x129xf32, #tpu.memory_space<vmem>>[vector<16xi32>, vector<16xi32>], vector<16xf32>,
        %parallel_loop3A_507 = arith.constant 164 : i32
        %parallel_loop3A_508 = arith.addi %parallel_loop3A_260, %parallel_loop3A_507 : i32
        %parallel_loop3A_509 = arith.constant 1 : i32
        %parallel_loop3A_510 = arith.index_cast %parallel_loop3A_509 : i32 to index
        %parallel_loop3A_511 = arith.index_cast %parallel_loop3A_508 : i32 to index
        %parallel_loop3A_512 = tpu.vector_load %arg6[%parallel_loop3A_510, %parallel_loop3A_511] {strides = array<i32>} : memref<2x23040xf32, #tpu.memory_space<vmem>>, vector<16xf32>,
        %parallel_loop3A_513 = arith.constant 0x4B000000 : f32
        %parallel_loop3A_514 = vector.broadcast %parallel_loop3A_513 : f32 to vector<16xf32>
        %parallel_loop3A_515 = arith.addf %parallel_loop3A_512, %parallel_loop3A_514 : vector<16xf32>
        %parallel_loop3A_516 = vector.bitcast %parallel_loop3A_515 : vector<16xf32> to vector<16xi32>
        %parallel_loop3A_517 = arith.constant 8388607 : i32
        %parallel_loop3A_518 = vector.broadcast %parallel_loop3A_517 : i32 to vector<16xi32>
        %parallel_loop3A_519 = arith.andi %parallel_loop3A_516, %parallel_loop3A_518 : vector<16xi32>
        %parallel_loop3A_520 = arith.constant 23039 : i32
        %parallel_loop3A_521 = vector.broadcast %parallel_loop3A_520 : i32 to vector<16xi32>
        %parallel_loop3A_522 = arith.minsi %parallel_loop3A_519, %parallel_loop3A_521 : vector<16xi32>
        %parallel_loop3A_523 = tpu.vector_load_idx %arg5[%parallel_loop3A_522] : memref<23040xf32, #tpu.memory_space<vmem>>[vector<16xi32>], vector<16xf32>,
        %parallel_loop3A_524 = arith.constant 1 : i32
        %parallel_loop3A_525 = arith.constant 0 : i32
        %parallel_loop3A_526 = arith.constant 0 : i32
        %parallel_loop3A_527 = tpu.memref_slice %arg7[%parallel_loop3A_524, %parallel_loop3A_525, %parallel_loop3A_526] : memref<2x180x129xf32, #tpu.memory_space<vmem>> -> memref<1x180x129xf32, #tpu.memory_space<vmem>>
        %parallel_loop3A_528 = tpu.memref_squeeze %parallel_loop3A_527 : memref<1x180x129xf32, #tpu.memory_space<vmem>> -> memref<180x129xf32, #tpu.memory_space<vmem>>
        tpu.vector_store_idx %parallel_loop3A_528[%add3A_123, %parallel_loop3A_264], %parallel_loop3A_523 : memref<180x129xf32, #tpu.memory_space<vmem>>[vector<16xi32>, vector<16xi32>], vector<16xf32>,
      } {sc.loop_unroll_factor = 2 : i64, sc.parallel_access}
      %dma_start3A_243 = arith.constant 1 : i32
      %dma_start3A_244 = arith.constant 0 : i32
      %dma_start3A_245 = arith.constant 0 : i32
      %dma_start3A_246 = tpu.memref_slice %arg7[%dma_start3A_243, %dma_start3A_244, %dma_start3A_245] : memref<2x180x129xf32, #tpu.memory_space<vmem>> -> memref<1x180x128xf32, #tpu.memory_space<vmem>>
      %dma_start3A_247 = tpu.memref_squeeze %dma_start3A_246 : memref<1x180x128xf32, #tpu.memory_space<vmem>> -> memref<180x128xf32, #tpu.memory_space<vmem>>
      %dma_start3A_248 = arith.constant 0 : i32
      %dma_start3A_249 = tpu.memref_slice %arg4[%select_n3A_54, %dma_start3A_248, %select_n3A_70, %add3A_218] : memref<2x180x8x16384xf32, #tpu.memory_space<hbm>> -> memref<1x180x1x128xf32, #tpu.memory_space<hbm>>
      %dma_start3A_250 = tpu.memref_squeeze %dma_start3A_249 : memref<1x180x1x128xf32, #tpu.memory_space<hbm>> -> memref<180x128xf32, #tpu.memory_space<hbm>>
      %dma_start3A_251 = arith.constant 0 : i32
      %dma_start3A_252 = tpu.memref_slice %arg4[%select_n3A_54, %dma_start3A_251, %select_n3A_70, %add3A_218] : memref<2x180x8x16384xf32, #tpu.memory_space<hbm>> -> memref<1x180x1x128xf32, #tpu.memory_space<hbm>>
      %dma_start3A_253 = tpu.memref_squeeze %dma_start3A_252 : memref<1x180x1x128xf32, #tpu.memory_space<hbm>> -> memref<180x128xf32, #tpu.memory_space<hbm>>
      %dma_start3A_254 = arith.constant 0 : i32
      %dma_start3A_255 = arith.constant 0 : i32
      %dma_start3A_256 = tpu.memref_slice %arg7[%dma_start3A_243, %dma_start3A_254, %dma_start3A_255] : memref<2x180x129xf32, #tpu.memory_space<vmem>> -> memref<1x180x128xf32, #tpu.memory_space<vmem>>
      %dma_start3A_257 = tpu.memref_squeeze %dma_start3A_256 : memref<1x180x128xf32, #tpu.memory_space<vmem>> -> memref<180x128xf32, #tpu.memory_space<vmem>>
      tpu.enqueue_dma source(%dma_start3A_257 : memref<180x128xf32, #tpu.memory_space<vmem>>) target(%dma_start3A_253 : memref<180x128xf32, #tpu.memory_space<hbm>>) target_semaphore(%arg12 : memref<!tpu.dma_semaphore, #tpu.memory_space<semaphore_mem>>)
    }
    %scan3A_128 = arith.constant 32 : i32
    %add3A_129 = arith.constant 7936 : i32
    %add3A_130 = arith.addi %mul3A_72, %add3A_129 : i32
    %dma_wait3A_131 = arith.constant 0 : i32
    %dma_wait3A_132 = arith.constant 0 : i32
    %dma_wait3A_133 = arith.constant 0 : i32
    %dma_wait3A_134 = tpu.memref_slice %arg7[%dma_wait3A_131, %dma_wait3A_132, %dma_wait3A_133] : memref<2x180x129xf32, #tpu.memory_space<vmem>> -> memref<1x180x128xf32, #tpu.memory_space<vmem>>
    %dma_wait3A_135 = tpu.memref_squeeze %dma_wait3A_134 : memref<1x180x128xf32, #tpu.memory_space<vmem>> -> memref<180x128xf32, #tpu.memory_space<vmem>>
    %dma_wait3A_136 = arith.constant 0 : i32
    %dma_wait3A_137 = tpu.memref_slice %arg4[%select_n3A_54, %dma_wait3A_136, %select_n3A_70, %add3A_130] : memref<2x180x8x16384xf32, #tpu.memory_space<hbm>> -> memref<1x180x1x128xf32, #tpu.memory_space<hbm>>
    %dma_wait3A_138 = tpu.memref_squeeze %dma_wait3A_137 : memref<1x180x1x128xf32, #tpu.memory_space<hbm>> -> memref<180x128xf32, #tpu.memory_space<hbm>>
    %dma_wait3A_139 = arith.constant 0 : i32
    %dma_wait3A_140 = tpu.memref_slice %arg4[%select_n3A_54, %dma_wait3A_139, %select_n3A_70, %add3A_130] : memref<2x180x8x16384xf32, #tpu.memory_space<hbm>> -> memref<1x180x1x128xf32, #tpu.memory_space<hbm>>
    %dma_wait3A_141 = tpu.memref_squeeze %dma_wait3A_140 : memref<1x180x1x128xf32, #tpu.memory_space<hbm>> -> memref<180x128xf32, #tpu.memory_space<hbm>>
    %dma_wait3A_142 = arith.constant 0 : i32
    %dma_wait3A_143 = arith.constant 0 : i32
    %dma_wait3A_144 = tpu.memref_slice %arg7[%dma_wait3A_131, %dma_wait3A_142, %dma_wait3A_143] : memref<2x180x129xf32, #tpu.memory_space<vmem>> -> memref<1x180x128xf32, #tpu.memory_space<vmem>>
    %dma_wait3A_145 = tpu.memref_squeeze %dma_wait3A_144 : memref<1x180x128xf32, #tpu.memory_space<vmem>> -> memref<180x128xf32, #tpu.memory_space<vmem>>
    tpu.wait_dma2 semaphore(%arg11 : memref<!tpu.dma_semaphore, #tpu.memory_space<semaphore_mem>>) src(%dma_wait3A_145 : memref<180x128xf32, #tpu.memory_space<vmem>>) dst(%dma_wait3A_141 : memref<180x128xf32, #tpu.memory_space<hbm>>)
    %add3A_146 = arith.constant 8064 : i32
    %add3A_147 = arith.addi %mul3A_72, %add3A_146 : i32
    %dma_wait3A_148 = arith.constant 1 : i32
    %dma_wait3A_149 = arith.constant 0 : i32
    %dma_wait3A_150 = arith.constant 0 : i32
    %dma_wait3A_151 = tpu.memref_slice %arg7[%dma_wait3A_148, %dma_wait3A_149, %dma_wait3A_150] : memref<2x180x129xf32, #tpu.memory_space<vmem>> -> memref<1x180x128xf32, #tpu.memory_space<vmem>>
    %dma_wait3A_152 = tpu.memref_squeeze %dma_wait3A_151 : memref<1x180x128xf32, #tpu.memory_space<vmem>> -> memref<180x128xf32, #tpu.memory_space<vmem>>
    %dma_wait3A_153 = arith.constant 0 : i32
    %dma_wait3A_154 = tpu.memref_slice %arg4[%select_n3A_54, %dma_wait3A_153, %select_n3A_70, %add3A_147] : memref<2x180x8x16384xf32, #tpu.memory_space<hbm>> -> memref<1x180x1x128xf32, #tpu.memory_space<hbm>>
    %dma_wait3A_155 = tpu.memref_squeeze %dma_wait3A_154 : memref<1x180x1x128xf32, #tpu.memory_space<hbm>> -> memref<180x128xf32, #tpu.memory_space<hbm>>
    %dma_wait3A_156 = arith.constant 0 : i32
    %dma_wait3A_157 = tpu.memref_slice %arg4[%select_n3A_54, %dma_wait3A_156, %select_n3A_70, %add3A_147] : memref<2x180x8x16384xf32, #tpu.memory_space<hbm>> -> memref<1x180x1x128xf32, #tpu.memory_space<hbm>>
    %dma_wait3A_158 = tpu.memref_squeeze %dma_wait3A_157 : memref<1x180x1x128xf32, #tpu.memory_space<hbm>> -> memref<180x128xf32, #tpu.memory_space<hbm>>
    %dma_wait3A_159 = arith.constant 0 : i32
    %dma_wait3A_160 = arith.constant 0 : i32
    %dma_wait3A_161 = tpu.memref_slice %arg7[%dma_wait3A_148, %dma_wait3A_159, %dma_wait3A_160] : memref<2x180x129xf32, #tpu.memory_space<vmem>> -> memref<1x180x128xf32, #tpu.memory_space<vmem>>
    %dma_wait3A_162 = tpu.memref_squeeze %dma_wait3A_161 : memref<1x180x128xf32, #tpu.memory_space<vmem>> -> memref<180x128xf32, #tpu.memory_space<vmem>>
    tpu.wait_dma2 semaphore(%arg12 : memref<!tpu.dma_semaphore, #tpu.memory_space<semaphore_mem>>) src(%dma_wait3A_162 : memref<180x128xf32, #tpu.memory_space<vmem>>) dst(%dma_wait3A_158 : memref<180x128xf32, #tpu.memory_space<hbm>>)
    return
  }
}

</mosaic_0001>

<sc_bundles>
// kernel: kernel.3.cloned.1.call-start
scs
__scs_entry_jumppad:
0x0: {  	(pc) =	sbr.rel $0x88, $3  }
0x1: {  	(tag) =	ssettag $0x0;
	lr =	simm.s32 $0x1  }
0x2: {  	[smem:$0x3F9F] =	sst lr;
	_ =	strace $0xD0000000  }
0x3: {  	_ = 	snop  }
0x4: {  	_ = 	snop  }
0x5: {  	_ = 	snop  }
0x6: {  	_ = 	snop  }
0x7: {  	_ = 	snop  }
__scs_overlays_trampoline_lowered:
0x8: {  	[smem:$0x3FAE] =	sst s0  }
0x9: {  	[smem:$0x3FAF] =	sst s1  }
0xa: {  	[smem:$0x3FB0] =	sst s2  }
0xb: {  	[smem:$0x3FB1] =	sst s3  }
0xc: {  	[smem:$0x3FB2] =	sst s4  }
0xd: {  	[smem:$0x3FB3] =	sst s5  }
0xe: {  	[smem:$0x3FB4] =	sst s6  }
0xf: {  	[smem:$0x3FB5] =	sst s7  }
0x10: {  	[smem:$0x3FB6] =	sst s8  }
0x11: {  	[smem:$0x3FB7] =	sst s9;
	s0 =	simm.s32 @!p0 $0x0  }
0x12: {  	s1 =	sld [smem:$0x3F9D];
	s0 =	simm.s32 @p0 $0x1  }
0x13: {  	[smem:$0x3FB8] =	sst s0;
	s0 =	simm.s32 @!p1 $0x0  }
0x14: {  	s2 =	sld [smem:$0x3F9C];
	s0 =	simm.s32 @p1 $0x1  }
0x15: {  	[smem:$0x3FB9] =	sst s0;
	s0 =	simm.s32 @!p2 $0x0  }
0x16: {  	s3 =	sld [smem:$0x3FDB];
	s0 =	simm.s32 @p2 $0x1  }
0x17: {  	s4 =	simm.s32 $0x1BF5;
	[smem:$0x3FBB] =	sst s0  }
0x18: {  	s0 =	sld [smem:$0x3F9E];
	_ =	swait.ge [sflag:s4], $0x0  }
0x19: {  	s7 =	sld [smem:$0x3F9F]  }
0x1a: {  	s8 =	sadd.s32 $0xFFFFE003, lr  }
0x1b: {  	s9 =	sadd.s32 $0xFFFFFEF7, lr;
	s5 =	simm.s32 $0xFFFFFFFF;
	p2 =	slt.u32 s8, $0xFFFFF086  }
0x1c: {  	p1 =	slt.u32 s9, $0xF7A;
	s5 =	simm.s32 @!p2 $0x0  }
0x1d: {  	s5 =	simm.s32 @p1 $0x1;
	p0 =	seq.s32 s7, s2  }
0x1e: {  	s7 =	smul.u32 @!p0 $0xF7A, s2;
	p2 =	seq.s32 @!p0 s5, $0x0  }
0x1f: {  	s9 =	smul.u32 $0xF7A, s1;
	s8 =	simm.s32 @!p0 $0x1BF5;
	p2 =	por !p2, p0  }
0x20: {  	[sflag:s8] =	ssyncset.s32 @!p0 $0xFFFFF086;
	s6 =	sadd.s32 @!p0 s3, s7;
	s7 =	simm.s32 @!p0 $0x108  }
0x21: {  	s3 =	sadd.s32 s3, s9;
	s6 =	sadd.s32 @!p0 $0x88, s6;
	s7 =	simm.s32 @p2 $0x1082  }
0x22: {  	[simem:s7], [sflag:s8] =	dma.local @!p0 [hbm:s6], $0xF7A  }
0x23: {  	s9 =	sor.u32 $0xD0000000, s2;
	s6 =	simm.s32 $0x108;
	_ =	swait.ge @!p0 [sflag:s8], $0x0  }
0x24: {  	s3 =	sadd.s32 $0x88, s3;
	s6 =	simm.s32 @!p1 $0x1082;
	[sflag:s4] =	ssyncset.s32 $0xFFFFF086  }
0x25: {  	[simem:s6], [sflag:s4] =	dma.local [hbm:s3], $0xF7A  }
0x26: {  	[smem:$0x3F9F] =	sst s1;
	(tag) =	ssettag s2;
	_ =	strace s9  }
0x27: {  	s1 =	sld [smem:$0x3FAF]  }
0x28: {  	s2 =	sld [smem:$0x3FB0]  }
0x29: {  	s4 =	sld [smem:$0x3FB2]  }
0x2a: {  	p0 =	seq.s32 s5, $0x0;
	s5 =	sld [smem:$0x3FB3]  }
0x2b: {  	s6 =	sld [smem:$0x3FB4]  }
0x2c: {  	s7 =	sld [smem:$0x3FB5]  }
0x2d: {  	s3 =	simm.s32 $0x108;
	s8 =	sld [smem:$0x3FB6]  }
0x2e: {  	s3 =	simm.s32 @!p0 $0x1082;
	s9 =	sld [smem:$0x3FB7]  }
0x2f: {  	lr =	sadd.s32 s0, s3;
	s0 =	sld [smem:$0x3FAE]  }
0x30: {  	s3 =	sld [smem:$0x3FB1]  }
0x31: {  	[smem:$0x3FBA] =	sst s10  }
0x32: {  	s10 =	sld [smem:$0x3FB8];
	_ =	sdelay $0x3  }
0x33: {  	p0 =	seq.s32 s10, $0x1;
	s10 =	sld [smem:$0x3FBA];
	_ =	sdelay $0x3  }
0x34: {  	[smem:$0x3FBA] =	sst s10  }
0x35: {  	s10 =	sld [smem:$0x3FB9];
	_ =	sdelay $0x3  }
0x36: {  	p1 =	seq.s32 s10, $0x1;
	s10 =	sld [smem:$0x3FBA];
	_ =	sdelay $0x3  }
0x37: {  	[smem:$0x3FBA] =	sst s10  }
0x38: {  	s10 =	sld [smem:$0x3FBB]  }
0x39: {  	_ = 	snop;
	(pc) =	sbr.ind lr, $3  }
0x3a: {  	_ = 	snop  }
0x3b: {  	_ = 	snop  }
0x3c: {  	p2 =	seq.s32 s10, $0x1;
	s10 =	sld [smem:$0x3FBA]  }
0x3d: {  	_ =	shalt  }
0x3e: {  	_ =	shalt  }
0x3f: {  	_ =	shalt  }
0x40: {  	_ =	shalt  }
0x41: {  	_ =	shalt  }
0x42: {  	_ =	shalt  }
0x43: {  	_ =	shalt  }
0x44: {  	_ =	shalt  }
0x45: {  	_ =	shalt  }
0x46: {  	_ =	shalt  }
0x47: {  	_ =	shalt  }
0x48: {  	_ =	shalt  }
0x49: {  	_ =	shalt  }
0x4a: {  	_ =	shalt  }
0x4b: {  	_ =	shalt  }
0x4c: {  	_ =	shalt  }
0x4d: {  	_ =	shalt  }
0x4e: {  	_ =	shalt  }
0x4f: {  	_ =	shalt  }
0x50: {  	_ =	shalt  }
0x51: {  	_ =	shalt  }
0x52: {  	_ =	shalt  }
0x53: {  	_ =	shalt  }
0x54: {  	_ =	shalt  }
0x55: {  	_ =	shalt  }
0x56: {  	_ =	shalt  }
0x57: {  	_ =	shalt  }
0x58: {  	_ =	shalt  }
0x59: {  	_ =	shalt  }
0x5a: {  	_ =	shalt  }
0x5b: {  	_ =	shalt  }
0x5c: {  	_ =	shalt  }
0x5d: {  	_ =	shalt  }
0x5e: {  	_ =	shalt  }
0x5f: {  	_ =	shalt  }
0x60: {  	_ =	shalt  }
0x61: {  	_ =	shalt  }
0x62: {  	_ =	shalt  }
0x63: {  	_ =	shalt  }
0x64: {  	_ =	shalt  }
0x65: {  	_ =	shalt  }
0x66: {  	_ =	shalt  }
0x67: {  	_ =	shalt  }
0x68: {  	_ =	shalt  }
0x69: {  	_ =	shalt  }
0x6a: {  	_ =	shalt  }
0x6b: {  	_ =	shalt  }
0x6c: {  	_ =	shalt  }
0x6d: {  	_ =	shalt  }
0x6e: {  	_ =	shalt  }
0x6f: {  	_ =	shalt  }
0x70: {  	_ =	shalt  }
0x71: {  	_ =	shalt  }
0x72: {  	_ =	shalt  }
0x73: {  	_ =	shalt  }
0x74: {  	_ =	shalt  }
0x75: {  	_ =	shalt  }
0x76: {  	_ =	shalt  }
0x77: {  	_ =	shalt  }
0x78: {  	_ =	shalt  }
0x79: {  	_ =	shalt  }
0x7a: {  	_ =	shalt  }
0x7b: {  	_ =	shalt  }
0x7c: {  	_ =	shalt  }
0x7d: {  	_ =	shalt  }
0x7e: {  	_ =	shalt  }
0x7f: {  	_ =	shalt  }
0x80: {  	_ =	shalt  }
0x81: {  	_ =	shalt  }
0x82: {  	_ =	shalt  }
0x83: {  	_ =	shalt  }
0x84: {  	_ =	shalt  }
0x85: {  	_ =	shalt  }
0x86: {  	_ =	shalt  }
0x87: {  	_ =	shalt  }
.Lfunc_end0:
.L_simem_size_0:
called_computation_lowered:
.L_overlay_start_0:
0x88: {  	s2 =	sld [smem:$0x3FD9]  }
0x89: {  	s3 =	sld [smem:$0x3FFE];
	_ =	sdelay $0x1  }
0x8a: {  	s1 =	srdreg.scid  }
0x8b: {  	s0 =	sand.u32 $0x1, s1  }
0x8c: {  	s17 =	sshll.u32 s0, $0xA;
	s2 =	sadd.s32 s3, s2  }
0x8d: {  	s2 =	sadd.s32 s2, s17  }
0x8e: {  	[smem:$0x3FC6] =	sst s2  }
0x8f: {  	_ = 	snop  }
0x90: {  	s2 =	sld [smem:$0x3FC8]  }
0x91: {  	s18 =	sld [smem:$0x3FD0];
	(tm) =	ssettm $0x1  }
0x92: {  	s4 =	sld [smem:$0x3FFB];
	_ =	sdelay $0x3  }
0x93: {  	_ =	strace s4  }
0x94: {  	s4 =	sld [smem:$0x3FFC];
	_ =	sdelay $0x3  }
0x95: {  	_ =	strace s4  }
0x96: {  	s4 =	sld [smem:$0x3FFD];
	_ =	sdelay $0x3  }
0x97: {  	_ =	strace s4  }
0x98: {  	_ =	strace $0x8FFFFFFF  }
0x99: {  	s19 =	sld [smem:$0x3FDB];
	_ =	sdelay $0x1  }
0x9a: {  	s5 =	simm.s32 $_scs_section_size  }
0x9b: {  	s6 =	simm.s32 $_size__tile_overlayer_lowered;
	s7 =	simm.s32 $_tile_overlayer_lowered  }
0x9c: {  	s22 =	simm.s32 $0x1BFF;
	s21 =	sshll.u32 s7, $0x1;
	s4 =	sadd.s32 s5, s19  }
0x9d: {  	s8 =	simm.s32 $0x0;
	s20 =	sshll.u32 s6, $0x1;
	s6 =	sadd.s32 s21, s4  }
0x9e: {  	[timem:s8], [sflag:s22] =	dma.local [hbm:s6], s20  }
0x9f: {  	_ =	swait.ge [sflag:s22], s20  }
0xa0: {  	s5 =	ssub.s32 $0x0, s20;
	[sflag:s22] =	ssyncset.done $0x0  }
0xa1: {  	[sflag:s22] =	ssyncadd.s32 s5;
	_ =	sdelay $0x1  }
0xa2: {  	s23 =	simm.s32 $0x1B8B  }
0xa3: {  	_ =	swait.ge [sflag:s23], $0x1  }
0xa4: {  	[sflag:s23] =	ssyncset.done $0x0  }
0xa5: {  	s25 =	simm.s32 $0x1B8E;
	s24 =	sld [smem:$0x3FFE];
	[sflag:s23] =	ssyncadd.s32 $0xFFFFFFFF  }
0xa6: {  	s26 =	simm.s32 $execute0_lowered;
	[smem:$0x3FD2] =	sst s25  }
0xa7: {  	s6 =	sshll.u32 s26, $0x1;
	_ =	strace $0x80000046;
	[dreg:$0x1] =	wrdreg $0xFFFFFFFF  }
0xa8: {  	s28 =	simm.s32 $_size_execute0_lowered;
	s4 =	sadd.s32 s4, s6;
	[dreg:$0x0] =	wrdreg $0x0  }
0xa9: {  	s6 =	sshll.u32 s28, $0x1;
	[dreg:$0x2] =	wrdreg s4  }
0xaa: {  	[dreg:$0x3] =	wrdreg s6  }
0xab: {  	[dreg:$0x4] =	wrdreg $0xC0  }
0xac: {  	_ =	task [dreg:s8], $0x5FFFF  }
0xad: {  	[dreg:$0x1] =	wrdreg $0xFFFFFFFF  }
0xae: {  	[dreg:$0x0] =	wrdreg $0x60  }
0xaf: {  	[dreg:$0x2] =	wrdreg s18  }
0xb0: {  	[dreg:$0x3] =	wrdreg s2  }
0xb1: {  	[dreg:$0x4] =	wrdreg s24  }
0xb2: {  	[dreg:$0x5] =	wrdreg $0x9  }
0xb3: {  	_ =	task.clear_ibuf [dreg:s8], $0x6FFFF;
	_ =	strace $0x90000046  }
0xb4: {  	s29 =	simm.s32 $0x9;
	_ =	strace $0x80000048  }
0xb5: {  	_ =	swait.ge [sflag:s29], $0x1  }
0xb6: {  	[sflag:s29] =	ssyncadd.s32 $0xFFFFFFFF  }
0xb7: {  	_ =	strace $0x90000048  }
0xb8: {  	_ =	sfence  }
0xb9: {  	s30 =	sld [smem:$0x0];
	_ =	sdelay $0x2  }
0xba: {  	s31 =	sshll.u32 s1, $0xD;
	s1 =	sshrl.u32 s1, $0x2  }
0xbb: {  	s3 =	sand.u32 $0x4000, s31;
	s1 =	sadd.s32 s1, s30  }
0xbc: {  	s0 =	sor.u32 s3, s0;
	s1 =	sshll.u32 s1, $0x11  }
0xbd: {  	s0 =	sor.u32 s1, s0  }
0xbe: {  	s0 =	sadd.s32 $0x8F2B, s0  }
0xbf: {  	[sflag:s0] =	ssyncadd.remote.s32 $0x1  }
0xc0: {  	_ =	sfence.sel $0xFFFF  }
0xc1: {  	[dreg:$0x0] =	wrdreg $0xFFFFFFFF;
	(pc) =	sbr.abs _section_cstart, $3  }
0xc2: {  	[dreg:$0x1] =	wrdreg $0xFFFFFFFF  }
0xc3: {  	_ =	task.clear_ibuf [dreg:s8], $0x2FFFF;
	_ =	strace $0x9FFFFFFF  }
0xc4: {  	(tm) =	ssettm $0x7FFFFFFF  }
0xc5: {  	_ =	shalt  }
tec
execute0_lowered:
.L_overlay_start_1:
0x0: {  	(tag) =	ssettag $0x1  }
0x1: {  	s1 =	srdreg.scid  }
0x2: {  	s0 =	stileid.u32;
	s6 =	sand.u32 $0x1, s1  }
0x3: {  	s1 =	sor.u32 s6, s0  }
0x4: {  	p1 =	seq.s32 s6, $0x1;
	p0 =	seq.s32 s1, $0x0  }
0x5: {  	s7 =	rddreg [dreg:$0x0];
	p0 =	por !p0, !p1  }
0x6: {  	s2 =	rddreg [dreg:$0x1];
	s1 =	simm.s32 $0x1;
	p0 =	por !p0, !p0  }
0x7: {  	s4 =	rddreg [dreg:$0x2];
	s3 =	simm.s32 $0x0;
	s1 =	simm.s32 @!p0 $0x0  }
0x8: {  	s15 =	simm.s32 $0x3;
	s16 =	simm.s32 $0x5;
	s5 =	ssub.s32 s0, s1  }
0x9: {  	s17 =	simm.s32 $0x16DA0;
	s18 =	simm.s32 $0x4;
	s1 =	sand.u32 $0xE0, s5  }
0xa: {  	s19 =	simm.s32 $0x0;
	[smem:$0x7FF] =	sst s3;
	s8 =	sshrl.u32 s1, $0x5  }
0xb: {  	s4 =	sadd.s32 $0x400, s4;
	s10 =	ssub.s32 $0x2, s6;
	s8 =	sadd.s32 s8, s5  }
0xc: {  	s30 =	smul.u32 $0x2D000, s6;
	s13 =	sshll.u32 s6, $0xD;
	s9 =	sand.u32 $0xFFFFFFF8, s8  }
0xd: {  	s14 =	smul.u32 $0x168000, s6;
	s11 =	sshrl.u32 s10, $0x1;
	s9 =	ssub.s32 s5, s9  }
0xe: {  	s10 =	ssub.s32 s10, s11;
	p5 =	slt.s32 s5, $0x1;
	p6 =	sne.s32 s9, $0x0  }
0xf: {  	s11 =	simm.s32 $0x1;
	s10 =	smax.u32 s10, $0x1;
	p0 =	por !p5, !p6  }
0x10: {  	v0 =	vlaneseq.u32;
	s12 =	smul.u32 $0x5A00, s5;
	s1 =	rddreg [dreg:$0x3];
	p0 =	por !p0, !p0  }
0x11: {  	v0 =	vmul.u32 $0x88, v0;
	_ =	strace $0x80000047;
	s8 =	sshrl.u32 s8, $0x3;
	s11 =	simm.s32 @!p0 $0x0  }
0x12: {  	s31 =	sshrl.u32 s12, $0x3;
	s12 =	simm.s32 $0xB400;
	s8 =	ssub.s32 s8, s11  }
0x13: {  	v1 =	vadd.s32 $0x880, v0;
	v2 =	vadd.s32 $0x1100, v0;
	s6 =	sadd.s32 s7, s31;
	s9 =	sshll.u32 s9, $0xE;
	s8 =	smul.u32 $0x1680000, s8  }
0x14: {  	v3 =	vadd.s32 $0x1980, v0;
	v4 =	vadd.s32 $0x2200, v0;
	v5 =	vadd.s32 $0x2A80, v0;
	s7 =	sadd.s32 s2, s30;
	s5 =	simm.s32 $0x1;
	s9 =	sand.u32 $0x1C000, s9  }
0x15: {  	v6 =	vadd.s32 $0x3300, v0;
	v7 =	vadd.s32 $0x3B80, v0;
	v8 =	vadd.s32 $0x4400, v0;
	s11 =	simm.s32 $0x5A00;
	s9 =	sor.u32 s9, s8;
	s8 =	sor.u32 $0x5A00, s14  }
0x16: {  	v9 =	vadd.s32 $0x4C80, v0;
	v10 =	vadd.s32 $0x5500, v0;
	v11 =	vadd.s32 $0x5720, v0;
	s14 =	simm.s32 $0x10E00;
	s9 =	sor.u32 s9, s13;
	s13 =	simm.s32 $0x2  }
.LBB2_1:
0x17: {  	[tilespmem:s3], [sflag:$0x1] =	stream.linear.gather [hbm4b:s6+s3], $0x5A00, $0x38;
	[tilespmem:$0x1CD40] =	vst v63  }
0x18: {  	_ = 	snop  }
0x19: {  	[tilespmem:s11], [sflag:$0x2] =	stream.linear.gather [hbm4b:s7+s3], $0x5A00, $0x38;
	[tilespmem:$0x1CD40] =	vst v63  }
0x1a: {  	_ =	swait.ge [sflag:s5], $0x5A00  }
0x1b: {  	[sflag:s5] =	ssyncset.done $0x0  }
0x1c: {  	s20 =	simm.s32 $0x0;
	[sflag:s5] =	ssyncadd.s32 $0xFFFFA600  }
.LBB2_2:
0x1d: {  	s21 =	smul.u32 $0xB400, s20;
	_ =	sdelay $0x1  }
0x1e: {  	s21 =	sadd.s32 s21, s8  }
0x1f: {  	s21 =	sshrl.u32 s21, $0x3  }
0x20: {  	s21 =	sadd.s32 s2, s21  }
0x21: {  	[tilespmem:s12], [sflag:$0x3] =	stream.linear.gather [hbm4b:s21+s3], $0x5A00, $0x38;
	[tilespmem:$0x1CD40] =	vst v63  }
0x22: {  	_ =	swait.ge [sflag:s13], $0x5A00  }
0x23: {  	p0 =	seq.s32 s20, $0x0;
	[sflag:s13] =	ssyncset.done $0x0  }
0x24: {  	s21 =	simm.s32 @!p0 $0x4;
	[sflag:s13] =	ssyncadd.s32 $0xFFFFA600  }
0x25: {  	_ =	swait.ge @!p0 [sflag:s21], $0x5A00  }
0x26: {  	[sflag:s21] =	ssyncset.done @!p0 $0x0  }
0x27: {  	[sflag:s21] =	ssyncadd.s32 @!p0 $0xFFFFA600;
	s21 =	simm.s32 $0x5AB4  }
0x28: {  	v12 =	vld [tilespmem:s21+$0x0];
	_ =	sdelay $0x1  }
0x29: {  	v13 =	vld [tilespmem:s21+$0xFFFFFF4C];
	_ =	sdelay $0x2  }
0x2a: {  	v12 =	vadd.f32 $8.388608000e+06, v12;
	_ =	sdelay $0x1  }
0x2b: {  	v13 =	vadd.f32 $8.388608000e+06, v13;
	v12 =	vand.u32 $0x7FFFFF, v12  }
0x2c: {  	v12 =	vmin.u32 v12, $0x59FF  }
0x2d: {  	v13 =	vand.u32 $0x7FFFFF, v13  }
0x2e: {  	s22 =	simm.s32 $0x1;
	v13 =	vmin.u32 v13, $0x59FF  }
0x2f: {  	v14 =	vmov s22  }
0x30: {  	s23 =	simm.s32 $0x0;
	v20 =	vand.u32 $0x7F, v14  }
0x31: {  	v14 =	vmov s23;
	v15 =	vadd.s32 v0, v20;
	v12 =	vld.idx.msk [tilespmem:v12+s3+$0x0], $0xffff  }
0x32: {  	v21 =	vand.u32 $0x7E, v14  }
0x33: {  	v14 =	vadd.s32 v0, v21;
	v13 =	vld.idx.msk [tilespmem:v13+s3+$0x0], $0xffff;
	_ =	sdelay $0x2  }
0x34: {  	[tilespmem:v15+s14+$0x0] =	vst.idx.msk $0xffff, v12  }
0x35: {  	v12 =	vld [tilespmem:s21+$0x10]  }
0x36: {  	[tilespmem:v14+s14+$0x0] =	vst.idx.msk $0xffff, v13  }
0x37: {  	v13 =	vld [tilespmem:s21+$0xFFFFFF5C];
	_ =	sdelay $0x2  }
0x38: {  	v12 =	vadd.f32 $8.388608000e+06, v12;
	_ =	sdelay $0x1  }
0x39: {  	v13 =	vadd.f32 $8.388608000e+06, v13;
	v12 =	vand.u32 $0x7FFFFF, v12  }
0x3a: {  	v12 =	vmin.u32 v12, $0x59FF  }
0x3b: {  	v13 =	vand.u32 $0x7FFFFF, v13  }
0x3c: {  	v13 =	vmin.u32 v13, $0x59FF;
	_ =	sdelay $0x2  }
0x3d: {  	v14 =	vadd.s32 v1, v20;
	v12 =	vld.idx.msk [tilespmem:v12+s3+$0x0], $0xffff;
	_ =	sdelay $0x1  }
0x3e: {  	v15 =	vadd.s32 v1, v21;
	v13 =	vld.idx.msk [tilespmem:v13+s3+$0x0], $0xffff;
	_ =	sdelay $0x2  }
0x3f: {  	[tilespmem:v14+s14+$0x0] =	vst.idx.msk $0xffff, v12  }
0x40: {  	v12 =	vld [tilespmem:s21+$0x20]  }
0x41: {  	[tilespmem:v15+s14+$0x0] =	vst.idx.msk $0xffff, v13  }
0x42: {  	v13 =	vld [tilespmem:s21+$0xFFFFFF6C];
	_ =	sdelay $0x2  }
0x43: {  	v12 =	vadd.f32 $8.388608000e+06, v12  }
0x44: {  	s22 =	simm.s32 $0x5C1C  }
0x45: {  	v14 =	vld [tilespmem:s22+$0x0];
	v13 =	vadd.f32 $8.388608000e+06, v13;
	v12 =	vand.u32 $0x7FFFFF, v12  }
0x46: {  	v12 =	vmin.u32 v12, $0x59FF  }
0x47: {  	v13 =	vand.u32 $0x7FFFFF, v13  }
0x48: {  	v13 =	vmin.u32 v13, $0x59FF  }
0x49: {  	v15 =	vld [tilespmem:s22+$0xFFFFFF4C]  }
0x4a: {  	v14 =	vadd.f32 $8.388608000e+06, v14  }
0x4b: {  	v16 =	vadd.s32 v2, v20;
	v12 =	vld.idx.msk [tilespmem:v12+s3+$0x0], $0xffff  }
0x4c: {  	v14 =	vand.u32 $0x7FFFFF, v14  }
0x4d: {  	v17 =	vadd.s32 v2, v21;
	v14 =	vmin.u32 v14, $0x59FF;
	v13 =	vld.idx.msk [tilespmem:v13+s3+$0x0], $0xffff  }
0x4e: {  	v15 =	vadd.f32 $8.388608000e+06, v15  }
0x4f: {  	s23 =	simm.s32 $0x3  }
0x50: {  	v15 =	vand.u32 $0x7FFFFF, v15;
	[tilespmem:v16+s14+$0x0] =	vst.idx.msk $0xffff, v12;
	v12 =	vmov s23  }
0x51: {  	v15 =	vmin.u32 v15, $0x59FF;
	v16 =	vld [tilespmem:s21+$0x30];
	v12 =	vand.u32 $0x7F, v12  }
0x52: {  	v14 =	vld.idx.msk [tilespmem:v14+s3+$0x0], $0xffff;
	[tilespmem:v17+s14+$0x0] =	vst.idx.msk $0xffff, v13;
	v17 =	vadd.s32 v0, v12  }
0x53: {  	s24 =	simm.s32 $0x2;
	v18 =	vld [tilespmem:s21+$0xFFFFFF7C]  }
0x54: {  	v13 =	vmov s24  }
0x55: {  	v13 =	vand.u32 $0x7E, v13  }
0x56: {  	v15 =	vld.idx.msk [tilespmem:v15+s3+$0x0], $0xffff;
	v19 =	vadd.s32 v0, v13;
	v16 =	vadd.f32 $8.388608000e+06, v16  }
0x57: {  	[tilespmem:v17+s14+$0x0] =	vst.idx.msk $0xffff, v14  }
0x58: {  	v14 =	vadd.f32 $8.388608000e+06, v18;
	v16 =	vand.u32 $0x7FFFFF, v16;
	v17 =	vld [tilespmem:s22+$0x10]  }
0x59: {  	v16 =	vmin.u32 v16, $0x59FF  }
0x5a: {  	v14 =	vand.u32 $0x7FFFFF, v14  }
0x5b: {  	[tilespmem:v19+s14+$0x0] =	vst.idx.msk $0xffff, v15;
	v14 =	vmin.u32 v14, $0x59FF  }
0x5c: {  	v15 =	vld [tilespmem:s22+$0xFFFFFF5C]  }
0x5d: {  	v17 =	vadd.f32 $8.388608000e+06, v17  }
0x5e: {  	v18 =	vadd.s32 v3, v20;
	v16 =	vld.idx.msk [tilespmem:v16+s3+$0x0], $0xffff  }
0x5f: {  	v17 =	vand.u32 $0x7FFFFF, v17  }
0x60: {  	v19 =	vadd.s32 v3, v21;
	v14 =	vld.idx.msk [tilespmem:v14+s3+$0x0], $0xffff;
	v17 =	vmin.u32 v17, $0x59FF  }
0x61: {  	v15 =	vadd.f32 $8.388608000e+06, v15;
	_ =	sdelay $0x1  }
0x62: {  	v15 =	vand.u32 $0x7FFFFF, v15;
	[tilespmem:v18+s14+$0x0] =	vst.idx.msk $0xffff, v16  }
0x63: {  	v15 =	vmin.u32 v15, $0x59FF;
	v16 =	vld [tilespmem:s21+$0x40]  }
0x64: {  	[tilespmem:v19+s14+$0x0] =	vst.idx.msk $0xffff, v14;
	v14 =	vadd.s32 v1, v12;
	v17 =	vld.idx.msk [tilespmem:v17+s3+$0x0], $0xffff  }
0x65: {  	v18 =	vld [tilespmem:s21+$0xFFFFFF8C];
	_ =	sdelay $0x2  }
0x66: {  	v19 =	vadd.s32 v1, v13;
	v15 =	vld.idx.msk [tilespmem:v15+s3+$0x0], $0xffff;
	v16 =	vadd.f32 $8.388608000e+06, v16  }
0x67: {  	[tilespmem:v14+s14+$0x0] =	vst.idx.msk $0xffff, v17  }
0x68: {  	v14 =	vadd.f32 $8.388608000e+06, v18;
	v16 =	vand.u32 $0x7FFFFF, v16;
	v17 =	vld [tilespmem:s22+$0x20]  }
0x69: {  	v16 =	vmin.u32 v16, $0x59FF  }
0x6a: {  	v14 =	vand.u32 $0x7FFFFF, v14  }
0x6b: {  	[tilespmem:v19+s14+$0x0] =	vst.idx.msk $0xffff, v15;
	v14 =	vmin.u32 v14, $0x59FF  }
0x6c: {  	v15 =	vld [tilespmem:s22+$0xFFFFFF6C]  }
0x6d: {  	v17 =	vadd.f32 $8.388608000e+06, v17  }
0x6e: {  	v18 =	vadd.s32 v4, v20;
	v16 =	vld.idx.msk [tilespmem:v16+s3+$0x0], $0xffff  }
0x6f: {  	v17 =	vand.u32 $0x7FFFFF, v17  }
0x70: {  	s23 =	simm.s32 $0x5D84;
	v19 =	vadd.s32 v4, v21;
	v14 =	vld.idx.msk [tilespmem:v14+s3+$0x0], $0xffff;
	v17 =	vmin.u32 v17, $0x59FF  }
0x71: {  	v22 =	vld [tilespmem:s23+$0x0];
	v15 =	vadd.f32 $8.388608000e+06, v15;
	_ =	sdelay $0x1  }
0x72: {  	v23 =	vld [tilespmem:s23+$0xFFFFFF4C];
	v15 =	vand.u32 $0x7FFFFF, v15;
	[tilespmem:v18+s14+$0x0] =	vst.idx.msk $0xffff, v16  }
0x73: {  	v15 =	vmin.u32 v15, $0x59FF;
	v16 =	vld [tilespmem:s21+$0x50]  }
0x74: {  	[tilespmem:v19+s14+$0x0] =	vst.idx.msk $0xffff, v14;
	v17 =	vld.idx.msk [tilespmem:v17+s3+$0x0], $0xffff  }
0x75: {  	v18 =	vadd.s32 v2, v12;
	v14 =	vadd.f32 $8.388608000e+06, v22;
	v19 =	vld [tilespmem:s21+$0xFFFFFF9C];
	_ =	sdelay $0x1  }
0x76: {  	v14 =	vand.u32 $0x7FFFFF, v14  }
0x77: {  	v24 =	vadd.s32 v2, v13;
	v22 =	vadd.f32 $8.388608000e+06, v23;
	v15 =	vld.idx.msk [tilespmem:v15+s3+$0x0], $0xffff;
	v23 =	vmin.u32 v14, $0x59FF  }
0x78: {  	v14 =	vadd.f32 $8.388608000e+06, v16  }
0x79: {  	s24 =	simm.s32 $0x5;
	v16 =	vand.u32 $0x7FFFFF, v22;
	[tilespmem:v18+s14+$0x0] =	vst.idx.msk $0xffff, v17;
	v17 =	vadd.f32 $8.388608000e+06, v19  }
0x7a: {  	v16 =	vmin.u32 v16, $0x59FF;
	v18 =	vmov s24;
	v14 =	vand.u32 $0x7FFFFF, v14;
	v19 =	vld [tilespmem:s22+$0x30]  }
0x7b: {  	v22 =	vmin.u32 v14, $0x59FF;
	v14 =	vand.u32 $0x7F, v18  }
0x7c: {  	s25 =	simm.s32 $0x4;
	[tilespmem:v24+s14+$0x0] =	vst.idx.msk $0xffff, v15;
	v17 =	vand.u32 $0x7FFFFF, v17;
	v18 =	vld.idx.msk [tilespmem:v23+s3+$0x0], $0xffff;
	v23 =	vadd.s32 v0, v14  }
0x7d: {  	v15 =	vmov s25;
	v24 =	vld [tilespmem:s22+$0xFFFFFF7C];
	v17 =	vmin.u32 v17, $0x59FF  }
0x7e: {  	v15 =	vand.u32 $0x7E, v15  }
0x7f: {  	v25 =	vadd.s32 v0, v15;
	v16 =	vld.idx.msk [tilespmem:v16+s3+$0x0], $0xffff;
	v19 =	vadd.f32 $8.388608000e+06, v19  }
0x80: {  	v26 =	vadd.s32 v5, v20;
	v22 =	vld.idx.msk [tilespmem:v22+s3+$0x0], $0xffff  }
0x81: {  	[tilespmem:v23+s14+$0x0] =	vst.idx.msk $0xffff, v18;
	v18 =	vand.u32 $0x7FFFFF, v19  }
0x82: {  	v17 =	vld.idx.msk [tilespmem:v17+s3+$0x0], $0xffff;
	v19 =	vadd.f32 $8.388608000e+06, v24;
	v24 =	vadd.s32 v5, v21;
	v18 =	vmin.u32 v18, $0x59FF  }
0x83: {  	v23 =	vld [tilespmem:s23+$0x10]  }
0x84: {  	[tilespmem:v25+s14+$0x0] =	vst.idx.msk $0xffff, v16;
	v16 =	vand.u32 $0x7FFFFF, v19  }
0x85: {  	v19 =	vld [tilespmem:s23+$0xFFFFFF5C];
	v16 =	vmin.u32 v16, $0x59FF;
	[tilespmem:v26+s14+$0x0] =	vst.idx.msk $0xffff, v22  }
0x86: {  	v22 =	vld [tilespmem:s21+$0x60]  }
0x87: {  	[tilespmem:v24+s14+$0x0] =	vst.idx.msk $0xffff, v17;
	v18 =	vld.idx.msk [tilespmem:v18+s3+$0x0], $0xffff  }
0x88: {  	v17 =	vadd.s32 v3, v12;
	v23 =	vadd.f32 $8.388608000e+06, v23;
	v24 =	vld [tilespmem:s21+$0xFFFFFFAC];
	_ =	sdelay $0x1  }
0x89: {  	v25 =	vadd.s32 v3, v13;
	v23 =	vand.u32 $0x7FFFFF, v23;
	v16 =	vld.idx.msk [tilespmem:v16+s3+$0x0], $0xffff  }
0x8a: {  	v19 =	vadd.f32 $8.388608000e+06, v19;
	v23 =	vmin.u32 v23, $0x59FF  }
0x8b: {  	v22 =	vadd.f32 $8.388608000e+06, v22  }
0x8c: {  	v19 =	vand.u32 $0x7FFFFF, v19;
	[tilespmem:v17+s14+$0x0] =	vst.idx.msk $0xffff, v18;
	v17 =	vadd.f32 $8.388608000e+06, v24  }
0x8d: {  	v18 =	vmin.u32 v19, $0x59FF;
	v19 =	vand.u32 $0x7FFFFF, v22;
	v22 =	vld [tilespmem:s22+$0x40]  }
0x8e: {  	v19 =	vmin.u32 v19, $0x59FF;
	[tilespmem:v25+s14+$0x0] =	vst.idx.msk $0xffff, v16;
	v16 =	vand.u32 $0x7FFFFF, v17  }
0x8f: {  	v17 =	vadd.s32 v1, v14;
	v23 =	vld.idx.msk [tilespmem:v23+s3+$0x0], $0xffff;
	v16 =	vmin.u32 v16, $0x59FF  }
0x90: {  	v24 =	vld [tilespmem:s22+$0xFFFFFF8C];
	_ =	sdelay $0x1  }
0x91: {  	v25 =	vadd.s32 v1, v15;
	v18 =	vld.idx.msk [tilespmem:v18+s3+$0x0], $0xffff;
	v22 =	vadd.f32 $8.388608000e+06, v22  }
0x92: {  	v26 =	vadd.s32 v6, v20;
	v19 =	vld.idx.msk [tilespmem:v19+s3+$0x0], $0xffff  }
0x93: {  	[tilespmem:v17+s14+$0x0] =	vst.idx.msk $0xffff, v23;
	v22 =	vand.u32 $0x7FFFFF, v22;
	v16 =	vld.idx.msk [tilespmem:v16+s3+$0x0], $0xffff  }
0x94: {  	v17 =	vadd.f32 $8.388608000e+06, v24;
	v24 =	vadd.s32 v6, v21;
	v23 =	vld [tilespmem:s23+$0x20];
	v22 =	vmin.u32 v22, $0x59FF;
	_ =	sdelay $0x1  }
0x95: {  	v17 =	vand.u32 $0x7FFFFF, v17;
	[tilespmem:v25+s14+$0x0] =	vst.idx.msk $0xffff, v18  }
0x96: {  	v17 =	vmin.u32 v17, $0x59FF;
	v18 =	vld [tilespmem:s23+$0xFFFFFF6C];
	[tilespmem:v26+s14+$0x0] =	vst.idx.msk $0xffff, v19  }
0x97: {  	v19 =	vld [tilespmem:s21+$0x70]  }
0x98: {  	[tilespmem:v24+s14+$0x0] =	vst.idx.msk $0xffff, v16;
	v23 =	vadd.f32 $8.388608000e+06, v23;
	v22 =	vld.idx.msk [tilespmem:v22+s3+$0x0], $0xffff  }
0x99: {  	s24 =	simm.s32 $0x5EEC;
	v16 =	vadd.s32 v4, v12;
	v24 =	vld [tilespmem:s21+$0xFFFFFFBC]  }
0x9a: {  	v25 =	vld [tilespmem:s24+$0x0];
	v23 =	vand.u32 $0x7FFFFF, v23  }
0x9b: {  	v26 =	vadd.s32 v4, v13;
	v17 =	vld.idx.msk [tilespmem:v17+s3+$0x0], $0xffff;
	v23 =	vmin.u32 v23, $0x59FF  }
0x9c: {  	v27 =	vld [tilespmem:s24+$0xFFFFFF4C];
	v18 =	vadd.f32 $8.388608000e+06, v18  }
0x9d: {  	v19 =	vadd.f32 $8.388608000e+06, v19  }
0x9e: {  	v18 =	vand.u32 $0x7FFFFF, v18;
	[tilespmem:v16+s14+$0x0] =	vst.idx.msk $0xffff, v22;
	v16 =	vadd.f32 $8.388608000e+06, v24  }
0x9f: {  	v18 =	vmin.u32 v18, $0x59FF;
	v19 =	vand.u32 $0x7FFFFF, v19;
	v22 =	vld [tilespmem:s22+$0x50]  }
0xa0: {  	v24 =	vadd.f32 $8.388608000e+06, v25;
	v19 =	vmin.u32 v19, $0x59FF;
	[tilespmem:v26+s14+$0x0] =	vst.idx.msk $0xffff, v17;
	v16 =	vand.u32 $0x7FFFFF, v16;
	v23 =	vld.idx.msk [tilespmem:v23+s3+$0x0], $0xffff  }
0xa1: {  	v17 =	vadd.s32 v2, v14;
	v26 =	vadd.f32 $8.388608000e+06, v27;
	v25 =	vld [tilespmem:s22+$0xFFFFFF9C];
	v16 =	vmin.u32 v16, $0x59FF  }
0xa2: {  	v24 =	vand.u32 $0x7FFFFF, v24  }
0xa3: {  	v24 =	vmin.u32 v24, $0x59FF;
	v26 =	vand.u32 $0x7FFFFF, v26  }
0xa4: {  	v27 =	vadd.s32 v2, v15;
	v18 =	vld.idx.msk [tilespmem:v18+s3+$0x0], $0xffff;
	v26 =	vmin.u32 v26, $0x59FF;
	v22 =	vadd.f32 $8.388608000e+06, v22  }
0xa5: {  	v28 =	vadd.s32 v7, v20;
	v19 =	vld.idx.msk [tilespmem:v19+s3+$0x0], $0xffff  }
0xa6: {  	s25 =	simm.s32 $0x7;
	[tilespmem:v17+s14+$0x0] =	vst.idx.msk $0xffff, v23;
	v17 =	vadd.f32 $8.388608000e+06, v25;
	v22 =	vand.u32 $0x7FFFFF, v22;
	v23 =	vld.idx.msk [tilespmem:v16+s3+$0x0], $0xffff  }
0xa7: {  	v29 =	vadd.s32 v7, v21;
	v16 =	vmov s25;
	v25 =	vld [tilespmem:s23+$0x30];
	v22 =	vmin.u32 v22, $0x59FF  }
0xa8: {  	s26 =	simm.s32 $0x6;
	v24 =	vld.idx.msk [tilespmem:v24+s3+$0x0], $0xffff;
	v16 =	vand.u32 $0x7F, v16;
	v17 =	vand.u32 $0x7FFFFF, v17  }
0xa9: {  	[tilespmem:v27+s14+$0x0] =	vst.idx.msk $0xffff, v18;
	v18 =	vmov s26;
	v27 =	vadd.s32 v0, v16;
	v26 =	vld.idx.msk [tilespmem:v26+s3+$0x0], $0xffff;
	v31 =	vmin.u32 v17, $0x59FF  }
0xaa: {  	v30 =	vld [tilespmem:s23+$0xFFFFFF7C];
	v17 =	vand.u32 $0x7E, v18;
	[tilespmem:v28+s14+$0x0] =	vst.idx.msk $0xffff, v19  }
0xab: {  	v18 =	vadd.s32 v0, v17;
	v19 =	vld [tilespmem:s21+$0x80]  }
0xac: {  	[tilespmem:v29+s14+$0x0] =	vst.idx.msk $0xffff, v23;
	v25 =	vadd.f32 $8.388608000e+06, v25;
	v22 =	vld.idx.msk [tilespmem:v22+s3+$0x0], $0xffff  }
0xad: {  	v23 =	vadd.s32 v5, v12;
	v28 =	vld [tilespmem:s21+$0xFFFFFFCC]  }
0xae: {  	[tilespmem:v27+s14+$0x0] =	vst.idx.msk $0xffff, v24;
	v24 =	vand.u32 $0x7FFFFF, v25;
	v25 =	vld.idx.msk [tilespmem:v31+s3+$0x0], $0xffff  }
0xaf: {  	v27 =	vadd.f32 $8.388608000e+06, v30;
	v29 =	vld [tilespmem:s24+$0x10];
	v30 =	vadd.s32 v5, v13;
	v24 =	vmin.u32 v24, $0x59FF  }
0xb0: {  	[tilespmem:v18+s14+$0x0] =	vst.idx.msk $0xffff, v26  }
0xb1: {  	v18 =	vand.u32 $0x7FFFFF, v27;
	v19 =	vadd.f32 $8.388608000e+06, v19;
	v26 =	vld [tilespmem:s24+$0xFFFFFF5C]  }
0xb2: {  	v18 =	vmin.u32 v18, $0x59FF;
	[tilespmem:v23+s14+$0x0] =	vst.idx.msk $0xffff, v22;
	v22 =	vadd.f32 $8.388608000e+06, v28  }
0xb3: {  	v19 =	vand.u32 $0x7FFFFF, v19;
	v23 =	vld [tilespmem:s22+$0x60]  }
0xb4: {  	v19 =	vmin.u32 v19, $0x59FF;
	v27 =	vadd.f32 $8.388608000e+06, v29;
	[tilespmem:v30+s14+$0x0] =	vst.idx.msk $0xffff, v25;
	v22 =	vand.u32 $0x7FFFFF, v22;
	v24 =	vld.idx.msk [tilespmem:v24+s3+$0x0], $0xffff  }
0xb5: {  	v25 =	vadd.s32 v3, v14;
	v28 =	vld [tilespmem:s22+$0xFFFFFFAC];
	v22 =	vmin.u32 v22, $0x59FF  }
0xb6: {  	v26 =	vadd.f32 $8.388608000e+06, v26;
	v27 =	vand.u32 $0x7FFFFF, v27  }
0xb7: {  	v29 =	vadd.s32 v3, v15;
	v18 =	vld.idx.msk [tilespmem:v18+s3+$0x0], $0xffff;
	v27 =	vmin.u32 v27, $0x59FF  }
0xb8: {  	v26 =	vand.u32 $0x7FFFFF, v26;
	v23 =	vadd.f32 $8.388608000e+06, v23  }
0xb9: {  	v30 =	vadd.s32 v8, v20;
	v19 =	vld.idx.msk [tilespmem:v19+s3+$0x0], $0xffff;
	v26 =	vmin.u32 v26, $0x59FF  }
0xba: {  	[tilespmem:v25+s14+$0x0] =	vst.idx.msk $0xffff, v24;
	v24 =	vadd.f32 $8.388608000e+06, v28;
	v23 =	vand.u32 $0x7FFFFF, v23;
	v22 =	vld.idx.msk [tilespmem:v22+s3+$0x0], $0xffff  }
0xbb: {  	v28 =	vadd.s32 v8, v21;
	v25 =	vld [tilespmem:s23+$0x40];
	v23 =	vmin.u32 v23, $0x59FF  }
0xbc: {  	v27 =	vld.idx.msk [tilespmem:v27+s3+$0x0], $0xffff;
	[tilespmem:v29+s14+$0x0] =	vst.idx.msk $0xffff, v18;
	v18 =	vand.u32 $0x7FFFFF, v24  }
0xbd: {  	v24 =	vadd.s32 v1, v16;
	v29 =	vld [tilespmem:s23+$0xFFFFFF8C];
	v18 =	vmin.u32 v18, $0x59FF  }
0xbe: {  	v26 =	vld.idx.msk [tilespmem:v26+s3+$0x0], $0xffff;
	[tilespmem:v30+s14+$0x0] =	vst.idx.msk $0xffff, v19  }
0xbf: {  	v19 =	vadd.s32 v1, v17;
	v30 =	vld [tilespmem:s21+$0x90]  }
0xc0: {  	[tilespmem:v28+s14+$0x0] =	vst.idx.msk $0xffff, v22;
	v25 =	vadd.f32 $8.388608000e+06, v25;
	v23 =	vld.idx.msk [tilespmem:v23+s3+$0x0], $0xffff  }
0xc1: {  	v22 =	vadd.s32 v6, v12;
	v28 =	vld [tilespmem:s21+$0xFFFFFFDC]  }
0xc2: {  	[tilespmem:v24+s14+$0x0] =	vst.idx.msk $0xffff, v27;
	v25 =	vand.u32 $0x7FFFFF, v25;
	v18 =	vld.idx.msk [tilespmem:v18+s3+$0x0], $0xffff  }
0xc3: {  	v24 =	vadd.f32 $8.388608000e+06, v29;
	v27 =	vld [tilespmem:s24+$0x20];
	v29 =	vadd.s32 v6, v13;
	v25 =	vmin.u32 v25, $0x59FF  }
0xc4: {  	[tilespmem:v19+s14+$0x0] =	vst.idx.msk $0xffff, v26  }
0xc5: {  	v19 =	vand.u32 $0x7FFFFF, v24;
	v24 =	vadd.f32 $8.388608000e+06, v30;
	v26 =	vld [tilespmem:s24+$0xFFFFFF6C]  }
0xc6: {  	v19 =	vmin.u32 v19, $0x59FF;
	[tilespmem:v22+s14+$0x0] =	vst.idx.msk $0xffff, v23;
	v22 =	vadd.f32 $8.388608000e+06, v28  }
0xc7: {  	v23 =	vand.u32 $0x7FFFFF, v24;
	v24 =	vld [tilespmem:s22+$0x70]  }
0xc8: {  	v23 =	vmin.u32 v23, $0x59FF;
	v27 =	vadd.f32 $8.388608000e+06, v27;
	[tilespmem:v29+s14+$0x0] =	vst.idx.msk $0xffff, v18;
	v18 =	vand.u32 $0x7FFFFF, v22;
	v25 =	vld.idx.msk [tilespmem:v25+s3+$0x0], $0xffff  }
0xc9: {  	s25 =	simm.s32 $0x6054;
	v22 =	vadd.s32 v4, v14;
	v28 =	vld [tilespmem:s22+$0xFFFFFFBC];
	v18 =	vmin.u32 v18, $0x59FF  }
0xca: {  	v29 =	vld [tilespmem:s25+$0x0];
	v26 =	vadd.f32 $8.388608000e+06, v26;
	v27 =	vand.u32 $0x7FFFFF, v27  }
0xcb: {  	v30 =	vadd.s32 v4, v15;
	v19 =	vld.idx.msk [tilespmem:v19+s3+$0x0], $0xffff;
	v27 =	vmin.u32 v27, $0x59FF  }
0xcc: {  	v31 =	vld [tilespmem:s25+$0xFFFFFF4C];
	v26 =	vand.u32 $0x7FFFFF, v26;
	v24 =	vadd.f32 $8.388608000e+06, v24  }
0xcd: {  	v32 =	vadd.s32 v9, v20;
	v23 =	vld.idx.msk [tilespmem:v23+s3+$0x0], $0xffff;
	v26 =	vmin.u32 v26, $0x59FF  }
0xce: {  	[tilespmem:v22+s14+$0x0] =	vst.idx.msk $0xffff, v25;
	v22 =	vadd.f32 $8.388608000e+06, v28;
	v24 =	vand.u32 $0x7FFFFF, v24;
	v18 =	vld.idx.msk [tilespmem:v18+s3+$0x0], $0xffff  }
0xcf: {  	v28 =	vadd.s32 v9, v21;
	v25 =	vld [tilespmem:s23+$0x50];
	v24 =	vmin.u32 v24, $0x59FF  }
0xd0: {  	v29 =	vadd.f32 $8.388608000e+06, v29;
	v27 =	vld.idx.msk [tilespmem:v27+s3+$0x0], $0xffff;
	[tilespmem:v30+s14+$0x0] =	vst.idx.msk $0xffff, v19;
	v19 =	vand.u32 $0x7FFFFF, v22  }
0xd1: {  	v22 =	vadd.s32 v2, v16;
	v30 =	vld [tilespmem:s23+$0xFFFFFF9C];
	v19 =	vmin.u32 v19, $0x59FF  }
0xd2: {  	v31 =	vadd.f32 $8.388608000e+06, v31;
	v29 =	vand.u32 $0x7FFFFF, v29;
	v26 =	vld.idx.msk [tilespmem:v26+s3+$0x0], $0xffff;
	[tilespmem:v32+s14+$0x0] =	vst.idx.msk $0xffff, v23  }
0xd3: {  	v23 =	vmin.u32 v29, $0x59FF;
	v29 =	vadd.s32 v2, v17;
	v32 =	vld [tilespmem:s21+$0xA0]  }
0xd4: {  	v31 =	vand.u32 $0x7FFFFF, v31;
	[tilespmem:v28+s14+$0x0] =	vst.idx.msk $0xffff, v18;
	v25 =	vadd.f32 $8.388608000e+06, v25;
	v24 =	vld.idx.msk [tilespmem:v24+s3+$0x0], $0xffff  }
0xd5: {  	v28 =	vmin.u32 v31, $0x59FF;
	v31 =	vadd.s32 v7, v12;
	v33 =	vld [tilespmem:s21+$0xFFFFFFEC]  }
0xd6: {  	s26 =	simm.s32 $0x9;
	[tilespmem:v22+s14+$0x0] =	vst.idx.msk $0xffff, v27;
	v22 =	vadd.f32 $8.388608000e+06, v30;
	v18 =	vand.u32 $0x7FFFFF, v25;
	v25 =	vld.idx.msk [tilespmem:v19+s3+$0x0], $0xffff  }
0xd7: {  	v34 =	vadd.s32 v7, v13;
	v19 =	vmov s26;
	v27 =	vld [tilespmem:s24+$0x30];
	v30 =	vmin.u32 v18, $0x59FF  }
0xd8: {  	s31 =	simm.s32 $0x8;
	v23 =	vld.idx.msk [tilespmem:v23+s3+$0x0], $0xffff;
	v18 =	vand.u32 $0x7F, v19;
	[tilespmem:v29+s14+$0x0] =	vst.idx.msk $0xffff, v26;
	v19 =	vand.u32 $0x7FFFFF, v22;
	v22 =	vadd.f32 $8.388608000e+06, v32  }
0xd9: {  	v26 =	vmov s31;
	v29 =	vadd.s32 v0, v18;
	v53 =	vld [tilespmem:s24+$0xFFFFFF7C];
	v35 =	vmin.u32 v19, $0x59FF  }
0xda: {  	v28 =	vld.idx.msk [tilespmem:v28+s3+$0x0], $0xffff;
	v19 =	vand.u32 $0x7E, v26;
	[tilespmem:v31+s14+$0x0] =	vst.idx.msk $0xffff, v24;
	v24 =	vadd.f32 $8.388608000e+06, v33;
	v22 =	vand.u32 $0x7FFFFF, v22  }
0xdb: {  	v26 =	vadd.s32 v0, v19;
	v31 =	vld [tilespmem:s22+$0x80];
	v22 =	vmin.u32 v22, $0x59FF  }
0xdc: {  	v27 =	vadd.f32 $8.388608000e+06, v27;
	[tilespmem:v34+s14+$0x0] =	vst.idx.msk $0xffff, v25;
	v24 =	vand.u32 $0x7FFFFF, v24;
	v30 =	vld.idx.msk [tilespmem:v30+s3+$0x0], $0xffff  }
0xdd: {  	v25 =	vadd.s32 v5, v14;
	v54 =	vld [tilespmem:s22+$0xFFFFFFCC];
	v24 =	vmin.u32 v24, $0x59FF  }
0xde: {  	[tilespmem:v29+s14+$0x0] =	vst.idx.msk $0xffff, v23;
	v23 =	vadd.f32 $8.388608000e+06, v53;
	v27 =	vand.u32 $0x7FFFFF, v27;
	v29 =	vld.idx.msk [tilespmem:v35+s3+$0x0], $0xffff  }
0xdf: {  	v56 =	vadd.s32 v5, v15;
	v55 =	vld [tilespmem:s25+$0x10];
	v27 =	vmin.u32 v27, $0x59FF  }
0xe0: {  	[tilespmem:v26+s14+$0x0] =	vst.idx.msk $0xffff, v28;
	v23 =	vand.u32 $0x7FFFFF, v23;
	v26 =	vadd.f32 $8.388608000e+06, v31;
	v22 =	vld.idx.msk [tilespmem:v22+s3+$0x0], $0xffff  }
0xe1: {  	v31 =	vadd.s32 v10, v20;
	v28 =	vld [tilespmem:s25+$0xFFFFFF5C];
	v23 =	vmin.u32 v23, $0x59FF  }
0xe2: {  	[tilespmem:v25+s14+$0x0] =	vst.idx.msk $0xffff, v30;
	v25 =	vadd.f32 $8.388608000e+06, v54;
	v26 =	vand.u32 $0x7FFFFF, v26;
	v24 =	vld.idx.msk [tilespmem:v24+s3+$0x0], $0xffff  }
0xe3: {  	v57 =	vadd.s32 v10, v21;
	v30 =	vld [tilespmem:s23+$0x60];
	v26 =	vmin.u32 v26, $0x59FF  }
0xe4: {  	v32 =	vadd.f32 $8.388608000e+06, v55;
	v27 =	vld.idx.msk [tilespmem:v27+s3+$0x0], $0xffff;
	[tilespmem:v56+s14+$0x0] =	vst.idx.msk $0xffff, v29;
	v25 =	vand.u32 $0x7FFFFF, v25  }
0xe5: {  	v29 =	vadd.s32 v3, v16;
	v34 =	vld [tilespmem:s23+$0xFFFFFFAC];
	v25 =	vmin.u32 v25, $0x59FF  }
0xe6: {  	v28 =	vadd.f32 $8.388608000e+06, v28;
	v32 =	vand.u32 $0x7FFFFF, v32;
	v23 =	vld.idx.msk [tilespmem:v23+s3+$0x0], $0xffff;
	[tilespmem:v31+s14+$0x0] =	vst.idx.msk $0xffff, v22  }
0xe7: {  	v31 =	vadd.s32 v3, v17;
	v22 =	vmin.u32 v32, $0x59FF;
	v58 =	vld [tilespmem:s21+$0xA4]  }
0xe8: {  	[tilespmem:v57+s14+$0x0] =	vst.idx.msk $0xffff, v24;
	v28 =	vand.u32 $0x7FFFFF, v28;
	v30 =	vadd.f32 $8.388608000e+06, v30;
	v26 =	vld.idx.msk [tilespmem:v26+s3+$0x0], $0xffff  }
0xe9: {  	v33 =	vld [tilespmem:s21+$0xFFFFFFF0];
	v24 =	vmin.u32 v28, $0x59FF;
	v28 =	vadd.s32 v8, v12  }
0xea: {  	[tilespmem:v29+s14+$0x0] =	vst.idx.msk $0xffff, v27;
	v27 =	vadd.f32 $8.388608000e+06, v34;
	v29 =	vand.u32 $0x7FFFFF, v30;
	v25 =	vld.idx.msk [tilespmem:v25+s3+$0x0], $0xffff  }
0xeb: {  	v59 =	vadd.s32 v8, v13;
	v30 =	vld [tilespmem:s24+$0x40];
	v29 =	vmin.u32 v29, $0x59FF  }
0xec: {  	[tilespmem:v31+s14+$0x0] =	vst.idx.msk $0xffff, v23;
	v22 =	vld.idx.msk [tilespmem:v22+s3+$0x0], $0xffff;
	v23 =	vand.u32 $0x7FFFFF, v27;
	v27 =	vadd.f32 $8.388608000e+06, v58  }
0xed: {  	v31 =	vadd.s32 v1, v18;
	v60 =	vld [tilespmem:s24+$0xFFFFFF8C];
	v23 =	vmin.u32 v23, $0x59FF  }
0xee: {  	v24 =	vld.idx.msk [tilespmem:v24+s3+$0x0], $0xffff;
	[tilespmem:v28+s14+$0x0] =	vst.idx.msk $0xffff, v26;
	v26 =	vadd.f32 $8.388608000e+06, v33;
	v27 =	vand.u32 $0x7FFFFF, v27  }
0xef: {  	v28 =	vadd.s32 v1, v19;
	v61 =	vld [tilespmem:s22+$0x90];
	v27 =	vmin.u32 v27, $0x59FF  }
0xf0: {  	v30 =	vadd.f32 $8.388608000e+06, v30;
	[tilespmem:v59+s14+$0x0] =	vst.idx.msk $0xffff, v25;
	v29 =	vld.idx.msk [tilespmem:v29+s3+$0x0], $0xffff;
	v25 =	vand.u32 $0x7FFFFF, v26  }
0xf1: {  	v26 =	vadd.s32 v6, v14;
	v34 =	vld [tilespmem:s22+$0xFFFFFFDC];
	v25 =	vmin.u32 v25, $0x59FF  }
0xf2: {  	[tilespmem:v31+s14+$0x0] =	vst.idx.msk $0xffff, v22;
	v22 =	vadd.f32 $8.388608000e+06, v60;
	v30 =	vand.u32 $0x7FFFFF, v30;
	v23 =	vld.idx.msk [tilespmem:v23+s3+$0x0], $0xffff  }
0xf3: {  	v62 =	vadd.s32 v6, v15;
	v31 =	vld [tilespmem:s25+$0x20];
	v30 =	vmin.u32 v30, $0x59FF  }
0xf4: {  	[tilespmem:v28+s14+$0x0] =	vst.idx.msk $0xffff, v24;
	v22 =	vand.u32 $0x7FFFFF, v22;
	v63 =	vld.idx.msk [tilespmem:v27+s3+$0x0], $0xffff;
	v24 =	vadd.f32 $8.388608000e+06, v61  }
0xf5: {  	v36 =	vld [tilespmem:s25+$0xFFFFFF6C];
	v22 =	vmin.u32 v22, $0x59FF  }
0xf6: {  	v37 =	vadd.s32 v11, v20;
	[tilespmem:v26+s14+$0x0] =	vst.idx.msk $0xffff, v29;
	v20 =	vld.idx.msk [tilespmem:v25+s3+$0x0], $0xffff;
	v25 =	vadd.f32 $8.388608000e+06, v34;
	v24 =	vand.u32 $0x7FFFFF, v24  }
0xf7: {  	v21 =	vadd.s32 v11, v21;
	v27 =	vld [tilespmem:s23+$0x70];
	v24 =	vmin.u32 v24, $0x59FF  }
0xf8: {  	v29 =	vadd.f32 $8.388608000e+06, v31;
	v28 =	vld.idx.msk [tilespmem:v30+s3+$0x0], $0xffff;
	[tilespmem:v62+s14+$0x0] =	vst.idx.msk $0xffff, v23;
	v23 =	vand.u32 $0x7FFFFF, v25  }
0xf9: {  	v30 =	vadd.s32 v4, v16;
	v26 =	vld [tilespmem:s23+$0xFFFFFFBC];
	v25 =	vmin.u32 v23, $0x59FF  }
0xfa: {  	s28 =	simm.s32 $0x61BC;
	s29 =	simm.s32 $0xA;
	v23 =	vand.u32 $0x7FFFFF, v29;
	v29 =	vld.idx.msk [tilespmem:v22+s3+$0x0], $0xffff;
	v33 =	vadd.f32 $8.388608000e+06, v36  }
0xfb: {  	s30 =	simm.s32 $0xC;
	s26 =	sshll.u32 s20, $0x8;
	s21 =	sshllo.u32 s20, $0x1;
	v31 =	vadd.s32 v4, v17;
	[tilespmem:v37+s14+$0x0] =	vst.idx.msk $0xffff, v63;
	v22 =	vld [tilespmem:s28+$0x0];
	v32 =	vmin.u32 v23, $0x59FF  }
.LBB2_3:
0xfc: {  	p1 =	slt.u32 s30, $0x7E;
	v23 =	vand.u32 $0x7FFFFF, v33;
	v27 =	vadd.f32 $8.388608000e+06, v27;
	v24 =	vld.idx.msk [tilespmem:v24+s3+$0x0], $0xffff;
	[tilespmem:v21+s14+$0x0] =	vst.idx.msk $0xffff, v20  }
0xfd: {  	v20 =	vld [tilespmem:s28+$0xFFFFFF4C];
	v21 =	vmin.u32 v23, $0x59FF;
	v23 =	vadd.s32 v9, v12  }
0xfe: {  	[tilespmem:v30+s14+$0x0] =	vst.idx.msk $0xffff, v28;
	v26 =	vadd.f32 $8.388608000e+06, v26;
	v27 =	vand.u32 $0x7FFFFF, v27;
	v25 =	vld.idx.msk [tilespmem:v25+s3+$0x0], $0xffff  }
0xff: {  	v30 =	vadd.s32 v9, v13;
	v28 =	vld [tilespmem:s24+$0x50];
	v27 =	vmin.u32 v27, $0x59FF  }
0x100: {  	v22 =	vadd.f32 $8.388608000e+06, v22;
	v32 =	vld.idx.msk [tilespmem:v32+s3+$0x0], $0xffff;
	[tilespmem:v31+s14+$0x0] =	vst.idx.msk $0xffff, v29;
	v26 =	vand.u32 $0x7FFFFF, v26  }
0x101: {  	v29 =	vadd.s32 v2, v18;
	v31 =	vld [tilespmem:s24+$0xFFFFFF9C];
	v26 =	vmin.u32 v26, $0x59FF  }
0x102: {  	v20 =	vadd.f32 $8.388608000e+06, v20;
	v22 =	vand.u32 $0x7FFFFF, v22;
	v33 =	vld.idx.msk [tilespmem:v21+s3+$0x0], $0xffff;
	[tilespmem:v23+s14+$0x0] =	vst.idx.msk $0xffff, v24  }
0x103: {  	v21 =	vmin.u32 v22, $0x59FF;
	v22 =	vadd.s32 v2, v19;
	v23 =	vld [tilespmem:s22+$0xA0]  }
0x104: {  	v20 =	vand.u32 $0x7FFFFF, v20;
	v24 =	vadd.f32 $8.388608000e+06, v28;
	v27 =	vld.idx.msk [tilespmem:v27+s3+$0x0], $0xffff;
	[tilespmem:v30+s14+$0x0] =	vst.idx.msk $0xffff, v25  }
0x105: {  	v25 =	vadd.s32 v7, v14;
	v20 =	vmin.u32 v20, $0x59FF;
	v28 =	vld [tilespmem:s22+$0xFFFFFFEC]  }
0x106: {  	s31 =	sadd.s32 $0x1, s29;
	[tilespmem:v29+s14+$0x0] =	vst.idx.msk $0xffff, v32;
	v29 =	vadd.f32 $8.388608000e+06, v31;
	v24 =	vand.u32 $0x7FFFFF, v24;
	v26 =	vld.idx.msk [tilespmem:v26+s3+$0x0], $0xffff  }
0x107: {  	v30 =	vmov s31;
	v32 =	vadd.s32 v7, v15;
	v31 =	vld [tilespmem:s25+$0x30];
	v24 =	vmin.u32 v24, $0x59FF  }
0x108: {  	v34 =	vld.idx.msk [tilespmem:v21+s3+$0x0], $0xffff;
	v21 =	vand.u32 $0x7F, v30;
	[tilespmem:v22+s14+$0x0] =	vst.idx.msk $0xffff, v33;
	v22 =	vand.u32 $0x7FFFFF, v29;
	v23 =	vadd.f32 $8.388608000e+06, v23  }
0x109: {  	v29 =	vmov s29;
	s29 =	smov.u32 s30;
	v30 =	vadd.s32 v0, v21;
	v33 =	vld [tilespmem:s25+$0xFFFFFF7C];
	v35 =	vmin.u32 v22, $0x59FF  }
0x10a: {  	v22 =	vand.u32 $0x7E, v29;
	v20 =	vld.idx.msk [tilespmem:v20+s3+$0x0], $0xffff;
	[tilespmem:v25+s14+$0x0] =	vst.idx.msk $0xffff, v27;
	v25 =	vadd.f32 $8.388608000e+06, v28;
	v23 =	vand.u32 $0x7FFFFF, v23  }
0x10b: {  	v27 =	vadd.s32 v0, v22;
	v28 =	vld [tilespmem:s23+$0x80];
	v23 =	vmin.u32 v23, $0x59FF  }
0x10c: {  	v29 =	vadd.f32 $8.388608000e+06, v31;
	v24 =	vld.idx.msk [tilespmem:v24+s3+$0x0], $0xffff;
	[tilespmem:v32+s14+$0x0] =	vst.idx.msk $0xffff, v26;
	v25 =	vand.u32 $0x7FFFFF, v25  }
0x10d: {  	v26 =	vadd.s32 v5, v16;
	v31 =	vld [tilespmem:s23+$0xFFFFFFCC];
	v25 =	vmin.u32 v25, $0x59FF  }
0x10e: {  	[tilespmem:v30+s14+$0x0] =	vst.idx.msk $0xffff, v34;
	v30 =	vadd.f32 $8.388608000e+06, v33;
	v29 =	vand.u32 $0x7FFFFF, v29;
	v32 =	vld.idx.msk [tilespmem:v35+s3+$0x0], $0xffff  }
0x10f: {  	v34 =	vadd.s32 v5, v17;
	v33 =	vld [tilespmem:s28+$0x10];
	v29 =	vmin.u32 v29, $0x59FF  }
0x110: {  	[tilespmem:v27+s14+$0x0] =	vst.idx.msk $0xffff, v20;
	v20 =	vand.u32 $0x7FFFFF, v30;
	v27 =	vadd.f32 $8.388608000e+06, v28;
	v23 =	vld.idx.msk [tilespmem:v23+s3+$0x0], $0xffff  }
0x111: {  	v30 =	vadd.s32 v10, v12;
	v28 =	vld [tilespmem:s28+$0xFFFFFF5C];
	v20 =	vmin.u32 v20, $0x59FF  }
0x112: {  	[tilespmem:v26+s14+$0x0] =	vst.idx.msk $0xffff, v24;
	v24 =	vadd.f32 $8.388608000e+06, v31;
	v26 =	vand.u32 $0x7FFFFF, v27;
	v25 =	vld.idx.msk [tilespmem:v25+s3+$0x0], $0xffff  }
0x113: {  	v31 =	vadd.s32 v10, v13;
	v27 =	vld [tilespmem:s24+$0x60];
	v26 =	vmin.u32 v26, $0x59FF  }
0x114: {  	v33 =	vadd.f32 $8.388608000e+06, v33;
	v29 =	vld.idx.msk [tilespmem:v29+s3+$0x0], $0xffff;
	[tilespmem:v34+s14+$0x0] =	vst.idx.msk $0xffff, v32;
	v24 =	vand.u32 $0x7FFFFF, v24  }
0x115: {  	v32 =	vadd.s32 v3, v18;
	v34 =	vld [tilespmem:s24+$0xFFFFFFAC];
	v24 =	vmin.u32 v24, $0x59FF  }
0x116: {  	v28 =	vadd.f32 $8.388608000e+06, v28;
	v33 =	vand.u32 $0x7FFFFF, v33;
	v20 =	vld.idx.msk [tilespmem:v20+s3+$0x0], $0xffff;
	[tilespmem:v30+s14+$0x0] =	vst.idx.msk $0xffff, v23  }
0x117: {  	v30 =	vadd.s32 v3, v19;
	v23 =	vmin.u32 v33, $0x59FF;
	v33 =	vld [tilespmem:s22+$0xA4]  }
0x118: {  	v28 =	vand.u32 $0x7FFFFF, v28;
	v27 =	vadd.f32 $8.388608000e+06, v27;
	v26 =	vld.idx.msk [tilespmem:v26+s3+$0x0], $0xffff;
	[tilespmem:v31+s14+$0x0] =	vst.idx.msk $0xffff, v25  }
0x119: {  	v25 =	vmin.u32 v28, $0x59FF;
	v28 =	vadd.s32 v8, v14;
	v31 =	vld [tilespmem:s22+$0xFFFFFFF0];
	s22 =	smov.u32 s23;
	s23 =	smov.u32 s24;
	s24 =	smov.u32 s25  }
0x11a: {  	s25 =	smov.u32 s28;
	[tilespmem:v32+s14+$0x0] =	vst.idx.msk $0xffff, v29;
	v29 =	vadd.f32 $8.388608000e+06, v34;
	v27 =	vand.u32 $0x7FFFFF, v27;
	v24 =	vld.idx.msk [tilespmem:v24+s3+$0x0], $0xffff  }
0x11b: {  	v34 =	vadd.s32 v8, v15;
	v32 =	vld [tilespmem:s24+$0x40];
	v27 =	vmin.u32 v27, $0x59FF  }
0x11c: {  	v23 =	vld.idx.msk [tilespmem:v23+s3+$0x0], $0xffff;
	[tilespmem:v30+s14+$0x0] =	vst.idx.msk $0xffff, v20;
	v20 =	vand.u32 $0x7FFFFF, v29;
	v29 =	vadd.f32 $8.388608000e+06, v33  }
0x11d: {  	v30 =	vadd.s32 v1, v21;
	v33 =	vld [tilespmem:s24+$0xFFFFFF8C];
	v20 =	vmin.u32 v20, $0x59FF  }
0x11e: {  	v25 =	vld.idx.msk [tilespmem:v25+s3+$0x0], $0xffff;
	[tilespmem:v28+s14+$0x0] =	vst.idx.msk $0xffff, v26;
	v26 =	vadd.f32 $8.388608000e+06, v31;
	v28 =	vand.u32 $0x7FFFFF, v29  }
0x11f: {  	v29 =	vadd.s32 v1, v22;
	v31 =	vld [tilespmem:s22+$0x90];
	v28 =	vmin.u32 v28, $0x59FF  }
0x120: {  	v32 =	vadd.f32 $8.388608000e+06, v32;
	v27 =	vld.idx.msk [tilespmem:v27+s3+$0x0], $0xffff;
	[tilespmem:v34+s14+$0x0] =	vst.idx.msk $0xffff, v24;
	v24 =	vand.u32 $0x7FFFFF, v26  }
0x121: {  	v26 =	vadd.s32 v6, v16;
	v34 =	vld [tilespmem:s22+$0xFFFFFFDC];
	v24 =	vmin.u32 v24, $0x59FF  }
0x122: {  	[tilespmem:v30+s14+$0x0] =	vst.idx.msk $0xffff, v23;
	v23 =	vadd.f32 $8.388608000e+06, v33;
	v30 =	vand.u32 $0x7FFFFF, v32;
	v32 =	vld.idx.msk [tilespmem:v20+s3+$0x0], $0xffff  }
0x123: {  	v35 =	vadd.s32 v6, v17;
	v33 =	vld [tilespmem:s28+$0x20];
	v30 =	vmin.u32 v30, $0x59FF  }
0x124: {  	[tilespmem:v29+s14+$0x0] =	vst.idx.msk $0xffff, v25;
	v20 =	vand.u32 $0x7FFFFF, v23;
	v23 =	vadd.f32 $8.388608000e+06, v31;
	v31 =	vld.idx.msk [tilespmem:v28+s3+$0x0], $0xffff  }
0x125: {  	v37 =	vadd.s32 v11, v12;
	v12 =	vmovc v14;
	v14 =	vmovc v16;
	v16 =	vmov v18;
	v29 =	vld [tilespmem:s28+$0xFFFFFF6C];
	v36 =	vmin.u32 v20, $0x59FF  }
0x126: {  	v18 =	vmov v21;
	[tilespmem:v26+s14+$0x0] =	vst.idx.msk $0xffff, v27;
	v25 =	vadd.f32 $8.388608000e+06, v34;
	v23 =	vand.u32 $0x7FFFFF, v23;
	v20 =	vld.idx.msk [tilespmem:v24+s3+$0x0], $0xffff  }
.Ltmp0:
0x127: {  	v21 =	vadd.s32 v11, v13;
	v13 =	vmovc v15;
	v15 =	vmovc v17;
	v17 =	vmov v19;
	v27 =	vld [tilespmem:s23+$0x70];
	v24 =	vmin.u32 v23, $0x59FF;
	(pc) =	sbr.rel @p1 .LBB2_3-.Ltmp0, $4  }
0x128: {  	v19 =	vmov v22;
	v23 =	vadd.f32 $8.388608000e+06, v33;
	v28 =	vld.idx.msk [tilespmem:v30+s3+$0x0], $0xffff;
	[tilespmem:v35+s14+$0x0] =	vst.idx.msk $0xffff, v32;
	v25 =	vand.u32 $0x7FFFFF, v25  }
0x129: {  	v30 =	vadd.s32 v4, v16;
	v26 =	vld [tilespmem:s23+$0xFFFFFFBC];
	v25 =	vmin.u32 v25, $0x59FF  }
0x12a: {  	s28 =	sadd.s32 $0x168, s28;
	v33 =	vadd.f32 $8.388608000e+06, v29;
	v23 =	vand.u32 $0x7FFFFF, v23;
	v29 =	vld.idx.msk [tilespmem:v36+s3+$0x0], $0xffff;
	[tilespmem:v37+s14+$0x0] =	vst.idx.msk $0xffff, v31  }
0x12b: {  	s30 =	sadd.s32 $0x2, s30;
	v31 =	vadd.s32 v4, v17;
	v22 =	vld [tilespmem:s28+$0x0];
	v32 =	vmin.u32 v23, $0x59FF  }
0x12c: {  	v23 =	vld [tilespmem:s28+$0xFFFFFF4C];
	_ =	sdelay $0x3  }
0x12d: {  	v22 =	vadd.f32 $8.388608000e+06, v22  }
0x12e: {  	v23 =	vadd.f32 $8.388608000e+06, v23  }
0x12f: {  	v22 =	vand.u32 $0x7FFFFF, v22  }
0x130: {  	v34 =	vmin.u32 v22, $0x59FF;
	v54 =	vand.u32 $0x7FFFFF, v23  }
0x131: {  	v35 =	vmin.u32 v54, $0x59FF  }
0x132: {  	s30 =	sadd.s32 $0x1, s29  }
0x133: {  	v55 =	vmov s30  }
0x134: {  	v56 =	vmov s29;
	v22 =	vand.u32 $0x7F, v55  }
0x135: {  	v23 =	vand.u32 $0x7E, v56;
	v36 =	vadd.s32 v0, v22;
	v34 =	vld.idx.msk [tilespmem:v34+s3+$0x0], $0xffff  }
0x136: {  	v37 =	vadd.s32 v0, v23;
	v35 =	vld.idx.msk [tilespmem:v35+s3+$0x0], $0xffff;
	_ =	sdelay $0x3  }
0x137: {  	[tilespmem:v36+s14+$0x0] =	vst.idx.msk $0xffff, v34  }
0x138: {  	v34 =	vld [tilespmem:s28+$0x10];
	[tilespmem:v37+s14+$0x0] =	vst.idx.msk $0xffff, v35  }
0x139: {  	v35 =	vld [tilespmem:s28+$0xFFFFFF5C];
	_ =	sdelay $0x3  }
0x13a: {  	v34 =	vadd.f32 $8.388608000e+06, v34  }
0x13b: {  	v35 =	vadd.f32 $8.388608000e+06, v35  }
0x13c: {  	v34 =	vand.u32 $0x7FFFFF, v34  }
0x13d: {  	v34 =	vmin.u32 v34, $0x59FF;
	v35 =	vand.u32 $0x7FFFFF, v35  }
0x13e: {  	v35 =	vmin.u32 v35, $0x59FF;
	_ =	sdelay $0x3  }
0x13f: {  	v57 =	vadd.s32 v1, v22;
	v34 =	vld.idx.msk [tilespmem:v34+s3+$0x0], $0xffff  }
0x140: {  	v58 =	vadd.s32 v1, v23;
	v35 =	vld.idx.msk [tilespmem:v35+s3+$0x0], $0xffff;
	_ =	sdelay $0x3  }
0x141: {  	[tilespmem:v57+s14+$0x0] =	vst.idx.msk $0xffff, v34  }
0x142: {  	v33 =	vand.u32 $0x7FFFFF, v33;
	v34 =	vld [tilespmem:s28+$0x20];
	[tilespmem:v58+s14+$0x0] =	vst.idx.msk $0xffff, v35  }
0x143: {  	v33 =	vmin.u32 v33, $0x59FF;
	v35 =	vld [tilespmem:s28+$0xFFFFFF6C]  }
0x144: {  	v32 =	vld.idx.msk [tilespmem:v32+s3+$0x0], $0xffff;
	v59 =	vadd.s32 v2, v18;
	_ =	sdelay $0x2  }
0x145: {  	v34 =	vadd.f32 $8.388608000e+06, v34  }
0x146: {  	v60 =	vadd.s32 v2, v19;
	v33 =	vld.idx.msk [tilespmem:v33+s3+$0x0], $0xffff;
	v35 =	vadd.f32 $8.388608000e+06, v35  }
0x147: {  	[tilespmem:v59+s14+$0x0] =	vst.idx.msk $0xffff, v32;
	v34 =	vand.u32 $0x7FFFFF, v34  }
0x148: {  	v32 =	vld [tilespmem:s25+$0x30];
	v34 =	vmin.u32 v34, $0x59FF;
	v35 =	vand.u32 $0x7FFFFF, v35  }
0x149: {  	v35 =	vmin.u32 v35, $0x59FF;
	_ =	sdelay $0x1  }
0x14a: {  	[tilespmem:v60+s14+$0x0] =	vst.idx.msk $0xffff, v33  }
0x14b: {  	v33 =	vld [tilespmem:s25+$0xFFFFFF7C]  }
0x14c: {  	v38 =	vadd.s32 v2, v22;
	v32 =	vadd.f32 $8.388608000e+06, v32;
	v34 =	vld.idx.msk [tilespmem:v34+s3+$0x0], $0xffff  }
0x14d: {  	v39 =	vadd.s32 v2, v23;
	v35 =	vld.idx.msk [tilespmem:v35+s3+$0x0], $0xffff  }
0x14e: {  	v32 =	vand.u32 $0x7FFFFF, v32  }
0x14f: {  	v32 =	vmin.u32 v32, $0x59FF  }
0x150: {  	v33 =	vadd.f32 $8.388608000e+06, v33  }
0x151: {  	[tilespmem:v38+s14+$0x0] =	vst.idx.msk $0xffff, v34  }
0x152: {  	v33 =	vand.u32 $0x7FFFFF, v33;
	v34 =	vld [tilespmem:s28+$0x30];
	[tilespmem:v39+s14+$0x0] =	vst.idx.msk $0xffff, v35  }
0x153: {  	v33 =	vmin.u32 v33, $0x59FF;
	v35 =	vld [tilespmem:s28+$0xFFFFFF7C]  }
0x154: {  	v61 =	vadd.s32 v3, v18;
	v32 =	vld.idx.msk [tilespmem:v32+s3+$0x0], $0xffff;
	_ =	sdelay $0x2  }
0x155: {  	v34 =	vadd.f32 $8.388608000e+06, v34  }
0x156: {  	v62 =	vadd.s32 v3, v19;
	v33 =	vld.idx.msk [tilespmem:v33+s3+$0x0], $0xffff;
	v35 =	vadd.f32 $8.388608000e+06, v35  }
0x157: {  	[tilespmem:v61+s14+$0x0] =	vst.idx.msk $0xffff, v32;
	v34 =	vand.u32 $0x7FFFFF, v34  }
0x158: {  	v32 =	vld [tilespmem:s25+$0x40];
	v34 =	vmin.u32 v34, $0x59FF;
	v35 =	vand.u32 $0x7FFFFF, v35  }
0x159: {  	v35 =	vmin.u32 v35, $0x59FF;
	_ =	sdelay $0x1  }
0x15a: {  	[tilespmem:v62+s14+$0x0] =	vst.idx.msk $0xffff, v33  }
0x15b: {  	v33 =	vld [tilespmem:s25+$0xFFFFFF8C]  }
0x15c: {  	v63 =	vadd.s32 v3, v22;
	v32 =	vadd.f32 $8.388608000e+06, v32;
	v34 =	vld.idx.msk [tilespmem:v34+s3+$0x0], $0xffff  }
0x15d: {  	v42 =	vadd.s32 v3, v23;
	v35 =	vld.idx.msk [tilespmem:v35+s3+$0x0], $0xffff  }
0x15e: {  	v32 =	vand.u32 $0x7FFFFF, v32  }
0x15f: {  	v32 =	vmin.u32 v32, $0x59FF  }
0x160: {  	v33 =	vadd.f32 $8.388608000e+06, v33  }
0x161: {  	[tilespmem:v63+s14+$0x0] =	vst.idx.msk $0xffff, v34  }
0x162: {  	v33 =	vand.u32 $0x7FFFFF, v33;
	v34 =	vld [tilespmem:s28+$0x40];
	[tilespmem:v42+s14+$0x0] =	vst.idx.msk $0xffff, v35  }
0x163: {  	v33 =	vmin.u32 v33, $0x59FF;
	v35 =	vld [tilespmem:s28+$0xFFFFFF8C]  }
0x164: {  	v43 =	vadd.s32 v4, v18;
	v32 =	vld.idx.msk [tilespmem:v32+s3+$0x0], $0xffff;
	_ =	sdelay $0x1  }
0x165: {  	[tilespmem:v31+s14+$0x0] =	vst.idx.msk $0xffff, v29  }
0x166: {  	v29 =	vld [tilespmem:s24+$0xFFFFFF9C];
	v34 =	vadd.f32 $8.388608000e+06, v34  }
0x167: {  	v44 =	vadd.s32 v4, v19;
	v33 =	vld.idx.msk [tilespmem:v33+s3+$0x0], $0xffff;
	v35 =	vadd.f32 $8.388608000e+06, v35  }
0x168: {  	[tilespmem:v43+s14+$0x0] =	vst.idx.msk $0xffff, v32;
	v34 =	vand.u32 $0x7FFFFF, v34  }
0x169: {  	v49 =	vld [tilespmem:s25+$0x50];
	v34 =	vmin.u32 v34, $0x59FF;
	v35 =	vand.u32 $0x7FFFFF, v35  }
0x16a: {  	v27 =	vadd.f32 $8.388608000e+06, v27;
	v35 =	vmin.u32 v35, $0x59FF  }
0x16b: {  	v29 =	vadd.f32 $8.388608000e+06, v29  }
0x16c: {  	v27 =	vand.u32 $0x7FFFFF, v27;
	[tilespmem:v44+s14+$0x0] =	vst.idx.msk $0xffff, v33  }
0x16d: {  	v27 =	vmin.u32 v27, $0x59FF;
	v29 =	vand.u32 $0x7FFFFF, v29;
	v50 =	vld [tilespmem:s25+$0xFFFFFF9C]  }
0x16e: {  	v45 =	vadd.s32 v4, v22;
	v29 =	vmin.u32 v29, $0x59FF;
	v31 =	vadd.f32 $8.388608000e+06, v49;
	v34 =	vld.idx.msk [tilespmem:v34+s3+$0x0], $0xffff  }
0x16f: {  	v47 =	vadd.s32 v4, v23;
	v46 =	vld.idx.msk [tilespmem:v35+s3+$0x0], $0xffff  }
0x170: {  	[tilespmem:v30+s14+$0x0] =	vst.idx.msk $0xffff, v28;
	v31 =	vand.u32 $0x7FFFFF, v31  }
0x171: {  	v48 =	vld [tilespmem:s24+$0x50];
	v31 =	vmin.u32 v31, $0x59FF  }
0x172: {  	v27 =	vld.idx.msk [tilespmem:v27+s3+$0x0], $0xffff;
	v32 =	vadd.f32 $8.388608000e+06, v50  }
0x173: {  	v29 =	vld.idx.msk [tilespmem:v29+s3+$0x0], $0xffff;
	v58 =	vadd.s32 v5, v17;
	[tilespmem:v45+s14+$0x0] =	vst.idx.msk $0xffff, v34  }
0x174: {  	v32 =	vand.u32 $0x7FFFFF, v32;
	v51 =	vld [tilespmem:s28+$0x50];
	[tilespmem:v47+s14+$0x0] =	vst.idx.msk $0xffff, v46  }
0x175: {  	v53 =	vadd.s32 v7, v14;
	v54 =	vmin.u32 v32, $0x59FF;
	v30 =	vld [tilespmem:s28+$0xFFFFFF9C]  }
0x176: {  	v59 =	vadd.s32 v5, v18;
	v31 =	vld.idx.msk [tilespmem:v31+s3+$0x0], $0xffff  }
0x177: {  	v52 =	vadd.f32 $8.388608000e+06, v48  }
0x178: {  	[tilespmem:v58+s14+$0x0] =	vst.idx.msk $0xffff, v29  }
0x179: {  	v28 =	vand.u32 $0x7FFFFF, v52;
	v29 =	vld [tilespmem:s24+$0xFFFFFFAC];
	v33 =	vadd.f32 $8.388608000e+06, v51  }
0x17a: {  	v28 =	vmin.u32 v28, $0x59FF;
	v60 =	vadd.s32 v5, v19;
	[tilespmem:v53+s14+$0x0] =	vst.idx.msk $0xffff, v27;
	v27 =	vld.idx.msk [tilespmem:v54+s3+$0x0], $0xffff;
	v30 =	vadd.f32 $8.388608000e+06, v30  }
0x17b: {  	[tilespmem:v59+s14+$0x0] =	vst.idx.msk $0xffff, v31;
	v55 =	vand.u32 $0x7FFFFF, v33  }
0x17c: {  	v26 =	vadd.f32 $8.388608000e+06, v26;
	v31 =	vld [tilespmem:s25+$0x60];
	v32 =	vmin.u32 v55, $0x59FF;
	v30 =	vand.u32 $0x7FFFFF, v30  }
0x17d: {  	v30 =	vmin.u32 v30, $0x59FF  }
0x17e: {  	v26 =	vand.u32 $0x7FFFFF, v26;
	v29 =	vadd.f32 $8.388608000e+06, v29  }
0x17f: {  	v26 =	vmin.u32 v26, $0x59FF;
	v28 =	vld.idx.msk [tilespmem:v28+s3+$0x0], $0xffff;
	v57 =	vadd.s32 v5, v16;
	[tilespmem:v60+s14+$0x0] =	vst.idx.msk $0xffff, v27  }
0x180: {  	v29 =	vand.u32 $0x7FFFFF, v29;
	v27 =	vld [tilespmem:s25+$0xFFFFFFAC]  }
0x181: {  	v61 =	vadd.s32 v5, v22;
	v29 =	vmin.u32 v29, $0x59FF;
	v31 =	vadd.f32 $8.388608000e+06, v31;
	v32 =	vld.idx.msk [tilespmem:v32+s3+$0x0], $0xffff  }
0x182: {  	v63 =	vadd.s32 v5, v23;
	v62 =	vld.idx.msk [tilespmem:v30+s3+$0x0], $0xffff  }
0x183: {  	v31 =	vand.u32 $0x7FFFFF, v31  }
0x184: {  	v40 =	vadd.s32 v7, v15;
	v26 =	vld.idx.msk [tilespmem:v26+s3+$0x0], $0xffff;
	[tilespmem:v57+s14+$0x0] =	vst.idx.msk $0xffff, v28;
	v43 =	vmin.u32 v31, $0x59FF  }
0x185: {  	v34 =	vld [tilespmem:s24+$0x60]  }
0x186: {  	v29 =	vld.idx.msk [tilespmem:v29+s3+$0x0], $0xffff;
	v27 =	vadd.f32 $8.388608000e+06, v27;
	[tilespmem:v61+s14+$0x0] =	vst.idx.msk $0xffff, v32  }
0x187: {  	v39 =	vld [tilespmem:s28+$0x60];
	[tilespmem:v63+s14+$0x0] =	vst.idx.msk $0xffff, v62  }
0x188: {  	v27 =	vand.u32 $0x7FFFFF, v27;
	v42 =	vld [tilespmem:s28+$0xFFFFFFAC]  }
0x189: {  	[tilespmem:v40+s14+$0x0] =	vst.idx.msk $0xffff, v26;
	v26 =	vld.idx.msk [tilespmem:v43+s3+$0x0], $0xffff;
	v27 =	vmin.u32 v27, $0x59FF;
	v47 =	vadd.s32 v6, v17  }
0x18a: {  	v48 =	vadd.s32 v6, v18;
	v45 =	vld [tilespmem:s23+$0xFFFFFFCC];
	v41 =	vadd.f32 $8.388608000e+06, v34;
	_ =	sdelay $0x1  }
0x18b: {  	v56 =	vld [tilespmem:s23+$0x80];
	v30 =	vand.u32 $0x7FFFFF, v41;
	v33 =	vadd.f32 $8.388608000e+06, v39  }
0x18c: {  	v30 =	vmin.u32 v30, $0x59FF;
	v44 =	vadd.f32 $8.388608000e+06, v42  }
0x18d: {  	v27 =	vld.idx.msk [tilespmem:v27+s3+$0x0], $0xffff;
	[tilespmem:v47+s14+$0x0] =	vst.idx.msk $0xffff, v29;
	v33 =	vand.u32 $0x7FFFFF, v33  }
0x18e: {  	[tilespmem:v48+s14+$0x0] =	vst.idx.msk $0xffff, v26;
	v31 =	vadd.f32 $8.388608000e+06, v45;
	v53 =	vld [tilespmem:s24+$0xFFFFFFBC];
	v33 =	vmin.u32 v33, $0x59FF;
	v28 =	vand.u32 $0x7FFFFF, v44  }
0x18f: {  	v49 =	vadd.s32 v6, v19;
	v26 =	vld [tilespmem:s25+$0x70];
	v28 =	vmin.u32 v28, $0x59FF  }
0x190: {  	v38 =	vadd.f32 $8.388608000e+06, v56;
	v31 =	vand.u32 $0x7FFFFF, v31  }
0x191: {  	v46 =	vadd.s32 v6, v16;
	v52 =	vmin.u32 v31, $0x59FF;
	v30 =	vld.idx.msk [tilespmem:v30+s3+$0x0], $0xffff  }
0x192: {  	v32 =	vand.u32 $0x7FFFFF, v38  }
0x193: {  	v50 =	vadd.s32 v6, v22;
	v31 =	vadd.f32 $8.388608000e+06, v53;
	v32 =	vmin.u32 v32, $0x59FF;
	v33 =	vld.idx.msk [tilespmem:v33+s3+$0x0], $0xffff  }
0x194: {  	[tilespmem:v49+s14+$0x0] =	vst.idx.msk $0xffff, v27;
	v26 =	vadd.f32 $8.388608000e+06, v26;
	v51 =	vadd.s32 v6, v23;
	v28 =	vld.idx.msk [tilespmem:v28+s3+$0x0], $0xffff  }
0x195: {  	v27 =	vld [tilespmem:s25+$0xFFFFFFBC];
	v31 =	vand.u32 $0x7FFFFF, v31  }
0x196: {  	v26 =	vand.u32 $0x7FFFFF, v26;
	v29 =	vld.idx.msk [tilespmem:v52+s3+$0x0], $0xffff;
	v31 =	vmin.u32 v31, $0x59FF;
	[tilespmem:v46+s14+$0x0] =	vst.idx.msk $0xffff, v30  }
0x197: {  	v26 =	vmin.u32 v26, $0x59FF;
	v34 =	vld [tilespmem:s24+$0x70]  }
0x198: {  	v54 =	vadd.s32 v8, v14;
	v32 =	vld.idx.msk [tilespmem:v32+s3+$0x0], $0xffff;
	[tilespmem:v50+s14+$0x0] =	vst.idx.msk $0xffff, v33  }
0x199: {  	v33 =	vld [tilespmem:s28+$0x70];
	[tilespmem:v51+s14+$0x0] =	vst.idx.msk $0xffff, v28  }
0x19a: {  	v57 =	vadd.s32 v8, v15;
	v56 =	vld [tilespmem:s28+$0xFFFFFFBC]  }
0x19b: {  	v31 =	vld.idx.msk [tilespmem:v31+s3+$0x0], $0xffff;
	v62 =	vadd.s32 v7, v17  }
0x19c: {  	v26 =	vld.idx.msk [tilespmem:v26+s3+$0x0], $0xffff;
	v63 =	vadd.s32 v7, v18;
	v55 =	vadd.f32 $8.388608000e+06, v34  }
0x19d: {  	v27 =	vadd.f32 $8.388608000e+06, v27;
	[tilespmem:v54+s14+$0x0] =	vst.idx.msk $0xffff, v32  }
0x19e: {  	v32 =	vld [tilespmem:s23+$0x90];
	v30 =	vand.u32 $0x7FFFFF, v55;
	v33 =	vadd.f32 $8.388608000e+06, v33  }
0x19f: {  	v27 =	vand.u32 $0x7FFFFF, v27;
	[tilespmem:v57+s14+$0x0] =	vst.idx.msk $0xffff, v29;
	v30 =	vmin.u32 v30, $0x59FF;
	v58 =	vadd.f32 $8.388608000e+06, v56  }
0x1a0: {  	v27 =	vmin.u32 v27, $0x59FF;
	[tilespmem:v62+s14+$0x0] =	vst.idx.msk $0xffff, v31;
	v59 =	vand.u32 $0x7FFFFF, v33  }
0x1a1: {  	[tilespmem:v63+s14+$0x0] =	vst.idx.msk $0xffff, v26;
	v44 =	vld [tilespmem:s24+$0xFFFFFFCC];
	v29 =	vmin.u32 v59, $0x59FF;
	v28 =	vand.u32 $0x7FFFFF, v58  }
0x1a2: {  	v26 =	vld [tilespmem:s25+$0x80];
	v28 =	vmin.u32 v28, $0x59FF  }
0x1a3: {  	v24 =	vld.idx.msk [tilespmem:v24+s3+$0x0], $0xffff;
	v32 =	vadd.f32 $8.388608000e+06, v32  }
0x1a4: {  	v61 =	vadd.s32 v7, v16;
	v30 =	vld.idx.msk [tilespmem:v30+s3+$0x0], $0xffff  }
0x1a5: {  	v40 =	vadd.s32 v7, v19;
	v27 =	vld.idx.msk [tilespmem:v27+s3+$0x0], $0xffff;
	v32 =	vand.u32 $0x7FFFFF, v32  }
0x1a6: {  	v41 =	vadd.s32 v7, v22;
	v43 =	vmin.u32 v32, $0x59FF;
	v32 =	vadd.f32 $8.388608000e+06, v44;
	v29 =	vld.idx.msk [tilespmem:v29+s3+$0x0], $0xffff  }
0x1a7: {  	v42 =	vadd.s32 v7, v23;
	v26 =	vadd.f32 $8.388608000e+06, v26;
	v28 =	vld.idx.msk [tilespmem:v28+s3+$0x0], $0xffff  }
0x1a8: {  	v25 =	vld.idx.msk [tilespmem:v25+s3+$0x0], $0xffff;
	v54 =	vand.u32 $0x7FFFFF, v32  }
0x1a9: {  	v47 =	vadd.s32 v9, v13;
	v60 =	vld [tilespmem:s23+$0xFFFFFFDC];
	v26 =	vand.u32 $0x7FFFFF, v26;
	v57 =	vmin.u32 v54, $0x59FF;
	[tilespmem:v61+s14+$0x0] =	vst.idx.msk $0xffff, v30  }
0x1aa: {  	[tilespmem:v40+s14+$0x0] =	vst.idx.msk $0xffff, v27;
	v26 =	vmin.u32 v26, $0x59FF;
	v34 =	vld [tilespmem:s24+$0x80]  }
0x1ab: {  	v46 =	vld [tilespmem:s25+$0xFFFFFFCC];
	[tilespmem:v41+s14+$0x0] =	vst.idx.msk $0xffff, v29  }
0x1ac: {  	v48 =	vld [tilespmem:s28+$0x80];
	[tilespmem:v42+s14+$0x0] =	vst.idx.msk $0xffff, v28  }
0x1ad: {  	v45 =	vadd.s32 v9, v12;
	v51 =	vld [tilespmem:s28+$0xFFFFFFCC]  }
0x1ae: {  	[tilespmem:v47+s14+$0x0] =	vst.idx.msk $0xffff, v25;
	v33 =	vadd.f32 $8.388608000e+06, v60;
	v60 =	vadd.s32 v8, v17;
	v25 =	vld.idx.msk [tilespmem:v57+s3+$0x0], $0xffff  }
0x1af: {  	v26 =	vld.idx.msk [tilespmem:v26+s3+$0x0], $0xffff;
	v61 =	vadd.s32 v8, v18;
	v50 =	vadd.f32 $8.388608000e+06, v34  }
0x1b0: {  	v55 =	vadd.f32 $8.388608000e+06, v46  }
0x1b1: {  	v49 =	vand.u32 $0x7FFFFF, v33;
	v30 =	vand.u32 $0x7FFFFF, v50;
	v58 =	vadd.f32 $8.388608000e+06, v48  }
0x1b2: {  	[tilespmem:v45+s14+$0x0] =	vst.idx.msk $0xffff, v24;
	v31 =	vld.idx.msk [tilespmem:v43+s3+$0x0], $0xffff;
	v53 =	vmin.u32 v30, $0x59FF;
	v30 =	vand.u32 $0x7FFFFF, v55;
	v33 =	vadd.f32 $8.388608000e+06, v51  }
0x1b3: {  	v56 =	vld [tilespmem:s22+$0xA0];
	[tilespmem:v60+s14+$0x0] =	vst.idx.msk $0xffff, v25;
	v30 =	vmin.u32 v30, $0x59FF;
	v27 =	vand.u32 $0x7FFFFF, v58  }
0x1b4: {  	[tilespmem:v61+s14+$0x0] =	vst.idx.msk $0xffff, v26;
	v43 =	vld [tilespmem:s24+$0xFFFFFFDC];
	v27 =	vmin.u32 v27, $0x59FF;
	v33 =	vand.u32 $0x7FFFFF, v33  }
0x1b5: {  	v52 =	vadd.s32 v9, v14;
	v45 =	vld [tilespmem:s25+$0x90];
	v33 =	vmin.u32 v33, $0x59FF  }
0x1b6: {  	v29 =	vld [tilespmem:s22+$0xFFFFFFEC]  }
0x1b7: {  	v59 =	vadd.s32 v8, v16;
	v28 =	vmin.u32 v49, $0x59FF;
	v24 =	vld.idx.msk [tilespmem:v53+s3+$0x0], $0xffff  }
0x1b8: {  	v62 =	vadd.s32 v8, v19;
	v30 =	vld.idx.msk [tilespmem:v30+s3+$0x0], $0xffff  }
0x1b9: {  	v63 =	vadd.s32 v8, v22;
	v32 =	vadd.f32 $8.388608000e+06, v43;
	v27 =	vld.idx.msk [tilespmem:v27+s3+$0x0], $0xffff  }
0x1ba: {  	[tilespmem:v52+s14+$0x0] =	vst.idx.msk $0xffff, v31;
	v41 =	vadd.s32 v8, v23;
	v40 =	vld.idx.msk [tilespmem:v33+s3+$0x0], $0xffff  }
0x1bb: {  	v31 =	vld [tilespmem:s23+$0xA0];
	v32 =	vand.u32 $0x7FFFFF, v32;
	v44 =	vadd.f32 $8.388608000e+06, v29;
	v29 =	vadd.f32 $8.388608000e+06, v45  }
0x1bc: {  	v49 =	vadd.s32 v9, v15;
	v32 =	vmin.u32 v32, $0x59FF;
	v28 =	vld.idx.msk [tilespmem:v28+s3+$0x0], $0xffff;
	[tilespmem:v59+s14+$0x0] =	vst.idx.msk $0xffff, v24  }
0x1bd: {  	v29 =	vand.u32 $0x7FFFFF, v29;
	v34 =	vld [tilespmem:s24+$0x90];
	[tilespmem:v62+s14+$0x0] =	vst.idx.msk $0xffff, v30  }
0x1be: {  	v42 =	vadd.f32 $8.388608000e+06, v56;
	v52 =	vmin.u32 v29, $0x59FF;
	v30 =	vld [tilespmem:s25+$0xFFFFFFDC];
	[tilespmem:v63+s14+$0x0] =	vst.idx.msk $0xffff, v27  }
0x1bf: {  	v47 =	vld [tilespmem:s28+$0x90];
	[tilespmem:v41+s14+$0x0] =	vst.idx.msk $0xffff, v40  }
0x1c0: {  	v25 =	vand.u32 $0x7FFFFF, v42;
	v51 =	vld [tilespmem:s28+$0xFFFFFFDC]  }
0x1c1: {  	v25 =	vmin.u32 v25, $0x59FF;
	v26 =	vand.u32 $0x7FFFFF, v44;
	v32 =	vld.idx.msk [tilespmem:v32+s3+$0x0], $0xffff;
	[tilespmem:v49+s14+$0x0] =	vst.idx.msk $0xffff, v28  }
0x1c2: {  	v57 =	vadd.s32 v9, v17;
	v48 =	vmin.u32 v26, $0x59FF;
	v55 =	vld [tilespmem:s23+$0xFFFFFFEC];
	v50 =	vadd.f32 $8.388608000e+06, v34  }
0x1c3: {  	v58 =	vadd.s32 v9, v18;
	v26 =	vld.idx.msk [tilespmem:v52+s3+$0x0], $0xffff;
	v30 =	vadd.f32 $8.388608000e+06, v30  }
0x1c4: {  	v46 =	vadd.f32 $8.388608000e+06, v31;
	v33 =	vand.u32 $0x7FFFFF, v50;
	v31 =	vadd.f32 $8.388608000e+06, v47  }
0x1c5: {  	v33 =	vmin.u32 v33, $0x59FF;
	v53 =	vand.u32 $0x7FFFFF, v30;
	v54 =	vadd.f32 $8.388608000e+06, v51  }
0x1c6: {  	v25 =	vld.idx.msk [tilespmem:v25+s3+$0x0], $0xffff;
	v28 =	vmin.u32 v53, $0x59FF;
	v31 =	vand.u32 $0x7FFFFF, v31  }
0x1c7: {  	v24 =	vld.idx.msk [tilespmem:v48+s3+$0x0], $0xffff;
	[tilespmem:v57+s14+$0x0] =	vst.idx.msk $0xffff, v32;
	v30 =	vadd.f32 $8.388608000e+06, v55;
	v31 =	vmin.u32 v31, $0x59FF;
	v29 =	vand.u32 $0x7FFFFF, v54  }
0x1c8: {  	v32 =	vld [tilespmem:s24+$0xFFFFFFEC];
	[tilespmem:v58+s14+$0x0] =	vst.idx.msk $0xffff, v26;
	v27 =	vand.u32 $0x7FFFFF, v46;
	v29 =	vmin.u32 v29, $0x59FF  }
0x1c9: {  	v30 =	vand.u32 $0x7FFFFF, v30;
	v26 =	vld [tilespmem:s25+$0xA0];
	v27 =	vmin.u32 v27, $0x59FF  }
0x1ca: {  	v56 =	vadd.s32 v9, v16;
	v30 =	vmin.u32 v30, $0x59FF;
	v33 =	vld.idx.msk [tilespmem:v33+s3+$0x0], $0xffff  }
0x1cb: {  	v59 =	vadd.s32 v9, v19;
	v28 =	vld.idx.msk [tilespmem:v28+s3+$0x0], $0xffff  }
0x1cc: {  	v60 =	vadd.s32 v9, v22;
	v31 =	vld.idx.msk [tilespmem:v31+s3+$0x0], $0xffff  }
0x1cd: {  	v61 =	vadd.s32 v9, v23;
	v32 =	vadd.f32 $8.388608000e+06, v32;
	v29 =	vld.idx.msk [tilespmem:v29+s3+$0x0], $0xffff  }
0x1ce: {  	v27 =	vld.idx.msk [tilespmem:v27+s3+$0x0], $0xffff  }
0x1cf: {  	v30 =	vld.idx.msk [tilespmem:v30+s3+$0x0], $0xffff;
	v47 =	vand.u32 $0x7FFFFF, v32;
	[tilespmem:v56+s14+$0x0] =	vst.idx.msk $0xffff, v33  }
0x1d0: {  	v40 =	vadd.s32 v10, v13;
	v50 =	vmin.u32 v47, $0x59FF;
	v34 =	vld [tilespmem:s24+$0xA0];
	[tilespmem:v59+s14+$0x0] =	vst.idx.msk $0xffff, v28  }
0x1d1: {  	v62 =	vadd.s32 v10, v12;
	v63 =	vld [tilespmem:s25+$0xFFFFFFEC];
	[tilespmem:v60+s14+$0x0] =	vst.idx.msk $0xffff, v31  }
0x1d2: {  	v42 =	vadd.s32 v10, v14;
	v26 =	vadd.f32 $8.388608000e+06, v26;
	v41 =	vld [tilespmem:s28+$0xA0];
	[tilespmem:v61+s14+$0x0] =	vst.idx.msk $0xffff, v29  }
0x1d3: {  	v45 =	vadd.s32 v10, v15;
	v44 =	vld [tilespmem:s28+$0xFFFFFFEC]  }
0x1d4: {  	v26 =	vand.u32 $0x7FFFFF, v26  }
0x1d5: {  	[tilespmem:v40+s14+$0x0] =	vst.idx.msk $0xffff, v24;
	v56 =	vadd.s32 v10, v17;
	v26 =	vmin.u32 v26, $0x59FF;
	v24 =	vld.idx.msk [tilespmem:v50+s3+$0x0], $0xffff;
	v43 =	vadd.f32 $8.388608000e+06, v34  }
0x1d6: {  	[tilespmem:v62+s14+$0x0] =	vst.idx.msk $0xffff, v25;
	v48 =	vadd.f32 $8.388608000e+06, v63  }
0x1d7: {  	v49 =	vld [tilespmem:s22+$0xA4];
	[tilespmem:v42+s14+$0x0] =	vst.idx.msk $0xffff, v27;
	v33 =	vand.u32 $0x7FFFFF, v43;
	v51 =	vadd.f32 $8.388608000e+06, v41  }
0x1d8: {  	[tilespmem:v45+s14+$0x0] =	vst.idx.msk $0xffff, v30;
	v54 =	vld [tilespmem:s23+$0xA4];
	v46 =	vmin.u32 v33, $0x59FF;
	v52 =	vand.u32 $0x7FFFFF, v48;
	v53 =	vadd.f32 $8.388608000e+06, v44  }
0x1d9: {  	v30 =	vld [tilespmem:s23+$0xFFFFFFF0];
	v27 =	vmin.u32 v52, $0x59FF;
	v28 =	vand.u32 $0x7FFFFF, v51  }
0x1da: {  	v26 =	vld.idx.msk [tilespmem:v26+s3+$0x0], $0xffff;
	[tilespmem:v56+s14+$0x0] =	vst.idx.msk $0xffff, v24;
	v28 =	vmin.u32 v28, $0x59FF;
	v29 =	vand.u32 $0x7FFFFF, v53  }
0x1db: {  	v40 =	vld [tilespmem:s24+$0xFFFFFFF0];
	v29 =	vmin.u32 v29, $0x59FF  }
0x1dc: {  	v57 =	vadd.s32 v10, v18;
	v31 =	vld [tilespmem:s22+$0xFFFFFFF0]  }
0x1dd: {  	v55 =	vadd.s32 v10, v16;
	v25 =	vld.idx.msk [tilespmem:v46+s3+$0x0], $0xffff  }
0x1de: {  	v58 =	vadd.s32 v10, v19;
	v27 =	vld.idx.msk [tilespmem:v27+s3+$0x0], $0xffff  }
0x1df: {  	v59 =	vadd.s32 v10, v22;
	v28 =	vld.idx.msk [tilespmem:v28+s3+$0x0], $0xffff  }
0x1e0: {  	v61 =	vadd.s32 v10, v23;
	v60 =	vld.idx.msk [tilespmem:v29+s3+$0x0], $0xffff  }
0x1e1: {  	[tilespmem:v57+s14+$0x0] =	vst.idx.msk $0xffff, v26  }
0x1e2: {  	v62 =	vadd.f32 $8.388608000e+06, v49;
	v41 =	vld [tilespmem:s25+$0xA4];
	[tilespmem:v55+s14+$0x0] =	vst.idx.msk $0xffff, v25  }
0x1e3: {  	v43 =	vadd.s32 v11, v12;
	v30 =	vadd.f32 $8.388608000e+06, v30;
	v63 =	vld [tilespmem:s24+$0xA4];
	[tilespmem:v58+s14+$0x0] =	vst.idx.msk $0xffff, v27  }
0x1e4: {  	v24 =	vand.u32 $0x7FFFFF, v62;
	v32 =	vadd.f32 $8.388608000e+06, v54;
	v39 =	vadd.f32 $8.388608000e+06, v31;
	v42 =	vld [tilespmem:s25+$0xFFFFFFF0];
	[tilespmem:v59+s14+$0x0] =	vst.idx.msk $0xffff, v28  }
0x1e5: {  	v24 =	vmin.u32 v24, $0x59FF;
	v30 =	vand.u32 $0x7FFFFF, v30;
	v31 =	vadd.f32 $8.388608000e+06, v40;
	v44 =	vld [tilespmem:s28+$0xA4];
	[tilespmem:v61+s14+$0x0] =	vst.idx.msk $0xffff, v60  }
0x1e6: {  	v30 =	vmin.u32 v30, $0x59FF;
	v46 =	vand.u32 $0x7FFFFF, v32;
	v26 =	vand.u32 $0x7FFFFF, v39;
	v48 =	vld [tilespmem:s28+$0xFFFFFFF0]  }
0x1e7: {  	v25 =	vmin.u32 v46, $0x59FF;
	v31 =	vand.u32 $0x7FFFFF, v31;
	v27 =	vadd.f32 $8.388608000e+06, v41  }
0x1e8: {  	v26 =	vmin.u32 v26, $0x59FF;
	v31 =	vmin.u32 v31, $0x59FF;
	v47 =	vadd.f32 $8.388608000e+06, v63  }
0x1e9: {  	v51 =	vadd.s32 v11, v15;
	v27 =	vand.u32 $0x7FFFFF, v27;
	v28 =	vadd.f32 $8.388608000e+06, v42  }
0x1ea: {  	v24 =	vld.idx.msk [tilespmem:v24+s3+$0x0], $0xffff;
	v27 =	vmin.u32 v27, $0x59FF;
	v29 =	vand.u32 $0x7FFFFF, v47;
	v49 =	vadd.f32 $8.388608000e+06, v44  }
0x1eb: {  	v30 =	vld.idx.msk [tilespmem:v30+s3+$0x0], $0xffff;
	v29 =	vmin.u32 v29, $0x59FF;
	v28 =	vand.u32 $0x7FFFFF, v28;
	v32 =	vadd.f32 $8.388608000e+06, v48  }
0x1ec: {  	v50 =	vadd.s32 v11, v14;
	v25 =	vld.idx.msk [tilespmem:v25+s3+$0x0], $0xffff;
	v28 =	vmin.u32 v28, $0x59FF;
	v33 =	vand.u32 $0x7FFFFF, v49  }
0x1ed: {  	v45 =	vadd.s32 v11, v13;
	v26 =	vld.idx.msk [tilespmem:v26+s3+$0x0], $0xffff;
	v33 =	vmin.u32 v33, $0x59FF;
	v32 =	vand.u32 $0x7FFFFF, v32  }
0x1ee: {  	[tilespmem:v21+s14+$0x0] =	vst.idx.msk $0xffff, v20;
	v56 =	vadd.s32 v11, v17;
	v55 =	vld.idx.msk [tilespmem:v31+s3+$0x0], $0xffff;
	v54 =	vmin.u32 v32, $0x59FF  }
0x1ef: {  	v58 =	vadd.s32 v11, v18;
	[tilespmem:v43+s14+$0x0] =	vst.idx.msk $0xffff, v24;
	v57 =	vld.idx.msk [tilespmem:v27+s3+$0x0], $0xffff  }
0x1f0: {  	v53 =	vadd.s32 v11, v16;
	[tilespmem:v51+s14+$0x0] =	vst.idx.msk $0xffff, v30;
	v52 =	vld.idx.msk [tilespmem:v29+s3+$0x0], $0xffff  }
0x1f1: {  	[tilespmem:v50+s14+$0x0] =	vst.idx.msk $0xffff, v25;
	v60 =	vadd.s32 v11, v19;
	v59 =	vld.idx.msk [tilespmem:v28+s3+$0x0], $0xffff  }
0x1f2: {  	v22 =	vadd.s32 v11, v22;
	[tilespmem:v45+s14+$0x0] =	vst.idx.msk $0xffff, v26;
	v61 =	vld.idx.msk [tilespmem:v33+s3+$0x0], $0xffff  }
0x1f3: {  	v63 =	vadd.s32 v11, v23;
	[tilespmem:v56+s14+$0x0] =	vst.idx.msk $0xffff, v55;
	v62 =	vld.idx.msk [tilespmem:v54+s3+$0x0], $0xffff  }
0x1f4: {  	[tilespmem:v58+s14+$0x0] =	vst.idx.msk $0xffff, v57  }
0x1f5: {  	[tilespmem:v53+s14+$0x0] =	vst.idx.msk $0xffff, v52  }
0x1f6: {  	s30 =	sadd.s32 s9, s26;
	[tilespmem:v60+s14+$0x0] =	vst.idx.msk $0xffff, v59  }
0x1f7: {  	s22 =	sshrl.u32 s30, $0x3;
	[tilespmem:v22+s14+$0x0] =	vst.idx.msk $0xffff, v61  }
0x1f8: {  	s31 =	simm.s32 $0x10E00;
	s23 =	simm.s32 $0x220;
	s22 =	sadd.s32 s4, s22;
	[tilespmem:v63+s14+$0x0] =	vst.idx.msk $0xffff, v62  }
0x1f9: {  	[hbm4b:s22+s3] =	stream.linear.scatter [tilespmem:s31], [sflag:$0x4], $0x80, $0x38;
	[tilespmem:$0x1CD40] =	vst v63  }
.LBB2_5:
0x1fa: {  	p1 =	sne.s32 s23, $0x17C60  }
.Ltmp1:
0x1fb: {  	_ = 	snop;
	(pc) =	sbr.rel @p1 .LBB2_5-.Ltmp1, $4  }
0x1fc: {  	_ = 	snop  }
0x1fd: {  	s24 =	sshra.s32 s23, $0x2;
	s23 =	sadd.s32 $0x220, s23  }
0x1fe: {  	s22 =	sadd.s32 $0x4000, s22;
	s24 =	sadd.s32 $0x10E00, s24  }
0x1ff: {  	[hbm4b:s22+s3] =	stream.linear.scatter [tilespmem:s24], [sflag:$0x4], $0x80, $0x38;
	[tilespmem:$0x1CD40] =	vst v63  }
0x200: {  	p1 =	sne.s32 s20, $0x1F  }
.Ltmp2:
0x201: {  	_ = 	snop;
	(pc) =	sbr.rel @p1 .LBB2_8-.Ltmp2, $1  }
0x202: {  	_ =	sdelay $0x3  }
.Ltmp3:
0x203: {  	(pc) =	sbr.rel .LBB2_9-.Ltmp3, $4  }
0x204: {  	_ = 	snop  }
0x205: {  	_ =	swait.ge [sflag:s15], $0x5A00  }
0x206: {  	[sflag:s15] =	ssyncset.done $0x0  }
0x207: {  	[sflag:s15] =	ssyncadd.s32 $0xFFFFA600  }
.LBB2_8:
0x208: {  	s22 =	smul.u32 $0x5A00, s21;
	_ =	sdelay $0x1  }
0x209: {  	s22 =	sadd.s32 s22, s8  }
0x20a: {  	s22 =	sshrl.u32 s22, $0x3  }
.Ltmp4:
0x20b: {  	s22 =	sadd.s32 s2, s22;
	(pc) =	sbr.rel @p0 .LBB2_10-.Ltmp4, $4  }
0x20c: {  	[tilespmem:s11], [sflag:$0x2] =	stream.linear.gather [hbm4b:s22+s3], $0x5A00, $0x38;
	[tilespmem:$0x1CD40] =	vst v63  }
0x20d: {  	_ =	swait.ge [sflag:s15], $0x5A00  }
0x20e: {  	[sflag:s15] =	ssyncset.done $0x0  }
0x20f: {  	[sflag:s15] =	ssyncadd.s32 $0xFFFFA600  }
.LBB2_9:
0x210: {  	_ =	swait.ge [sflag:s16], $0x5A00  }
0x211: {  	[sflag:s16] =	ssyncset.done $0x0  }
0x212: {  	[sflag:s16] =	ssyncadd.s32 $0xFFFFA600  }
.LBB2_10:
0x213: {  	s26 =	simm.s32 $0xB558  }
0x214: {  	v12 =	vld [tilespmem:s26+$0xFFFFFF5C];
	_ =	sdelay $0x1  }
0x215: {  	v13 =	vld [tilespmem:s26+$0xFFFFFEA8];
	_ =	sdelay $0x2  }
0x216: {  	v12 =	vadd.f32 $8.388608000e+06, v12;
	_ =	sdelay $0x1  }
0x217: {  	v13 =	vadd.f32 $8.388608000e+06, v13;
	v12 =	vand.u32 $0x7FFFFF, v12  }
0x218: {  	v12 =	vmin.u32 v12, $0x59FF  }
0x219: {  	v13 =	vand.u32 $0x7FFFFF, v13  }
0x21a: {  	s22 =	simm.s32 $0x1;
	v13 =	vmin.u32 v13, $0x59FF  }
0x21b: {  	v14 =	vmov s22  }
0x21c: {  	s24 =	simm.s32 $0x0;
	v20 =	vand.u32 $0x7F, v14  }
0x21d: {  	v14 =	vmov s24;
	v15 =	vadd.s32 v0, v20;
	v12 =	vld.idx.msk [tilespmem:v12+s3+$0x0], $0xffff  }
0x21e: {  	v21 =	vand.u32 $0x7E, v14  }
0x21f: {  	v14 =	vadd.s32 v0, v21;
	v13 =	vld.idx.msk [tilespmem:v13+s3+$0x0], $0xffff;
	_ =	sdelay $0x2  }
0x220: {  	[tilespmem:v15+s17+$0x0] =	vst.idx.msk $0xffff, v12  }
0x221: {  	v12 =	vld [tilespmem:s26+$0xFFFFFF6C]  }
0x222: {  	[tilespmem:v14+s17+$0x0] =	vst.idx.msk $0xffff, v13  }
0x223: {  	v13 =	vld [tilespmem:s26+$0xFFFFFEB8];
	_ =	sdelay $0x2  }
0x224: {  	v12 =	vadd.f32 $8.388608000e+06, v12;
	_ =	sdelay $0x1  }
0x225: {  	v13 =	vadd.f32 $8.388608000e+06, v13;
	v12 =	vand.u32 $0x7FFFFF, v12  }
0x226: {  	v12 =	vmin.u32 v12, $0x59FF  }
0x227: {  	v13 =	vand.u32 $0x7FFFFF, v13  }
0x228: {  	v13 =	vmin.u32 v13, $0x59FF;
	_ =	sdelay $0x2  }
0x229: {  	v14 =	vadd.s32 v1, v20;
	v12 =	vld.idx.msk [tilespmem:v12+s3+$0x0], $0xffff;
	_ =	sdelay $0x1  }
0x22a: {  	v15 =	vadd.s32 v1, v21;
	v13 =	vld.idx.msk [tilespmem:v13+s3+$0x0], $0xffff;
	_ =	sdelay $0x2  }
0x22b: {  	[tilespmem:v14+s17+$0x0] =	vst.idx.msk $0xffff, v12  }
0x22c: {  	v12 =	vld [tilespmem:s26+$0xFFFFFF7C]  }
0x22d: {  	[tilespmem:v15+s17+$0x0] =	vst.idx.msk $0xffff, v13  }
0x22e: {  	v13 =	vld [tilespmem:s26+$0xFFFFFEC8];
	_ =	sdelay $0x2  }
0x22f: {  	v12 =	vadd.f32 $8.388608000e+06, v12  }
0x230: {  	s22 =	simm.s32 $0xB6C0  }
0x231: {  	v14 =	vld [tilespmem:s22+$0xFFFFFF5C];
	v13 =	vadd.f32 $8.388608000e+06, v13;
	v12 =	vand.u32 $0x7FFFFF, v12  }
0x232: {  	v12 =	vmin.u32 v12, $0x59FF  }
0x233: {  	v13 =	vand.u32 $0x7FFFFF, v13  }
0x234: {  	v13 =	vmin.u32 v13, $0x59FF  }
0x235: {  	v15 =	vld [tilespmem:s22+$0xFFFFFEA8]  }
0x236: {  	v14 =	vadd.f32 $8.388608000e+06, v14  }
0x237: {  	v16 =	vadd.s32 v2, v20;
	v12 =	vld.idx.msk [tilespmem:v12+s3+$0x0], $0xffff  }
0x238: {  	v14 =	vand.u32 $0x7FFFFF, v14  }
0x239: {  	v17 =	vadd.s32 v2, v21;
	v14 =	vmin.u32 v14, $0x59FF;
	v13 =	vld.idx.msk [tilespmem:v13+s3+$0x0], $0xffff  }
0x23a: {  	v15 =	vadd.f32 $8.388608000e+06, v15  }
0x23b: {  	s23 =	simm.s32 $0x3  }
0x23c: {  	v15 =	vand.u32 $0x7FFFFF, v15;
	[tilespmem:v16+s17+$0x0] =	vst.idx.msk $0xffff, v12;
	v12 =	vmov s23  }
0x23d: {  	v15 =	vmin.u32 v15, $0x59FF;
	v16 =	vld [tilespmem:s26+$0xFFFFFF8C];
	v12 =	vand.u32 $0x7F, v12  }
0x23e: {  	v14 =	vld.idx.msk [tilespmem:v14+s3+$0x0], $0xffff;
	[tilespmem:v17+s17+$0x0] =	vst.idx.msk $0xffff, v13;
	v17 =	vadd.s32 v0, v12  }
0x23f: {  	s25 =	simm.s32 $0x2;
	v18 =	vld [tilespmem:s26+$0xFFFFFED8]  }
0x240: {  	v13 =	vmov s25  }
0x241: {  	v13 =	vand.u32 $0x7E, v13  }
0x242: {  	v15 =	vld.idx.msk [tilespmem:v15+s3+$0x0], $0xffff;
	v19 =	vadd.s32 v0, v13;
	v16 =	vadd.f32 $8.388608000e+06, v16  }
0x243: {  	[tilespmem:v17+s17+$0x0] =	vst.idx.msk $0xffff, v14  }
0x244: {  	v14 =	vadd.f32 $8.388608000e+06, v18;
	v16 =	vand.u32 $0x7FFFFF, v16;
	v17 =	vld [tilespmem:s22+$0xFFFFFF6C]  }
0x245: {  	v16 =	vmin.u32 v16, $0x59FF  }
0x246: {  	v14 =	vand.u32 $0x7FFFFF, v14  }
0x247: {  	[tilespmem:v19+s17+$0x0] =	vst.idx.msk $0xffff, v15;
	v14 =	vmin.u32 v14, $0x59FF  }
0x248: {  	v15 =	vld [tilespmem:s22+$0xFFFFFEB8]  }
0x249: {  	v17 =	vadd.f32 $8.388608000e+06, v17  }
0x24a: {  	v18 =	vadd.s32 v3, v20;
	v16 =	vld.idx.msk [tilespmem:v16+s3+$0x0], $0xffff  }
0x24b: {  	v17 =	vand.u32 $0x7FFFFF, v17  }
0x24c: {  	v19 =	vadd.s32 v3, v21;
	v14 =	vld.idx.msk [tilespmem:v14+s3+$0x0], $0xffff;
	v17 =	vmin.u32 v17, $0x59FF  }
0x24d: {  	v15 =	vadd.f32 $8.388608000e+06, v15;
	_ =	sdelay $0x1  }
0x24e: {  	v15 =	vand.u32 $0x7FFFFF, v15;
	[tilespmem:v18+s17+$0x0] =	vst.idx.msk $0xffff, v16  }
0x24f: {  	v15 =	vmin.u32 v15, $0x59FF;
	v16 =	vld [tilespmem:s26+$0xFFFFFF9C]  }
0x250: {  	[tilespmem:v19+s17+$0x0] =	vst.idx.msk $0xffff, v14;
	v14 =	vadd.s32 v1, v12;
	v17 =	vld.idx.msk [tilespmem:v17+s3+$0x0], $0xffff  }
0x251: {  	v18 =	vld [tilespmem:s26+$0xFFFFFEE8];
	_ =	sdelay $0x2  }
0x252: {  	v19 =	vadd.s32 v1, v13;
	v15 =	vld.idx.msk [tilespmem:v15+s3+$0x0], $0xffff;
	v16 =	vadd.f32 $8.388608000e+06, v16  }
0x253: {  	[tilespmem:v14+s17+$0x0] =	vst.idx.msk $0xffff, v17  }
0x254: {  	v14 =	vadd.f32 $8.388608000e+06, v18;
	v16 =	vand.u32 $0x7FFFFF, v16;
	v17 =	vld [tilespmem:s22+$0xFFFFFF7C]  }
0x255: {  	v16 =	vmin.u32 v16, $0x59FF  }
0x256: {  	v14 =	vand.u32 $0x7FFFFF, v14  }
0x257: {  	[tilespmem:v19+s17+$0x0] =	vst.idx.msk $0xffff, v15;
	v14 =	vmin.u32 v14, $0x59FF  }
0x258: {  	v15 =	vld [tilespmem:s22+$0xFFFFFEC8]  }
0x259: {  	v17 =	vadd.f32 $8.388608000e+06, v17  }
0x25a: {  	v18 =	vadd.s32 v4, v20;
	v16 =	vld.idx.msk [tilespmem:v16+s3+$0x0], $0xffff  }
0x25b: {  	v17 =	vand.u32 $0x7FFFFF, v17  }
0x25c: {  	s23 =	simm.s32 $0xB828;
	v19 =	vadd.s32 v4, v21;
	v14 =	vld.idx.msk [tilespmem:v14+s3+$0x0], $0xffff;
	v17 =	vmin.u32 v17, $0x59FF  }
0x25d: {  	v22 =	vld [tilespmem:s23+$0xFFFFFF5C];
	v15 =	vadd.f32 $8.388608000e+06, v15;
	_ =	sdelay $0x1  }
0x25e: {  	v23 =	vld [tilespmem:s23+$0xFFFFFEA8];
	v15 =	vand.u32 $0x7FFFFF, v15;
	[tilespmem:v18+s17+$0x0] =	vst.idx.msk $0xffff, v16  }
0x25f: {  	v15 =	vmin.u32 v15, $0x59FF;
	v16 =	vld [tilespmem:s26+$0xFFFFFFAC]  }
0x260: {  	[tilespmem:v19+s17+$0x0] =	vst.idx.msk $0xffff, v14;
	v17 =	vld.idx.msk [tilespmem:v17+s3+$0x0], $0xffff  }
0x261: {  	v18 =	vadd.s32 v2, v12;
	v14 =	vadd.f32 $8.388608000e+06, v22;
	v19 =	vld [tilespmem:s26+$0xFFFFFEF8];
	_ =	sdelay $0x1  }
0x262: {  	v14 =	vand.u32 $0x7FFFFF, v14  }
0x263: {  	v24 =	vadd.s32 v2, v13;
	v22 =	vadd.f32 $8.388608000e+06, v23;
	v15 =	vld.idx.msk [tilespmem:v15+s3+$0x0], $0xffff;
	v23 =	vmin.u32 v14, $0x59FF  }
0x264: {  	v14 =	vadd.f32 $8.388608000e+06, v16  }
0x265: {  	s24 =	simm.s32 $0x5;
	v16 =	vand.u32 $0x7FFFFF, v22;
	[tilespmem:v18+s17+$0x0] =	vst.idx.msk $0xffff, v17;
	v17 =	vadd.f32 $8.388608000e+06, v19  }
0x266: {  	v16 =	vmin.u32 v16, $0x59FF;
	v18 =	vmov s24;
	v14 =	vand.u32 $0x7FFFFF, v14;
	v19 =	vld [tilespmem:s22+$0xFFFFFF8C]  }
0x267: {  	v22 =	vmin.u32 v14, $0x59FF;
	v14 =	vand.u32 $0x7F, v18  }
0x268: {  	s30 =	simm.s32 $0x4;
	[tilespmem:v24+s17+$0x0] =	vst.idx.msk $0xffff, v15;
	v17 =	vand.u32 $0x7FFFFF, v17;
	v18 =	vld.idx.msk [tilespmem:v23+s3+$0x0], $0xffff;
	v23 =	vadd.s32 v0, v14  }
0x269: {  	v15 =	vmov s30;
	v24 =	vld [tilespmem:s22+$0xFFFFFED8];
	v17 =	vmin.u32 v17, $0x59FF  }
0x26a: {  	v15 =	vand.u32 $0x7E, v15  }
0x26b: {  	v25 =	vadd.s32 v0, v15;
	v16 =	vld.idx.msk [tilespmem:v16+s3+$0x0], $0xffff;
	v19 =	vadd.f32 $8.388608000e+06, v19  }
0x26c: {  	v26 =	vadd.s32 v5, v20;
	v22 =	vld.idx.msk [tilespmem:v22+s3+$0x0], $0xffff  }
0x26d: {  	[tilespmem:v23+s17+$0x0] =	vst.idx.msk $0xffff, v18;
	v18 =	vand.u32 $0x7FFFFF, v19  }
0x26e: {  	v17 =	vld.idx.msk [tilespmem:v17+s3+$0x0], $0xffff;
	v19 =	vadd.f32 $8.388608000e+06, v24;
	v24 =	vadd.s32 v5, v21;
	v18 =	vmin.u32 v18, $0x59FF  }
0x26f: {  	v23 =	vld [tilespmem:s23+$0xFFFFFF6C]  }
0x270: {  	[tilespmem:v25+s17+$0x0] =	vst.idx.msk $0xffff, v16;
	v16 =	vand.u32 $0x7FFFFF, v19  }
0x271: {  	v19 =	vld [tilespmem:s23+$0xFFFFFEB8];
	v16 =	vmin.u32 v16, $0x59FF;
	[tilespmem:v26+s17+$0x0] =	vst.idx.msk $0xffff, v22  }
0x272: {  	v22 =	vld [tilespmem:s26+$0xFFFFFFBC]  }
0x273: {  	[tilespmem:v24+s17+$0x0] =	vst.idx.msk $0xffff, v17;
	v18 =	vld.idx.msk [tilespmem:v18+s3+$0x0], $0xffff  }
0x274: {  	v17 =	vadd.s32 v3, v12;
	v23 =	vadd.f32 $8.388608000e+06, v23;
	v24 =	vld [tilespmem:s26+$0xFFFFFF08];
	_ =	sdelay $0x1  }
0x275: {  	v25 =	vadd.s32 v3, v13;
	v23 =	vand.u32 $0x7FFFFF, v23;
	v16 =	vld.idx.msk [tilespmem:v16+s3+$0x0], $0xffff  }
0x276: {  	v19 =	vadd.f32 $8.388608000e+06, v19;
	v23 =	vmin.u32 v23, $0x59FF  }
0x277: {  	v22 =	vadd.f32 $8.388608000e+06, v22  }
0x278: {  	v19 =	vand.u32 $0x7FFFFF, v19;
	[tilespmem:v17+s17+$0x0] =	vst.idx.msk $0xffff, v18;
	v17 =	vadd.f32 $8.388608000e+06, v24  }
0x279: {  	v18 =	vmin.u32 v19, $0x59FF;
	v19 =	vand.u32 $0x7FFFFF, v22;
	v22 =	vld [tilespmem:s22+$0xFFFFFF9C]  }
0x27a: {  	v19 =	vmin.u32 v19, $0x59FF;
	[tilespmem:v25+s17+$0x0] =	vst.idx.msk $0xffff, v16;
	v16 =	vand.u32 $0x7FFFFF, v17  }
0x27b: {  	v17 =	vadd.s32 v1, v14;
	v23 =	vld.idx.msk [tilespmem:v23+s3+$0x0], $0xffff;
	v16 =	vmin.u32 v16, $0x59FF  }
0x27c: {  	v24 =	vld [tilespmem:s22+$0xFFFFFEE8];
	_ =	sdelay $0x1  }
0x27d: {  	v25 =	vadd.s32 v1, v15;
	v18 =	vld.idx.msk [tilespmem:v18+s3+$0x0], $0xffff;
	v22 =	vadd.f32 $8.388608000e+06, v22  }
0x27e: {  	v26 =	vadd.s32 v6, v20;
	v19 =	vld.idx.msk [tilespmem:v19+s3+$0x0], $0xffff  }
0x27f: {  	[tilespmem:v17+s17+$0x0] =	vst.idx.msk $0xffff, v23;
	v22 =	vand.u32 $0x7FFFFF, v22;
	v16 =	vld.idx.msk [tilespmem:v16+s3+$0x0], $0xffff  }
0x280: {  	v17 =	vadd.f32 $8.388608000e+06, v24;
	v24 =	vadd.s32 v6, v21;
	v23 =	vld [tilespmem:s23+$0xFFFFFF7C];
	v22 =	vmin.u32 v22, $0x59FF;
	_ =	sdelay $0x1  }
0x281: {  	v17 =	vand.u32 $0x7FFFFF, v17;
	[tilespmem:v25+s17+$0x0] =	vst.idx.msk $0xffff, v18  }
0x282: {  	v17 =	vmin.u32 v17, $0x59FF;
	v18 =	vld [tilespmem:s23+$0xFFFFFEC8];
	[tilespmem:v26+s17+$0x0] =	vst.idx.msk $0xffff, v19  }
0x283: {  	v19 =	vld [tilespmem:s26+$0xFFFFFFCC]  }
0x284: {  	[tilespmem:v24+s17+$0x0] =	vst.idx.msk $0xffff, v16;
	v23 =	vadd.f32 $8.388608000e+06, v23;
	v22 =	vld.idx.msk [tilespmem:v22+s3+$0x0], $0xffff  }
0x285: {  	s24 =	simm.s32 $0xB990;
	v16 =	vadd.s32 v4, v12;
	v24 =	vld [tilespmem:s26+$0xFFFFFF18]  }
0x286: {  	v25 =	vld [tilespmem:s24+$0xFFFFFF5C];
	v23 =	vand.u32 $0x7FFFFF, v23  }
0x287: {  	v26 =	vadd.s32 v4, v13;
	v17 =	vld.idx.msk [tilespmem:v17+s3+$0x0], $0xffff;
	v23 =	vmin.u32 v23, $0x59FF  }
0x288: {  	v27 =	vld [tilespmem:s24+$0xFFFFFEA8];
	v18 =	vadd.f32 $8.388608000e+06, v18  }
0x289: {  	v19 =	vadd.f32 $8.388608000e+06, v19  }
0x28a: {  	v18 =	vand.u32 $0x7FFFFF, v18;
	[tilespmem:v16+s17+$0x0] =	vst.idx.msk $0xffff, v22;
	v16 =	vadd.f32 $8.388608000e+06, v24  }
0x28b: {  	v18 =	vmin.u32 v18, $0x59FF;
	v19 =	vand.u32 $0x7FFFFF, v19;
	v22 =	vld [tilespmem:s22+$0xFFFFFFAC]  }
0x28c: {  	v24 =	vadd.f32 $8.388608000e+06, v25;
	v19 =	vmin.u32 v19, $0x59FF;
	[tilespmem:v26+s17+$0x0] =	vst.idx.msk $0xffff, v17;
	v16 =	vand.u32 $0x7FFFFF, v16;
	v23 =	vld.idx.msk [tilespmem:v23+s3+$0x0], $0xffff  }
0x28d: {  	v17 =	vadd.s32 v2, v14;
	v26 =	vadd.f32 $8.388608000e+06, v27;
	v25 =	vld [tilespmem:s22+$0xFFFFFEF8];
	v16 =	vmin.u32 v16, $0x59FF  }
0x28e: {  	v24 =	vand.u32 $0x7FFFFF, v24  }
0x28f: {  	v24 =	vmin.u32 v24, $0x59FF;
	v26 =	vand.u32 $0x7FFFFF, v26  }
0x290: {  	v27 =	vadd.s32 v2, v15;
	v18 =	vld.idx.msk [tilespmem:v18+s3+$0x0], $0xffff;
	v26 =	vmin.u32 v26, $0x59FF;
	v22 =	vadd.f32 $8.388608000e+06, v22  }
0x291: {  	v28 =	vadd.s32 v7, v20;
	v19 =	vld.idx.msk [tilespmem:v19+s3+$0x0], $0xffff  }
0x292: {  	s25 =	simm.s32 $0x7;
	[tilespmem:v17+s17+$0x0] =	vst.idx.msk $0xffff, v23;
	v17 =	vadd.f32 $8.388608000e+06, v25;
	v22 =	vand.u32 $0x7FFFFF, v22;
	v23 =	vld.idx.msk [tilespmem:v16+s3+$0x0], $0xffff  }
0x293: {  	v29 =	vadd.s32 v7, v21;
	v16 =	vmov s25;
	v25 =	vld [tilespmem:s23+$0xFFFFFF8C];
	v22 =	vmin.u32 v22, $0x59FF  }
0x294: {  	s31 =	simm.s32 $0x6;
	v24 =	vld.idx.msk [tilespmem:v24+s3+$0x0], $0xffff;
	v16 =	vand.u32 $0x7F, v16;
	v17 =	vand.u32 $0x7FFFFF, v17  }
0x295: {  	[tilespmem:v27+s17+$0x0] =	vst.idx.msk $0xffff, v18;
	v18 =	vmov s31;
	v27 =	vadd.s32 v0, v16;
	v26 =	vld.idx.msk [tilespmem:v26+s3+$0x0], $0xffff;
	v31 =	vmin.u32 v17, $0x59FF  }
0x296: {  	v30 =	vld [tilespmem:s23+$0xFFFFFED8];
	v17 =	vand.u32 $0x7E, v18;
	[tilespmem:v28+s17+$0x0] =	vst.idx.msk $0xffff, v19  }
0x297: {  	v18 =	vadd.s32 v0, v17;
	v19 =	vld [tilespmem:s26+$0xFFFFFFDC]  }
0x298: {  	[tilespmem:v29+s17+$0x0] =	vst.idx.msk $0xffff, v23;
	v25 =	vadd.f32 $8.388608000e+06, v25;
	v22 =	vld.idx.msk [tilespmem:v22+s3+$0x0], $0xffff  }
0x299: {  	v23 =	vadd.s32 v5, v12;
	v28 =	vld [tilespmem:s26+$0xFFFFFF28]  }
0x29a: {  	[tilespmem:v27+s17+$0x0] =	vst.idx.msk $0xffff, v24;
	v24 =	vand.u32 $0x7FFFFF, v25;
	v25 =	vld.idx.msk [tilespmem:v31+s3+$0x0], $0xffff  }
0x29b: {  	v27 =	vadd.f32 $8.388608000e+06, v30;
	v29 =	vld [tilespmem:s24+$0xFFFFFF6C];
	v30 =	vadd.s32 v5, v13;
	v24 =	vmin.u32 v24, $0x59FF  }
0x29c: {  	[tilespmem:v18+s17+$0x0] =	vst.idx.msk $0xffff, v26  }
0x29d: {  	v18 =	vand.u32 $0x7FFFFF, v27;
	v19 =	vadd.f32 $8.388608000e+06, v19;
	v26 =	vld [tilespmem:s24+$0xFFFFFEB8]  }
0x29e: {  	v18 =	vmin.u32 v18, $0x59FF;
	[tilespmem:v23+s17+$0x0] =	vst.idx.msk $0xffff, v22;
	v22 =	vadd.f32 $8.388608000e+06, v28  }
0x29f: {  	v19 =	vand.u32 $0x7FFFFF, v19;
	v23 =	vld [tilespmem:s22+$0xFFFFFFBC]  }
0x2a0: {  	v19 =	vmin.u32 v19, $0x59FF;
	v27 =	vadd.f32 $8.388608000e+06, v29;
	[tilespmem:v30+s17+$0x0] =	vst.idx.msk $0xffff, v25;
	v22 =	vand.u32 $0x7FFFFF, v22;
	v24 =	vld.idx.msk [tilespmem:v24+s3+$0x0], $0xffff  }
0x2a1: {  	v25 =	vadd.s32 v3, v14;
	v28 =	vld [tilespmem:s22+$0xFFFFFF08];
	v22 =	vmin.u32 v22, $0x59FF  }
0x2a2: {  	v26 =	vadd.f32 $8.388608000e+06, v26;
	v27 =	vand.u32 $0x7FFFFF, v27  }
0x2a3: {  	v29 =	vadd.s32 v3, v15;
	v18 =	vld.idx.msk [tilespmem:v18+s3+$0x0], $0xffff;
	v27 =	vmin.u32 v27, $0x59FF  }
0x2a4: {  	v26 =	vand.u32 $0x7FFFFF, v26;
	v23 =	vadd.f32 $8.388608000e+06, v23  }
0x2a5: {  	v30 =	vadd.s32 v8, v20;
	v19 =	vld.idx.msk [tilespmem:v19+s3+$0x0], $0xffff;
	v26 =	vmin.u32 v26, $0x59FF  }
0x2a6: {  	[tilespmem:v25+s17+$0x0] =	vst.idx.msk $0xffff, v24;
	v24 =	vadd.f32 $8.388608000e+06, v28;
	v23 =	vand.u32 $0x7FFFFF, v23;
	v22 =	vld.idx.msk [tilespmem:v22+s3+$0x0], $0xffff  }
0x2a7: {  	v28 =	vadd.s32 v8, v21;
	v25 =	vld [tilespmem:s23+$0xFFFFFF9C];
	v23 =	vmin.u32 v23, $0x59FF  }
0x2a8: {  	v27 =	vld.idx.msk [tilespmem:v27+s3+$0x0], $0xffff;
	[tilespmem:v29+s17+$0x0] =	vst.idx.msk $0xffff, v18;
	v18 =	vand.u32 $0x7FFFFF, v24  }
0x2a9: {  	v24 =	vadd.s32 v1, v16;
	v29 =	vld [tilespmem:s23+$0xFFFFFEE8];
	v18 =	vmin.u32 v18, $0x59FF  }
0x2aa: {  	v26 =	vld.idx.msk [tilespmem:v26+s3+$0x0], $0xffff;
	[tilespmem:v30+s17+$0x0] =	vst.idx.msk $0xffff, v19  }
0x2ab: {  	v19 =	vadd.s32 v1, v17;
	v30 =	vld [tilespmem:s26+$0xFFFFFFEC]  }
0x2ac: {  	[tilespmem:v28+s17+$0x0] =	vst.idx.msk $0xffff, v22;
	v25 =	vadd.f32 $8.388608000e+06, v25;
	v23 =	vld.idx.msk [tilespmem:v23+s3+$0x0], $0xffff  }
0x2ad: {  	v22 =	vadd.s32 v6, v12;
	v28 =	vld [tilespmem:s26+$0xFFFFFF38]  }
0x2ae: {  	[tilespmem:v24+s17+$0x0] =	vst.idx.msk $0xffff, v27;
	v25 =	vand.u32 $0x7FFFFF, v25;
	v18 =	vld.idx.msk [tilespmem:v18+s3+$0x0], $0xffff  }
0x2af: {  	v24 =	vadd.f32 $8.388608000e+06, v29;
	v27 =	vld [tilespmem:s24+$0xFFFFFF7C];
	v29 =	vadd.s32 v6, v13;
	v25 =	vmin.u32 v25, $0x59FF  }
0x2b0: {  	[tilespmem:v19+s17+$0x0] =	vst.idx.msk $0xffff, v26  }
0x2b1: {  	v19 =	vand.u32 $0x7FFFFF, v24;
	v24 =	vadd.f32 $8.388608000e+06, v30;
	v26 =	vld [tilespmem:s24+$0xFFFFFEC8]  }
0x2b2: {  	v19 =	vmin.u32 v19, $0x59FF;
	[tilespmem:v22+s17+$0x0] =	vst.idx.msk $0xffff, v23;
	v22 =	vadd.f32 $8.388608000e+06, v28  }
0x2b3: {  	v23 =	vand.u32 $0x7FFFFF, v24;
	v24 =	vld [tilespmem:s22+$0xFFFFFFCC]  }
0x2b4: {  	v23 =	vmin.u32 v23, $0x59FF;
	v27 =	vadd.f32 $8.388608000e+06, v27;
	[tilespmem:v29+s17+$0x0] =	vst.idx.msk $0xffff, v18;
	v18 =	vand.u32 $0x7FFFFF, v22;
	v25 =	vld.idx.msk [tilespmem:v25+s3+$0x0], $0xffff  }
0x2b5: {  	s25 =	simm.s32 $0xBAF8;
	v22 =	vadd.s32 v4, v14;
	v28 =	vld [tilespmem:s22+$0xFFFFFF18];
	v18 =	vmin.u32 v18, $0x59FF  }
0x2b6: {  	v29 =	vld [tilespmem:s25+$0xFFFFFF5C];
	v26 =	vadd.f32 $8.388608000e+06, v26;
	v27 =	vand.u32 $0x7FFFFF, v27  }
0x2b7: {  	v30 =	vadd.s32 v4, v15;
	v19 =	vld.idx.msk [tilespmem:v19+s3+$0x0], $0xffff;
	v27 =	vmin.u32 v27, $0x59FF  }
0x2b8: {  	v31 =	vld [tilespmem:s25+$0xFFFFFEA8];
	v26 =	vand.u32 $0x7FFFFF, v26;
	v24 =	vadd.f32 $8.388608000e+06, v24  }
0x2b9: {  	v32 =	vadd.s32 v9, v20;
	v23 =	vld.idx.msk [tilespmem:v23+s3+$0x0], $0xffff;
	v26 =	vmin.u32 v26, $0x59FF  }
0x2ba: {  	[tilespmem:v22+s17+$0x0] =	vst.idx.msk $0xffff, v25;
	v22 =	vadd.f32 $8.388608000e+06, v28;
	v24 =	vand.u32 $0x7FFFFF, v24;
	v18 =	vld.idx.msk [tilespmem:v18+s3+$0x0], $0xffff  }
0x2bb: {  	v28 =	vadd.s32 v9, v21;
	v25 =	vld [tilespmem:s23+$0xFFFFFFAC];
	v24 =	vmin.u32 v24, $0x59FF  }
0x2bc: {  	v29 =	vadd.f32 $8.388608000e+06, v29;
	v27 =	vld.idx.msk [tilespmem:v27+s3+$0x0], $0xffff;
	[tilespmem:v30+s17+$0x0] =	vst.idx.msk $0xffff, v19;
	v19 =	vand.u32 $0x7FFFFF, v22  }
0x2bd: {  	v22 =	vadd.s32 v2, v16;
	v30 =	vld [tilespmem:s23+$0xFFFFFEF8];
	v19 =	vmin.u32 v19, $0x59FF  }
0x2be: {  	v31 =	vadd.f32 $8.388608000e+06, v31;
	v29 =	vand.u32 $0x7FFFFF, v29;
	v26 =	vld.idx.msk [tilespmem:v26+s3+$0x0], $0xffff;
	[tilespmem:v32+s17+$0x0] =	vst.idx.msk $0xffff, v23  }
0x2bf: {  	v23 =	vmin.u32 v29, $0x59FF;
	v29 =	vadd.s32 v2, v17;
	v32 =	vld [tilespmem:s26+$0xFFFFFFFC]  }
0x2c0: {  	v31 =	vand.u32 $0x7FFFFF, v31;
	[tilespmem:v28+s17+$0x0] =	vst.idx.msk $0xffff, v18;
	v25 =	vadd.f32 $8.388608000e+06, v25;
	v24 =	vld.idx.msk [tilespmem:v24+s3+$0x0], $0xffff  }
0x2c1: {  	v28 =	vmin.u32 v31, $0x59FF;
	v31 =	vadd.s32 v7, v12;
	v33 =	vld [tilespmem:s26+$0xFFFFFF48]  }
0x2c2: {  	s28 =	simm.s32 $0x9;
	[tilespmem:v22+s17+$0x0] =	vst.idx.msk $0xffff, v27;
	v22 =	vadd.f32 $8.388608000e+06, v30;
	v18 =	vand.u32 $0x7FFFFF, v25;
	v25 =	vld.idx.msk [tilespmem:v19+s3+$0x0], $0xffff  }
0x2c3: {  	v34 =	vadd.s32 v7, v13;
	v19 =	vmov s28;
	v27 =	vld [tilespmem:s24+$0xFFFFFF8C];
	v30 =	vmin.u32 v18, $0x59FF  }
0x2c4: {  	s28 =	simm.s32 $0x8;
	v23 =	vld.idx.msk [tilespmem:v23+s3+$0x0], $0xffff;
	v18 =	vand.u32 $0x7F, v19;
	[tilespmem:v29+s17+$0x0] =	vst.idx.msk $0xffff, v26;
	v19 =	vand.u32 $0x7FFFFF, v22;
	v22 =	vadd.f32 $8.388608000e+06, v32  }
0x2c5: {  	v26 =	vmov s28;
	v29 =	vadd.s32 v0, v18;
	v53 =	vld [tilespmem:s24+$0xFFFFFED8];
	v35 =	vmin.u32 v19, $0x59FF  }
0x2c6: {  	v28 =	vld.idx.msk [tilespmem:v28+s3+$0x0], $0xffff;
	v19 =	vand.u32 $0x7E, v26;
	[tilespmem:v31+s17+$0x0] =	vst.idx.msk $0xffff, v24;
	v24 =	vadd.f32 $8.388608000e+06, v33;
	v22 =	vand.u32 $0x7FFFFF, v22  }
0x2c7: {  	v26 =	vadd.s32 v0, v19;
	v31 =	vld [tilespmem:s22+$0xFFFFFFDC];
	v22 =	vmin.u32 v22, $0x59FF  }
0x2c8: {  	v27 =	vadd.f32 $8.388608000e+06, v27;
	[tilespmem:v34+s17+$0x0] =	vst.idx.msk $0xffff, v25;
	v24 =	vand.u32 $0x7FFFFF, v24;
	v30 =	vld.idx.msk [tilespmem:v30+s3+$0x0], $0xffff  }
0x2c9: {  	v25 =	vadd.s32 v5, v14;
	v54 =	vld [tilespmem:s22+$0xFFFFFF28];
	v24 =	vmin.u32 v24, $0x59FF  }
0x2ca: {  	[tilespmem:v29+s17+$0x0] =	vst.idx.msk $0xffff, v23;
	v23 =	vadd.f32 $8.388608000e+06, v53;
	v27 =	vand.u32 $0x7FFFFF, v27;
	v29 =	vld.idx.msk [tilespmem:v35+s3+$0x0], $0xffff  }
0x2cb: {  	v56 =	vadd.s32 v5, v15;
	v55 =	vld [tilespmem:s25+$0xFFFFFF6C];
	v27 =	vmin.u32 v27, $0x59FF  }
0x2cc: {  	[tilespmem:v26+s17+$0x0] =	vst.idx.msk $0xffff, v28;
	v23 =	vand.u32 $0x7FFFFF, v23;
	v26 =	vadd.f32 $8.388608000e+06, v31;
	v22 =	vld.idx.msk [tilespmem:v22+s3+$0x0], $0xffff  }
0x2cd: {  	v31 =	vadd.s32 v10, v20;
	v28 =	vld [tilespmem:s25+$0xFFFFFEB8];
	v23 =	vmin.u32 v23, $0x59FF  }
0x2ce: {  	[tilespmem:v25+s17+$0x0] =	vst.idx.msk $0xffff, v30;
	v25 =	vadd.f32 $8.388608000e+06, v54;
	v26 =	vand.u32 $0x7FFFFF, v26;
	v24 =	vld.idx.msk [tilespmem:v24+s3+$0x0], $0xffff  }
0x2cf: {  	v57 =	vadd.s32 v10, v21;
	v30 =	vld [tilespmem:s23+$0xFFFFFFBC];
	v26 =	vmin.u32 v26, $0x59FF  }
0x2d0: {  	v32 =	vadd.f32 $8.388608000e+06, v55;
	v27 =	vld.idx.msk [tilespmem:v27+s3+$0x0], $0xffff;
	[tilespmem:v56+s17+$0x0] =	vst.idx.msk $0xffff, v29;
	v25 =	vand.u32 $0x7FFFFF, v25  }
0x2d1: {  	v29 =	vadd.s32 v3, v16;
	v34 =	vld [tilespmem:s23+$0xFFFFFF08];
	v25 =	vmin.u32 v25, $0x59FF  }
0x2d2: {  	v28 =	vadd.f32 $8.388608000e+06, v28;
	v32 =	vand.u32 $0x7FFFFF, v32;
	v23 =	vld.idx.msk [tilespmem:v23+s3+$0x0], $0xffff;
	[tilespmem:v31+s17+$0x0] =	vst.idx.msk $0xffff, v22  }
0x2d3: {  	v31 =	vadd.s32 v3, v17;
	v22 =	vmin.u32 v32, $0x59FF;
	v58 =	vld [tilespmem:s26+$0x0]  }
0x2d4: {  	[tilespmem:v57+s17+$0x0] =	vst.idx.msk $0xffff, v24;
	v28 =	vand.u32 $0x7FFFFF, v28;
	v30 =	vadd.f32 $8.388608000e+06, v30;
	v26 =	vld.idx.msk [tilespmem:v26+s3+$0x0], $0xffff  }
0x2d5: {  	v33 =	vld [tilespmem:s26+$0xFFFFFF4C];
	v24 =	vmin.u32 v28, $0x59FF;
	v28 =	vadd.s32 v8, v12  }
0x2d6: {  	[tilespmem:v29+s17+$0x0] =	vst.idx.msk $0xffff, v27;
	v27 =	vadd.f32 $8.388608000e+06, v34;
	v29 =	vand.u32 $0x7FFFFF, v30;
	v25 =	vld.idx.msk [tilespmem:v25+s3+$0x0], $0xffff  }
0x2d7: {  	v59 =	vadd.s32 v8, v13;
	v30 =	vld [tilespmem:s24+$0xFFFFFF9C];
	v29 =	vmin.u32 v29, $0x59FF  }
0x2d8: {  	[tilespmem:v31+s17+$0x0] =	vst.idx.msk $0xffff, v23;
	v22 =	vld.idx.msk [tilespmem:v22+s3+$0x0], $0xffff;
	v23 =	vand.u32 $0x7FFFFF, v27;
	v27 =	vadd.f32 $8.388608000e+06, v58  }
0x2d9: {  	v31 =	vadd.s32 v1, v18;
	v60 =	vld [tilespmem:s24+$0xFFFFFEE8];
	v23 =	vmin.u32 v23, $0x59FF  }
0x2da: {  	v24 =	vld.idx.msk [tilespmem:v24+s3+$0x0], $0xffff;
	[tilespmem:v28+s17+$0x0] =	vst.idx.msk $0xffff, v26;
	v26 =	vadd.f32 $8.388608000e+06, v33;
	v27 =	vand.u32 $0x7FFFFF, v27  }
0x2db: {  	v28 =	vadd.s32 v1, v19;
	v61 =	vld [tilespmem:s22+$0xFFFFFFEC];
	v27 =	vmin.u32 v27, $0x59FF  }
0x2dc: {  	v30 =	vadd.f32 $8.388608000e+06, v30;
	[tilespmem:v59+s17+$0x0] =	vst.idx.msk $0xffff, v25;
	v29 =	vld.idx.msk [tilespmem:v29+s3+$0x0], $0xffff;
	v25 =	vand.u32 $0x7FFFFF, v26  }
0x2dd: {  	v26 =	vadd.s32 v6, v14;
	v34 =	vld [tilespmem:s22+$0xFFFFFF38];
	v25 =	vmin.u32 v25, $0x59FF  }
0x2de: {  	[tilespmem:v31+s17+$0x0] =	vst.idx.msk $0xffff, v22;
	v22 =	vadd.f32 $8.388608000e+06, v60;
	v30 =	vand.u32 $0x7FFFFF, v30;
	v23 =	vld.idx.msk [tilespmem:v23+s3+$0x0], $0xffff  }
0x2df: {  	v62 =	vadd.s32 v6, v15;
	v31 =	vld [tilespmem:s25+$0xFFFFFF7C];
	v30 =	vmin.u32 v30, $0x59FF  }
0x2e0: {  	[tilespmem:v28+s17+$0x0] =	vst.idx.msk $0xffff, v24;
	v22 =	vand.u32 $0x7FFFFF, v22;
	v63 =	vld.idx.msk [tilespmem:v27+s3+$0x0], $0xffff;
	v24 =	vadd.f32 $8.388608000e+06, v61  }
0x2e1: {  	v36 =	vld [tilespmem:s25+$0xFFFFFEC8];
	v22 =	vmin.u32 v22, $0x59FF  }
0x2e2: {  	v37 =	vadd.s32 v11, v20;
	[tilespmem:v26+s17+$0x0] =	vst.idx.msk $0xffff, v29;
	v20 =	vld.idx.msk [tilespmem:v25+s3+$0x0], $0xffff;
	v25 =	vadd.f32 $8.388608000e+06, v34;
	v24 =	vand.u32 $0x7FFFFF, v24  }
0x2e3: {  	v21 =	vadd.s32 v11, v21;
	v27 =	vld [tilespmem:s23+$0xFFFFFFCC];
	v24 =	vmin.u32 v24, $0x59FF  }
0x2e4: {  	v29 =	vadd.f32 $8.388608000e+06, v31;
	v28 =	vld.idx.msk [tilespmem:v30+s3+$0x0], $0xffff;
	[tilespmem:v62+s17+$0x0] =	vst.idx.msk $0xffff, v23;
	v23 =	vand.u32 $0x7FFFFF, v25  }
0x2e5: {  	v30 =	vadd.s32 v4, v16;
	v26 =	vld [tilespmem:s23+$0xFFFFFF18];
	v25 =	vmin.u32 v23, $0x59FF  }
0x2e6: {  	s26 =	simm.s32 $0xBC60;
	v23 =	vand.u32 $0x7FFFFF, v29;
	v29 =	vld.idx.msk [tilespmem:v22+s3+$0x0], $0xffff;
	v33 =	vadd.f32 $8.388608000e+06, v36  }
0x2e7: {  	s21 =	sshll.u32 s21, $0x7;
	s29 =	simm.s32 $0xC;
	s28 =	simm.s32 $0xA;
	v31 =	vadd.s32 v4, v17;
	[tilespmem:v37+s17+$0x0] =	vst.idx.msk $0xffff, v63;
	v22 =	vld [tilespmem:s26+$0xFFFFFF5C];
	v32 =	vmin.u32 v23, $0x59FF  }
.LBB2_11:
0x2e8: {  	p0 =	slt.u32 s29, $0x7E;
	v23 =	vand.u32 $0x7FFFFF, v33;
	v27 =	vadd.f32 $8.388608000e+06, v27;
	v24 =	vld.idx.msk [tilespmem:v24+s3+$0x0], $0xffff;
	[tilespmem:v21+s17+$0x0] =	vst.idx.msk $0xffff, v20  }
0x2e9: {  	v20 =	vld [tilespmem:s26+$0xFFFFFEA8];
	v21 =	vmin.u32 v23, $0x59FF;
	v23 =	vadd.s32 v9, v12  }
0x2ea: {  	[tilespmem:v30+s17+$0x0] =	vst.idx.msk $0xffff, v28;
	v26 =	vadd.f32 $8.388608000e+06, v26;
	v27 =	vand.u32 $0x7FFFFF, v27;
	v25 =	vld.idx.msk [tilespmem:v25+s3+$0x0], $0xffff  }
0x2eb: {  	v30 =	vadd.s32 v9, v13;
	v28 =	vld [tilespmem:s24+$0xFFFFFFAC];
	v27 =	vmin.u32 v27, $0x59FF  }
0x2ec: {  	v22 =	vadd.f32 $8.388608000e+06, v22;
	v32 =	vld.idx.msk [tilespmem:v32+s3+$0x0], $0xffff;
	[tilespmem:v31+s17+$0x0] =	vst.idx.msk $0xffff, v29;
	v26 =	vand.u32 $0x7FFFFF, v26  }
0x2ed: {  	v29 =	vadd.s32 v2, v18;
	v31 =	vld [tilespmem:s24+$0xFFFFFEF8];
	v26 =	vmin.u32 v26, $0x59FF  }
0x2ee: {  	v20 =	vadd.f32 $8.388608000e+06, v20;
	v22 =	vand.u32 $0x7FFFFF, v22;
	v33 =	vld.idx.msk [tilespmem:v21+s3+$0x0], $0xffff;
	[tilespmem:v23+s17+$0x0] =	vst.idx.msk $0xffff, v24  }
0x2ef: {  	v21 =	vmin.u32 v22, $0x59FF;
	v22 =	vadd.s32 v2, v19;
	v23 =	vld [tilespmem:s22+$0xFFFFFFFC]  }
0x2f0: {  	v20 =	vand.u32 $0x7FFFFF, v20;
	v24 =	vadd.f32 $8.388608000e+06, v28;
	v27 =	vld.idx.msk [tilespmem:v27+s3+$0x0], $0xffff;
	[tilespmem:v30+s17+$0x0] =	vst.idx.msk $0xffff, v25  }
0x2f1: {  	v25 =	vadd.s32 v7, v14;
	v20 =	vmin.u32 v20, $0x59FF;
	v28 =	vld [tilespmem:s22+$0xFFFFFF48]  }
0x2f2: {  	s30 =	sadd.s32 $0x1, s28;
	[tilespmem:v29+s17+$0x0] =	vst.idx.msk $0xffff, v32;
	v29 =	vadd.f32 $8.388608000e+06, v31;
	v24 =	vand.u32 $0x7FFFFF, v24;
	v26 =	vld.idx.msk [tilespmem:v26+s3+$0x0], $0xffff  }
0x2f3: {  	v30 =	vmov s30;
	v32 =	vadd.s32 v7, v15;
	v31 =	vld [tilespmem:s25+$0xFFFFFF8C];
	v24 =	vmin.u32 v24, $0x59FF  }
0x2f4: {  	v34 =	vld.idx.msk [tilespmem:v21+s3+$0x0], $0xffff;
	v21 =	vand.u32 $0x7F, v30;
	[tilespmem:v22+s17+$0x0] =	vst.idx.msk $0xffff, v33;
	v22 =	vand.u32 $0x7FFFFF, v29;
	v23 =	vadd.f32 $8.388608000e+06, v23  }
0x2f5: {  	v29 =	vmov s28;
	s28 =	smov.u32 s29;
	v30 =	vadd.s32 v0, v21;
	v33 =	vld [tilespmem:s25+$0xFFFFFED8];
	v35 =	vmin.u32 v22, $0x59FF  }
0x2f6: {  	v22 =	vand.u32 $0x7E, v29;
	v20 =	vld.idx.msk [tilespmem:v20+s3+$0x0], $0xffff;
	[tilespmem:v25+s17+$0x0] =	vst.idx.msk $0xffff, v27;
	v25 =	vadd.f32 $8.388608000e+06, v28;
	v23 =	vand.u32 $0x7FFFFF, v23  }
0x2f7: {  	v27 =	vadd.s32 v0, v22;
	v28 =	vld [tilespmem:s23+$0xFFFFFFDC];
	v23 =	vmin.u32 v23, $0x59FF  }
0x2f8: {  	v29 =	vadd.f32 $8.388608000e+06, v31;
	v24 =	vld.idx.msk [tilespmem:v24+s3+$0x0], $0xffff;
	[tilespmem:v32+s17+$0x0] =	vst.idx.msk $0xffff, v26;
	v25 =	vand.u32 $0x7FFFFF, v25  }
0x2f9: {  	v26 =	vadd.s32 v5, v16;
	v31 =	vld [tilespmem:s23+$0xFFFFFF28];
	v25 =	vmin.u32 v25, $0x59FF  }
0x2fa: {  	[tilespmem:v30+s17+$0x0] =	vst.idx.msk $0xffff, v34;
	v30 =	vadd.f32 $8.388608000e+06, v33;
	v29 =	vand.u32 $0x7FFFFF, v29;
	v32 =	vld.idx.msk [tilespmem:v35+s3+$0x0], $0xffff  }
0x2fb: {  	v34 =	vadd.s32 v5, v17;
	v33 =	vld [tilespmem:s26+$0xFFFFFF6C];
	v29 =	vmin.u32 v29, $0x59FF  }
0x2fc: {  	[tilespmem:v27+s17+$0x0] =	vst.idx.msk $0xffff, v20;
	v20 =	vand.u32 $0x7FFFFF, v30;
	v27 =	vadd.f32 $8.388608000e+06, v28;
	v23 =	vld.idx.msk [tilespmem:v23+s3+$0x0], $0xffff  }
0x2fd: {  	v30 =	vadd.s32 v10, v12;
	v28 =	vld [tilespmem:s26+$0xFFFFFEB8];
	v20 =	vmin.u32 v20, $0x59FF  }
0x2fe: {  	[tilespmem:v26+s17+$0x0] =	vst.idx.msk $0xffff, v24;
	v24 =	vadd.f32 $8.388608000e+06, v31;
	v26 =	vand.u32 $0x7FFFFF, v27;
	v25 =	vld.idx.msk [tilespmem:v25+s3+$0x0], $0xffff  }
0x2ff: {  	v31 =	vadd.s32 v10, v13;
	v27 =	vld [tilespmem:s24+$0xFFFFFFBC];
	v26 =	vmin.u32 v26, $0x59FF  }
0x300: {  	v33 =	vadd.f32 $8.388608000e+06, v33;
	v29 =	vld.idx.msk [tilespmem:v29+s3+$0x0], $0xffff;
	[tilespmem:v34+s17+$0x0] =	vst.idx.msk $0xffff, v32;
	v24 =	vand.u32 $0x7FFFFF, v24  }
0x301: {  	v32 =	vadd.s32 v3, v18;
	v34 =	vld [tilespmem:s24+$0xFFFFFF08];
	v24 =	vmin.u32 v24, $0x59FF  }
0x302: {  	v28 =	vadd.f32 $8.388608000e+06, v28;
	v33 =	vand.u32 $0x7FFFFF, v33;
	v20 =	vld.idx.msk [tilespmem:v20+s3+$0x0], $0xffff;
	[tilespmem:v30+s17+$0x0] =	vst.idx.msk $0xffff, v23  }
0x303: {  	v30 =	vadd.s32 v3, v19;
	v23 =	vmin.u32 v33, $0x59FF;
	v33 =	vld [tilespmem:s22+$0x0]  }
0x304: {  	v28 =	vand.u32 $0x7FFFFF, v28;
	v27 =	vadd.f32 $8.388608000e+06, v27;
	v26 =	vld.idx.msk [tilespmem:v26+s3+$0x0], $0xffff;
	[tilespmem:v31+s17+$0x0] =	vst.idx.msk $0xffff, v25  }
0x305: {  	v25 =	vmin.u32 v28, $0x59FF;
	v28 =	vadd.s32 v8, v14;
	v31 =	vld [tilespmem:s22+$0xFFFFFF4C];
	s22 =	smov.u32 s23;
	s23 =	smov.u32 s24;
	s24 =	smov.u32 s25  }
0x306: {  	s25 =	smov.u32 s26;
	[tilespmem:v32+s17+$0x0] =	vst.idx.msk $0xffff, v29;
	v29 =	vadd.f32 $8.388608000e+06, v34;
	v27 =	vand.u32 $0x7FFFFF, v27;
	v24 =	vld.idx.msk [tilespmem:v24+s3+$0x0], $0xffff  }
0x307: {  	v34 =	vadd.s32 v8, v15;
	v32 =	vld [tilespmem:s24+$0xFFFFFF9C];
	v27 =	vmin.u32 v27, $0x59FF  }
0x308: {  	v23 =	vld.idx.msk [tilespmem:v23+s3+$0x0], $0xffff;
	[tilespmem:v30+s17+$0x0] =	vst.idx.msk $0xffff, v20;
	v20 =	vand.u32 $0x7FFFFF, v29;
	v29 =	vadd.f32 $8.388608000e+06, v33  }
0x309: {  	v30 =	vadd.s32 v1, v21;
	v33 =	vld [tilespmem:s24+$0xFFFFFEE8];
	v20 =	vmin.u32 v20, $0x59FF  }
0x30a: {  	v25 =	vld.idx.msk [tilespmem:v25+s3+$0x0], $0xffff;
	[tilespmem:v28+s17+$0x0] =	vst.idx.msk $0xffff, v26;
	v26 =	vadd.f32 $8.388608000e+06, v31;
	v28 =	vand.u32 $0x7FFFFF, v29  }
0x30b: {  	v29 =	vadd.s32 v1, v22;
	v31 =	vld [tilespmem:s22+$0xFFFFFFEC];
	v28 =	vmin.u32 v28, $0x59FF  }
0x30c: {  	v32 =	vadd.f32 $8.388608000e+06, v32;
	v27 =	vld.idx.msk [tilespmem:v27+s3+$0x0], $0xffff;
	[tilespmem:v34+s17+$0x0] =	vst.idx.msk $0xffff, v24;
	v24 =	vand.u32 $0x7FFFFF, v26  }
0x30d: {  	v26 =	vadd.s32 v6, v16;
	v34 =	vld [tilespmem:s22+$0xFFFFFF38];
	v24 =	vmin.u32 v24, $0x59FF  }
0x30e: {  	[tilespmem:v30+s17+$0x0] =	vst.idx.msk $0xffff, v23;
	v23 =	vadd.f32 $8.388608000e+06, v33;
	v30 =	vand.u32 $0x7FFFFF, v32;
	v32 =	vld.idx.msk [tilespmem:v20+s3+$0x0], $0xffff  }
0x30f: {  	v35 =	vadd.s32 v6, v17;
	v33 =	vld [tilespmem:s26+$0xFFFFFF7C];
	v30 =	vmin.u32 v30, $0x59FF  }
0x310: {  	[tilespmem:v29+s17+$0x0] =	vst.idx.msk $0xffff, v25;
	v20 =	vand.u32 $0x7FFFFF, v23;
	v23 =	vadd.f32 $8.388608000e+06, v31;
	v31 =	vld.idx.msk [tilespmem:v28+s3+$0x0], $0xffff  }
0x311: {  	v37 =	vadd.s32 v11, v12;
	v12 =	vmovc v14;
	v14 =	vmovc v16;
	v16 =	vmov v18;
	v29 =	vld [tilespmem:s26+$0xFFFFFEC8];
	v36 =	vmin.u32 v20, $0x59FF  }
0x312: {  	v18 =	vmov v21;
	[tilespmem:v26+s17+$0x0] =	vst.idx.msk $0xffff, v27;
	v25 =	vadd.f32 $8.388608000e+06, v34;
	v23 =	vand.u32 $0x7FFFFF, v23;
	v20 =	vld.idx.msk [tilespmem:v24+s3+$0x0], $0xffff  }
.Ltmp5:
0x313: {  	v21 =	vadd.s32 v11, v13;
	v13 =	vmovc v15;
	v15 =	vmovc v17;
	v17 =	vmov v19;
	v27 =	vld [tilespmem:s23+$0xFFFFFFCC];
	v24 =	vmin.u32 v23, $0x59FF;
	(pc) =	sbr.rel @p0 .LBB2_11-.Ltmp5, $4  }
0x314: {  	v19 =	vmov v22;
	v23 =	vadd.f32 $8.388608000e+06, v33;
	v28 =	vld.idx.msk [tilespmem:v30+s3+$0x0], $0xffff;
	[tilespmem:v35+s17+$0x0] =	vst.idx.msk $0xffff, v32;
	v25 =	vand.u32 $0x7FFFFF, v25  }
0x315: {  	v30 =	vadd.s32 v4, v16;
	v26 =	vld [tilespmem:s23+$0xFFFFFF18];
	v25 =	vmin.u32 v25, $0x59FF  }
0x316: {  	s26 =	sadd.s32 $0x168, s26;
	v33 =	vadd.f32 $8.388608000e+06, v29;
	v23 =	vand.u32 $0x7FFFFF, v23;
	v29 =	vld.idx.msk [tilespmem:v36+s3+$0x0], $0xffff;
	[tilespmem:v37+s17+$0x0] =	vst.idx.msk $0xffff, v31  }
0x317: {  	s29 =	sadd.s32 $0x2, s29;
	v31 =	vadd.s32 v4, v17;
	v22 =	vld [tilespmem:s26+$0xFFFFFF5C];
	v32 =	vmin.u32 v23, $0x59FF  }
0x318: {  	v23 =	vld [tilespmem:s26+$0xFFFFFEA8];
	_ =	sdelay $0x3  }
0x319: {  	v22 =	vadd.f32 $8.388608000e+06, v22  }
0x31a: {  	v23 =	vadd.f32 $8.388608000e+06, v23  }
0x31b: {  	v22 =	vand.u32 $0x7FFFFF, v22  }
0x31c: {  	v34 =	vmin.u32 v22, $0x59FF;
	v54 =	vand.u32 $0x7FFFFF, v23  }
0x31d: {  	v35 =	vmin.u32 v54, $0x59FF  }
0x31e: {  	s29 =	sadd.s32 $0x1, s28  }
0x31f: {  	v55 =	vmov s29  }
0x320: {  	v56 =	vmov s28;
	v22 =	vand.u32 $0x7F, v55  }
0x321: {  	v23 =	vand.u32 $0x7E, v56;
	v36 =	vadd.s32 v0, v22;
	v34 =	vld.idx.msk [tilespmem:v34+s3+$0x0], $0xffff  }
0x322: {  	v37 =	vadd.s32 v0, v23;
	v35 =	vld.idx.msk [tilespmem:v35+s3+$0x0], $0xffff;
	_ =	sdelay $0x3  }
0x323: {  	[tilespmem:v36+s17+$0x0] =	vst.idx.msk $0xffff, v34  }
0x324: {  	v34 =	vld [tilespmem:s26+$0xFFFFFF6C];
	[tilespmem:v37+s17+$0x0] =	vst.idx.msk $0xffff, v35  }
0x325: {  	v35 =	vld [tilespmem:s26+$0xFFFFFEB8];
	_ =	sdelay $0x3  }
0x326: {  	v34 =	vadd.f32 $8.388608000e+06, v34  }
0x327: {  	v35 =	vadd.f32 $8.388608000e+06, v35  }
0x328: {  	v34 =	vand.u32 $0x7FFFFF, v34  }
0x329: {  	v34 =	vmin.u32 v34, $0x59FF;
	v35 =	vand.u32 $0x7FFFFF, v35  }
0x32a: {  	v35 =	vmin.u32 v35, $0x59FF;
	_ =	sdelay $0x3  }
0x32b: {  	v57 =	vadd.s32 v1, v22;
	v34 =	vld.idx.msk [tilespmem:v34+s3+$0x0], $0xffff  }
0x32c: {  	v58 =	vadd.s32 v1, v23;
	v35 =	vld.idx.msk [tilespmem:v35+s3+$0x0], $0xffff;
	_ =	sdelay $0x3  }
0x32d: {  	[tilespmem:v57+s17+$0x0] =	vst.idx.msk $0xffff, v34  }
0x32e: {  	v33 =	vand.u32 $0x7FFFFF, v33;
	v34 =	vld [tilespmem:s26+$0xFFFFFF7C];
	[tilespmem:v58+s17+$0x0] =	vst.idx.msk $0xffff, v35  }
0x32f: {  	v33 =	vmin.u32 v33, $0x59FF;
	v35 =	vld [tilespmem:s26+$0xFFFFFEC8]  }
0x330: {  	v32 =	vld.idx.msk [tilespmem:v32+s3+$0x0], $0xffff;
	v59 =	vadd.s32 v2, v18;
	_ =	sdelay $0x2  }
0x331: {  	v34 =	vadd.f32 $8.388608000e+06, v34  }
0x332: {  	v60 =	vadd.s32 v2, v19;
	v33 =	vld.idx.msk [tilespmem:v33+s3+$0x0], $0xffff;
	v35 =	vadd.f32 $8.388608000e+06, v35  }
0x333: {  	[tilespmem:v59+s17+$0x0] =	vst.idx.msk $0xffff, v32;
	v34 =	vand.u32 $0x7FFFFF, v34  }
0x334: {  	v32 =	vld [tilespmem:s25+$0xFFFFFF8C];
	v34 =	vmin.u32 v34, $0x59FF;
	v35 =	vand.u32 $0x7FFFFF, v35  }
0x335: {  	v35 =	vmin.u32 v35, $0x59FF;
	_ =	sdelay $0x1  }
0x336: {  	[tilespmem:v60+s17+$0x0] =	vst.idx.msk $0xffff, v33  }
0x337: {  	v33 =	vld [tilespmem:s25+$0xFFFFFED8]  }
0x338: {  	v38 =	vadd.s32 v2, v22;
	v32 =	vadd.f32 $8.388608000e+06, v32;
	v34 =	vld.idx.msk [tilespmem:v34+s3+$0x0], $0xffff  }
0x339: {  	v39 =	vadd.s32 v2, v23;
	v35 =	vld.idx.msk [tilespmem:v35+s3+$0x0], $0xffff  }
0x33a: {  	v32 =	vand.u32 $0x7FFFFF, v32  }
0x33b: {  	v32 =	vmin.u32 v32, $0x59FF  }
0x33c: {  	v33 =	vadd.f32 $8.388608000e+06, v33  }
0x33d: {  	[tilespmem:v38+s17+$0x0] =	vst.idx.msk $0xffff, v34  }
0x33e: {  	v33 =	vand.u32 $0x7FFFFF, v33;
	v34 =	vld [tilespmem:s26+$0xFFFFFF8C];
	[tilespmem:v39+s17+$0x0] =	vst.idx.msk $0xffff, v35  }
0x33f: {  	v33 =	vmin.u32 v33, $0x59FF;
	v35 =	vld [tilespmem:s26+$0xFFFFFED8]  }
0x340: {  	v61 =	vadd.s32 v3, v18;
	v32 =	vld.idx.msk [tilespmem:v32+s3+$0x0], $0xffff;
	_ =	sdelay $0x2  }
0x341: {  	v34 =	vadd.f32 $8.388608000e+06, v34  }
0x342: {  	v62 =	vadd.s32 v3, v19;
	v33 =	vld.idx.msk [tilespmem:v33+s3+$0x0], $0xffff;
	v35 =	vadd.f32 $8.388608000e+06, v35  }
0x343: {  	[tilespmem:v61+s17+$0x0] =	vst.idx.msk $0xffff, v32;
	v34 =	vand.u32 $0x7FFFFF, v34  }
0x344: {  	v32 =	vld [tilespmem:s25+$0xFFFFFF9C];
	v34 =	vmin.u32 v34, $0x59FF;
	v35 =	vand.u32 $0x7FFFFF, v35  }
0x345: {  	v35 =	vmin.u32 v35, $0x59FF;
	_ =	sdelay $0x1  }
0x346: {  	[tilespmem:v62+s17+$0x0] =	vst.idx.msk $0xffff, v33  }
0x347: {  	v33 =	vld [tilespmem:s25+$0xFFFFFEE8]  }
0x348: {  	v63 =	vadd.s32 v3, v22;
	v32 =	vadd.f32 $8.388608000e+06, v32;
	v34 =	vld.idx.msk [tilespmem:v34+s3+$0x0], $0xffff  }
0x349: {  	v42 =	vadd.s32 v3, v23;
	v35 =	vld.idx.msk [tilespmem:v35+s3+$0x0], $0xffff  }
0x34a: {  	v32 =	vand.u32 $0x7FFFFF, v32  }
0x34b: {  	v32 =	vmin.u32 v32, $0x59FF  }
0x34c: {  	v33 =	vadd.f32 $8.388608000e+06, v33  }
0x34d: {  	[tilespmem:v63+s17+$0x0] =	vst.idx.msk $0xffff, v34  }
0x34e: {  	v33 =	vand.u32 $0x7FFFFF, v33;
	v34 =	vld [tilespmem:s26+$0xFFFFFF9C];
	[tilespmem:v42+s17+$0x0] =	vst.idx.msk $0xffff, v35  }
0x34f: {  	v33 =	vmin.u32 v33, $0x59FF;
	v35 =	vld [tilespmem:s26+$0xFFFFFEE8]  }
0x350: {  	v43 =	vadd.s32 v4, v18;
	v32 =	vld.idx.msk [tilespmem:v32+s3+$0x0], $0xffff;
	_ =	sdelay $0x1  }
0x351: {  	[tilespmem:v31+s17+$0x0] =	vst.idx.msk $0xffff, v29  }
0x352: {  	v29 =	vld [tilespmem:s24+$0xFFFFFEF8];
	v34 =	vadd.f32 $8.388608000e+06, v34  }
0x353: {  	v44 =	vadd.s32 v4, v19;
	v33 =	vld.idx.msk [tilespmem:v33+s3+$0x0], $0xffff;
	v35 =	vadd.f32 $8.388608000e+06, v35  }
0x354: {  	[tilespmem:v43+s17+$0x0] =	vst.idx.msk $0xffff, v32;
	v34 =	vand.u32 $0x7FFFFF, v34  }
0x355: {  	v49 =	vld [tilespmem:s25+$0xFFFFFFAC];
	v34 =	vmin.u32 v34, $0x59FF;
	v35 =	vand.u32 $0x7FFFFF, v35  }
0x356: {  	v27 =	vadd.f32 $8.388608000e+06, v27;
	v35 =	vmin.u32 v35, $0x59FF  }
0x357: {  	v29 =	vadd.f32 $8.388608000e+06, v29  }
0x358: {  	v27 =	vand.u32 $0x7FFFFF, v27;
	[tilespmem:v44+s17+$0x0] =	vst.idx.msk $0xffff, v33  }
0x359: {  	v27 =	vmin.u32 v27, $0x59FF;
	v29 =	vand.u32 $0x7FFFFF, v29;
	v50 =	vld [tilespmem:s25+$0xFFFFFEF8]  }
0x35a: {  	v45 =	vadd.s32 v4, v22;
	v29 =	vmin.u32 v29, $0x59FF;
	v31 =	vadd.f32 $8.388608000e+06, v49;
	v34 =	vld.idx.msk [tilespmem:v34+s3+$0x0], $0xffff  }
0x35b: {  	v47 =	vadd.s32 v4, v23;
	v46 =	vld.idx.msk [tilespmem:v35+s3+$0x0], $0xffff  }
0x35c: {  	[tilespmem:v30+s17+$0x0] =	vst.idx.msk $0xffff, v28;
	v31 =	vand.u32 $0x7FFFFF, v31  }
0x35d: {  	v48 =	vld [tilespmem:s24+$0xFFFFFFAC];
	v31 =	vmin.u32 v31, $0x59FF  }
0x35e: {  	v27 =	vld.idx.msk [tilespmem:v27+s3+$0x0], $0xffff;
	v32 =	vadd.f32 $8.388608000e+06, v50  }
0x35f: {  	v29 =	vld.idx.msk [tilespmem:v29+s3+$0x0], $0xffff;
	v58 =	vadd.s32 v5, v17;
	[tilespmem:v45+s17+$0x0] =	vst.idx.msk $0xffff, v34  }
0x360: {  	v32 =	vand.u32 $0x7FFFFF, v32;
	v51 =	vld [tilespmem:s26+$0xFFFFFFAC];
	[tilespmem:v47+s17+$0x0] =	vst.idx.msk $0xffff, v46  }
0x361: {  	v53 =	vadd.s32 v7, v14;
	v54 =	vmin.u32 v32, $0x59FF;
	v30 =	vld [tilespmem:s26+$0xFFFFFEF8]  }
0x362: {  	v59 =	vadd.s32 v5, v18;
	v31 =	vld.idx.msk [tilespmem:v31+s3+$0x0], $0xffff  }
0x363: {  	v52 =	vadd.f32 $8.388608000e+06, v48  }
0x364: {  	[tilespmem:v58+s17+$0x0] =	vst.idx.msk $0xffff, v29  }
0x365: {  	v28 =	vand.u32 $0x7FFFFF, v52;
	v29 =	vld [tilespmem:s24+$0xFFFFFF08];
	v33 =	vadd.f32 $8.388608000e+06, v51  }
0x366: {  	v28 =	vmin.u32 v28, $0x59FF;
	v60 =	vadd.s32 v5, v19;
	[tilespmem:v53+s17+$0x0] =	vst.idx.msk $0xffff, v27;
	v27 =	vld.idx.msk [tilespmem:v54+s3+$0x0], $0xffff;
	v30 =	vadd.f32 $8.388608000e+06, v30  }
0x367: {  	[tilespmem:v59+s17+$0x0] =	vst.idx.msk $0xffff, v31;
	v55 =	vand.u32 $0x7FFFFF, v33  }
0x368: {  	v26 =	vadd.f32 $8.388608000e+06, v26;
	v31 =	vld [tilespmem:s25+$0xFFFFFFBC];
	v32 =	vmin.u32 v55, $0x59FF;
	v30 =	vand.u32 $0x7FFFFF, v30  }
0x369: {  	v30 =	vmin.u32 v30, $0x59FF  }
0x36a: {  	v26 =	vand.u32 $0x7FFFFF, v26;
	v29 =	vadd.f32 $8.388608000e+06, v29  }
0x36b: {  	v26 =	vmin.u32 v26, $0x59FF;
	v28 =	vld.idx.msk [tilespmem:v28+s3+$0x0], $0xffff;
	v57 =	vadd.s32 v5, v16;
	[tilespmem:v60+s17+$0x0] =	vst.idx.msk $0xffff, v27  }
0x36c: {  	v29 =	vand.u32 $0x7FFFFF, v29;
	v27 =	vld [tilespmem:s25+$0xFFFFFF08]  }
0x36d: {  	v61 =	vadd.s32 v5, v22;
	v29 =	vmin.u32 v29, $0x59FF;
	v31 =	vadd.f32 $8.388608000e+06, v31;
	v32 =	vld.idx.msk [tilespmem:v32+s3+$0x0], $0xffff  }
0x36e: {  	v63 =	vadd.s32 v5, v23;
	v62 =	vld.idx.msk [tilespmem:v30+s3+$0x0], $0xffff  }
0x36f: {  	v31 =	vand.u32 $0x7FFFFF, v31  }
0x370: {  	v40 =	vadd.s32 v7, v15;
	v26 =	vld.idx.msk [tilespmem:v26+s3+$0x0], $0xffff;
	[tilespmem:v57+s17+$0x0] =	vst.idx.msk $0xffff, v28;
	v43 =	vmin.u32 v31, $0x59FF  }
0x371: {  	v34 =	vld [tilespmem:s24+$0xFFFFFFBC]  }
0x372: {  	v29 =	vld.idx.msk [tilespmem:v29+s3+$0x0], $0xffff;
	v27 =	vadd.f32 $8.388608000e+06, v27;
	[tilespmem:v61+s17+$0x0] =	vst.idx.msk $0xffff, v32  }
0x373: {  	v39 =	vld [tilespmem:s26+$0xFFFFFFBC];
	[tilespmem:v63+s17+$0x0] =	vst.idx.msk $0xffff, v62  }
0x374: {  	v27 =	vand.u32 $0x7FFFFF, v27;
	v42 =	vld [tilespmem:s26+$0xFFFFFF08]  }
0x375: {  	[tilespmem:v40+s17+$0x0] =	vst.idx.msk $0xffff, v26;
	v26 =	vld.idx.msk [tilespmem:v43+s3+$0x0], $0xffff;
	v27 =	vmin.u32 v27, $0x59FF;
	v47 =	vadd.s32 v6, v17  }
0x376: {  	v48 =	vadd.s32 v6, v18;
	v45 =	vld [tilespmem:s23+$0xFFFFFF28];
	v41 =	vadd.f32 $8.388608000e+06, v34;
	_ =	sdelay $0x1  }
0x377: {  	v56 =	vld [tilespmem:s23+$0xFFFFFFDC];
	v30 =	vand.u32 $0x7FFFFF, v41;
	v33 =	vadd.f32 $8.388608000e+06, v39  }
0x378: {  	v30 =	vmin.u32 v30, $0x59FF;
	v44 =	vadd.f32 $8.388608000e+06, v42  }
0x379: {  	v27 =	vld.idx.msk [tilespmem:v27+s3+$0x0], $0xffff;
	[tilespmem:v47+s17+$0x0] =	vst.idx.msk $0xffff, v29;
	v33 =	vand.u32 $0x7FFFFF, v33  }
0x37a: {  	[tilespmem:v48+s17+$0x0] =	vst.idx.msk $0xffff, v26;
	v31 =	vadd.f32 $8.388608000e+06, v45;
	v53 =	vld [tilespmem:s24+$0xFFFFFF18];
	v33 =	vmin.u32 v33, $0x59FF;
	v28 =	vand.u32 $0x7FFFFF, v44  }
0x37b: {  	v49 =	vadd.s32 v6, v19;
	v26 =	vld [tilespmem:s25+$0xFFFFFFCC];
	v28 =	vmin.u32 v28, $0x59FF  }
0x37c: {  	v38 =	vadd.f32 $8.388608000e+06, v56;
	v31 =	vand.u32 $0x7FFFFF, v31  }
0x37d: {  	v46 =	vadd.s32 v6, v16;
	v52 =	vmin.u32 v31, $0x59FF;
	v30 =	vld.idx.msk [tilespmem:v30+s3+$0x0], $0xffff  }
0x37e: {  	v32 =	vand.u32 $0x7FFFFF, v38  }
0x37f: {  	v50 =	vadd.s32 v6, v22;
	v31 =	vadd.f32 $8.388608000e+06, v53;
	v32 =	vmin.u32 v32, $0x59FF;
	v33 =	vld.idx.msk [tilespmem:v33+s3+$0x0], $0xffff  }
0x380: {  	[tilespmem:v49+s17+$0x0] =	vst.idx.msk $0xffff, v27;
	v26 =	vadd.f32 $8.388608000e+06, v26;
	v51 =	vadd.s32 v6, v23;
	v28 =	vld.idx.msk [tilespmem:v28+s3+$0x0], $0xffff  }
0x381: {  	v27 =	vld [tilespmem:s25+$0xFFFFFF18];
	v31 =	vand.u32 $0x7FFFFF, v31  }
0x382: {  	v26 =	vand.u32 $0x7FFFFF, v26;
	v29 =	vld.idx.msk [tilespmem:v52+s3+$0x0], $0xffff;
	v31 =	vmin.u32 v31, $0x59FF;
	[tilespmem:v46+s17+$0x0] =	vst.idx.msk $0xffff, v30  }
0x383: {  	v26 =	vmin.u32 v26, $0x59FF;
	v34 =	vld [tilespmem:s24+$0xFFFFFFCC]  }
0x384: {  	v54 =	vadd.s32 v8, v14;
	v32 =	vld.idx.msk [tilespmem:v32+s3+$0x0], $0xffff;
	[tilespmem:v50+s17+$0x0] =	vst.idx.msk $0xffff, v33  }
0x385: {  	v33 =	vld [tilespmem:s26+$0xFFFFFFCC];
	[tilespmem:v51+s17+$0x0] =	vst.idx.msk $0xffff, v28  }
0x386: {  	v57 =	vadd.s32 v8, v15;
	v56 =	vld [tilespmem:s26+$0xFFFFFF18]  }
0x387: {  	v31 =	vld.idx.msk [tilespmem:v31+s3+$0x0], $0xffff;
	v62 =	vadd.s32 v7, v17  }
0x388: {  	v26 =	vld.idx.msk [tilespmem:v26+s3+$0x0], $0xffff;
	v63 =	vadd.s32 v7, v18;
	v55 =	vadd.f32 $8.388608000e+06, v34  }
0x389: {  	v27 =	vadd.f32 $8.388608000e+06, v27;
	[tilespmem:v54+s17+$0x0] =	vst.idx.msk $0xffff, v32  }
0x38a: {  	v32 =	vld [tilespmem:s23+$0xFFFFFFEC];
	v30 =	vand.u32 $0x7FFFFF, v55;
	v33 =	vadd.f32 $8.388608000e+06, v33  }
0x38b: {  	v27 =	vand.u32 $0x7FFFFF, v27;
	[tilespmem:v57+s17+$0x0] =	vst.idx.msk $0xffff, v29;
	v30 =	vmin.u32 v30, $0x59FF;
	v58 =	vadd.f32 $8.388608000e+06, v56  }
0x38c: {  	v27 =	vmin.u32 v27, $0x59FF;
	[tilespmem:v62+s17+$0x0] =	vst.idx.msk $0xffff, v31;
	v59 =	vand.u32 $0x7FFFFF, v33  }
0x38d: {  	[tilespmem:v63+s17+$0x0] =	vst.idx.msk $0xffff, v26;
	v44 =	vld [tilespmem:s24+$0xFFFFFF28];
	v29 =	vmin.u32 v59, $0x59FF;
	v28 =	vand.u32 $0x7FFFFF, v58  }
0x38e: {  	v26 =	vld [tilespmem:s25+$0xFFFFFFDC];
	v28 =	vmin.u32 v28, $0x59FF  }
0x38f: {  	v24 =	vld.idx.msk [tilespmem:v24+s3+$0x0], $0xffff;
	v32 =	vadd.f32 $8.388608000e+06, v32  }
0x390: {  	v61 =	vadd.s32 v7, v16;
	v30 =	vld.idx.msk [tilespmem:v30+s3+$0x0], $0xffff  }
0x391: {  	v40 =	vadd.s32 v7, v19;
	v27 =	vld.idx.msk [tilespmem:v27+s3+$0x0], $0xffff;
	v32 =	vand.u32 $0x7FFFFF, v32  }
0x392: {  	v41 =	vadd.s32 v7, v22;
	v43 =	vmin.u32 v32, $0x59FF;
	v32 =	vadd.f32 $8.388608000e+06, v44;
	v29 =	vld.idx.msk [tilespmem:v29+s3+$0x0], $0xffff  }
0x393: {  	v42 =	vadd.s32 v7, v23;
	v26 =	vadd.f32 $8.388608000e+06, v26;
	v28 =	vld.idx.msk [tilespmem:v28+s3+$0x0], $0xffff  }
0x394: {  	v25 =	vld.idx.msk [tilespmem:v25+s3+$0x0], $0xffff;
	v54 =	vand.u32 $0x7FFFFF, v32  }
0x395: {  	v47 =	vadd.s32 v9, v13;
	v60 =	vld [tilespmem:s23+$0xFFFFFF38];
	v26 =	vand.u32 $0x7FFFFF, v26;
	v57 =	vmin.u32 v54, $0x59FF;
	[tilespmem:v61+s17+$0x0] =	vst.idx.msk $0xffff, v30  }
0x396: {  	[tilespmem:v40+s17+$0x0] =	vst.idx.msk $0xffff, v27;
	v26 =	vmin.u32 v26, $0x59FF;
	v34 =	vld [tilespmem:s24+$0xFFFFFFDC]  }
0x397: {  	v46 =	vld [tilespmem:s25+$0xFFFFFF28];
	[tilespmem:v41+s17+$0x0] =	vst.idx.msk $0xffff, v29  }
0x398: {  	v48 =	vld [tilespmem:s26+$0xFFFFFFDC];
	[tilespmem:v42+s17+$0x0] =	vst.idx.msk $0xffff, v28  }
0x399: {  	v45 =	vadd.s32 v9, v12;
	v51 =	vld [tilespmem:s26+$0xFFFFFF28]  }
0x39a: {  	[tilespmem:v47+s17+$0x0] =	vst.idx.msk $0xffff, v25;
	v33 =	vadd.f32 $8.388608000e+06, v60;
	v60 =	vadd.s32 v8, v17;
	v25 =	vld.idx.msk [tilespmem:v57+s3+$0x0], $0xffff  }
0x39b: {  	v26 =	vld.idx.msk [tilespmem:v26+s3+$0x0], $0xffff;
	v61 =	vadd.s32 v8, v18;
	v50 =	vadd.f32 $8.388608000e+06, v34  }
0x39c: {  	v55 =	vadd.f32 $8.388608000e+06, v46  }
0x39d: {  	v49 =	vand.u32 $0x7FFFFF, v33;
	v30 =	vand.u32 $0x7FFFFF, v50;
	v58 =	vadd.f32 $8.388608000e+06, v48  }
0x39e: {  	[tilespmem:v45+s17+$0x0] =	vst.idx.msk $0xffff, v24;
	v31 =	vld.idx.msk [tilespmem:v43+s3+$0x0], $0xffff;
	v53 =	vmin.u32 v30, $0x59FF;
	v30 =	vand.u32 $0x7FFFFF, v55;
	v33 =	vadd.f32 $8.388608000e+06, v51  }
0x39f: {  	v56 =	vld [tilespmem:s22+$0xFFFFFFFC];
	[tilespmem:v60+s17+$0x0] =	vst.idx.msk $0xffff, v25;
	v30 =	vmin.u32 v30, $0x59FF;
	v27 =	vand.u32 $0x7FFFFF, v58  }
0x3a0: {  	[tilespmem:v61+s17+$0x0] =	vst.idx.msk $0xffff, v26;
	v43 =	vld [tilespmem:s24+$0xFFFFFF38];
	v27 =	vmin.u32 v27, $0x59FF;
	v33 =	vand.u32 $0x7FFFFF, v33  }
0x3a1: {  	v52 =	vadd.s32 v9, v14;
	v45 =	vld [tilespmem:s25+$0xFFFFFFEC];
	v33 =	vmin.u32 v33, $0x59FF  }
0x3a2: {  	v29 =	vld [tilespmem:s22+$0xFFFFFF48]  }
0x3a3: {  	v59 =	vadd.s32 v8, v16;
	v28 =	vmin.u32 v49, $0x59FF;
	v24 =	vld.idx.msk [tilespmem:v53+s3+$0x0], $0xffff  }
0x3a4: {  	v62 =	vadd.s32 v8, v19;
	v30 =	vld.idx.msk [tilespmem:v30+s3+$0x0], $0xffff  }
0x3a5: {  	v63 =	vadd.s32 v8, v22;
	v32 =	vadd.f32 $8.388608000e+06, v43;
	v27 =	vld.idx.msk [tilespmem:v27+s3+$0x0], $0xffff  }
0x3a6: {  	[tilespmem:v52+s17+$0x0] =	vst.idx.msk $0xffff, v31;
	v41 =	vadd.s32 v8, v23;
	v40 =	vld.idx.msk [tilespmem:v33+s3+$0x0], $0xffff  }
0x3a7: {  	v31 =	vld [tilespmem:s23+$0xFFFFFFFC];
	v32 =	vand.u32 $0x7FFFFF, v32;
	v44 =	vadd.f32 $8.388608000e+06, v29;
	v29 =	vadd.f32 $8.388608000e+06, v45  }
0x3a8: {  	v49 =	vadd.s32 v9, v15;
	v32 =	vmin.u32 v32, $0x59FF;
	v28 =	vld.idx.msk [tilespmem:v28+s3+$0x0], $0xffff;
	[tilespmem:v59+s17+$0x0] =	vst.idx.msk $0xffff, v24  }
0x3a9: {  	v29 =	vand.u32 $0x7FFFFF, v29;
	v34 =	vld [tilespmem:s24+$0xFFFFFFEC];
	[tilespmem:v62+s17+$0x0] =	vst.idx.msk $0xffff, v30  }
0x3aa: {  	v42 =	vadd.f32 $8.388608000e+06, v56;
	v52 =	vmin.u32 v29, $0x59FF;
	v30 =	vld [tilespmem:s25+$0xFFFFFF38];
	[tilespmem:v63+s17+$0x0] =	vst.idx.msk $0xffff, v27  }
0x3ab: {  	v47 =	vld [tilespmem:s26+$0xFFFFFFEC];
	[tilespmem:v41+s17+$0x0] =	vst.idx.msk $0xffff, v40  }
0x3ac: {  	v25 =	vand.u32 $0x7FFFFF, v42;
	v51 =	vld [tilespmem:s26+$0xFFFFFF38]  }
0x3ad: {  	v25 =	vmin.u32 v25, $0x59FF;
	v26 =	vand.u32 $0x7FFFFF, v44;
	v32 =	vld.idx.msk [tilespmem:v32+s3+$0x0], $0xffff;
	[tilespmem:v49+s17+$0x0] =	vst.idx.msk $0xffff, v28  }
0x3ae: {  	v57 =	vadd.s32 v9, v17;
	v48 =	vmin.u32 v26, $0x59FF;
	v55 =	vld [tilespmem:s23+$0xFFFFFF48];
	v50 =	vadd.f32 $8.388608000e+06, v34  }
0x3af: {  	v58 =	vadd.s32 v9, v18;
	v26 =	vld.idx.msk [tilespmem:v52+s3+$0x0], $0xffff;
	v30 =	vadd.f32 $8.388608000e+06, v30  }
0x3b0: {  	v46 =	vadd.f32 $8.388608000e+06, v31;
	v33 =	vand.u32 $0x7FFFFF, v50;
	v31 =	vadd.f32 $8.388608000e+06, v47  }
0x3b1: {  	v33 =	vmin.u32 v33, $0x59FF;
	v53 =	vand.u32 $0x7FFFFF, v30;
	v54 =	vadd.f32 $8.388608000e+06, v51  }
0x3b2: {  	v25 =	vld.idx.msk [tilespmem:v25+s3+$0x0], $0xffff;
	v28 =	vmin.u32 v53, $0x59FF;
	v31 =	vand.u32 $0x7FFFFF, v31  }
0x3b3: {  	v24 =	vld.idx.msk [tilespmem:v48+s3+$0x0], $0xffff;
	[tilespmem:v57+s17+$0x0] =	vst.idx.msk $0xffff, v32;
	v30 =	vadd.f32 $8.388608000e+06, v55;
	v31 =	vmin.u32 v31, $0x59FF;
	v29 =	vand.u32 $0x7FFFFF, v54  }
0x3b4: {  	v32 =	vld [tilespmem:s24+$0xFFFFFF48];
	[tilespmem:v58+s17+$0x0] =	vst.idx.msk $0xffff, v26;
	v27 =	vand.u32 $0x7FFFFF, v46;
	v29 =	vmin.u32 v29, $0x59FF  }
0x3b5: {  	v30 =	vand.u32 $0x7FFFFF, v30;
	v26 =	vld [tilespmem:s25+$0xFFFFFFFC];
	v27 =	vmin.u32 v27, $0x59FF  }
0x3b6: {  	v56 =	vadd.s32 v9, v16;
	v30 =	vmin.u32 v30, $0x59FF;
	v33 =	vld.idx.msk [tilespmem:v33+s3+$0x0], $0xffff  }
0x3b7: {  	v59 =	vadd.s32 v9, v19;
	v28 =	vld.idx.msk [tilespmem:v28+s3+$0x0], $0xffff  }
0x3b8: {  	v60 =	vadd.s32 v9, v22;
	v31 =	vld.idx.msk [tilespmem:v31+s3+$0x0], $0xffff  }
0x3b9: {  	v61 =	vadd.s32 v9, v23;
	v32 =	vadd.f32 $8.388608000e+06, v32;
	v29 =	vld.idx.msk [tilespmem:v29+s3+$0x0], $0xffff  }
0x3ba: {  	v27 =	vld.idx.msk [tilespmem:v27+s3+$0x0], $0xffff  }
0x3bb: {  	v30 =	vld.idx.msk [tilespmem:v30+s3+$0x0], $0xffff;
	v47 =	vand.u32 $0x7FFFFF, v32;
	[tilespmem:v56+s17+$0x0] =	vst.idx.msk $0xffff, v33  }
0x3bc: {  	v40 =	vadd.s32 v10, v13;
	v50 =	vmin.u32 v47, $0x59FF;
	v34 =	vld [tilespmem:s24+$0xFFFFFFFC];
	[tilespmem:v59+s17+$0x0] =	vst.idx.msk $0xffff, v28  }
0x3bd: {  	v62 =	vadd.s32 v10, v12;
	v63 =	vld [tilespmem:s25+$0xFFFFFF48];
	[tilespmem:v60+s17+$0x0] =	vst.idx.msk $0xffff, v31  }
0x3be: {  	v42 =	vadd.s32 v10, v14;
	v26 =	vadd.f32 $8.388608000e+06, v26;
	v41 =	vld [tilespmem:s26+$0xFFFFFFFC];
	[tilespmem:v61+s17+$0x0] =	vst.idx.msk $0xffff, v29  }
0x3bf: {  	v45 =	vadd.s32 v10, v15;
	v44 =	vld [tilespmem:s26+$0xFFFFFF48]  }
0x3c0: {  	v26 =	vand.u32 $0x7FFFFF, v26  }
0x3c1: {  	[tilespmem:v40+s17+$0x0] =	vst.idx.msk $0xffff, v24;
	v56 =	vadd.s32 v10, v17;
	v26 =	vmin.u32 v26, $0x59FF;
	v24 =	vld.idx.msk [tilespmem:v50+s3+$0x0], $0xffff;
	v43 =	vadd.f32 $8.388608000e+06, v34  }
0x3c2: {  	[tilespmem:v62+s17+$0x0] =	vst.idx.msk $0xffff, v25;
	v48 =	vadd.f32 $8.388608000e+06, v63  }
0x3c3: {  	v49 =	vld [tilespmem:s22+$0x0];
	[tilespmem:v42+s17+$0x0] =	vst.idx.msk $0xffff, v27;
	v33 =	vand.u32 $0x7FFFFF, v43;
	v51 =	vadd.f32 $8.388608000e+06, v41  }
0x3c4: {  	[tilespmem:v45+s17+$0x0] =	vst.idx.msk $0xffff, v30;
	v54 =	vld [tilespmem:s23+$0x0];
	v46 =	vmin.u32 v33, $0x59FF;
	v52 =	vand.u32 $0x7FFFFF, v48;
	v53 =	vadd.f32 $8.388608000e+06, v44  }
0x3c5: {  	v30 =	vld [tilespmem:s23+$0xFFFFFF4C];
	v27 =	vmin.u32 v52, $0x59FF;
	v28 =	vand.u32 $0x7FFFFF, v51  }
0x3c6: {  	v26 =	vld.idx.msk [tilespmem:v26+s3+$0x0], $0xffff;
	[tilespmem:v56+s17+$0x0] =	vst.idx.msk $0xffff, v24;
	v28 =	vmin.u32 v28, $0x59FF;
	v29 =	vand.u32 $0x7FFFFF, v53  }
0x3c7: {  	v40 =	vld [tilespmem:s24+$0xFFFFFF4C];
	v29 =	vmin.u32 v29, $0x59FF  }
0x3c8: {  	v57 =	vadd.s32 v10, v18;
	v31 =	vld [tilespmem:s22+$0xFFFFFF4C]  }
0x3c9: {  	v55 =	vadd.s32 v10, v16;
	v25 =	vld.idx.msk [tilespmem:v46+s3+$0x0], $0xffff  }
0x3ca: {  	v58 =	vadd.s32 v10, v19;
	v27 =	vld.idx.msk [tilespmem:v27+s3+$0x0], $0xffff  }
0x3cb: {  	v59 =	vadd.s32 v10, v22;
	v28 =	vld.idx.msk [tilespmem:v28+s3+$0x0], $0xffff  }
0x3cc: {  	v61 =	vadd.s32 v10, v23;
	v60 =	vld.idx.msk [tilespmem:v29+s3+$0x0], $0xffff  }
0x3cd: {  	[tilespmem:v57+s17+$0x0] =	vst.idx.msk $0xffff, v26  }
0x3ce: {  	v62 =	vadd.f32 $8.388608000e+06, v49;
	v41 =	vld [tilespmem:s25+$0x0];
	[tilespmem:v55+s17+$0x0] =	vst.idx.msk $0xffff, v25  }
0x3cf: {  	v43 =	vadd.s32 v11, v12;
	v30 =	vadd.f32 $8.388608000e+06, v30;
	v63 =	vld [tilespmem:s24+$0x0];
	[tilespmem:v58+s17+$0x0] =	vst.idx.msk $0xffff, v27  }
0x3d0: {  	v24 =	vand.u32 $0x7FFFFF, v62;
	v32 =	vadd.f32 $8.388608000e+06, v54;
	v39 =	vadd.f32 $8.388608000e+06, v31;
	v42 =	vld [tilespmem:s25+$0xFFFFFF4C];
	[tilespmem:v59+s17+$0x0] =	vst.idx.msk $0xffff, v28  }
0x3d1: {  	v24 =	vmin.u32 v24, $0x59FF;
	v30 =	vand.u32 $0x7FFFFF, v30;
	v31 =	vadd.f32 $8.388608000e+06, v40;
	v44 =	vld [tilespmem:s26+$0x0];
	[tilespmem:v61+s17+$0x0] =	vst.idx.msk $0xffff, v60  }
0x3d2: {  	v30 =	vmin.u32 v30, $0x59FF;
	v46 =	vand.u32 $0x7FFFFF, v32;
	v26 =	vand.u32 $0x7FFFFF, v39;
	v48 =	vld [tilespmem:s26+$0xFFFFFF4C]  }
0x3d3: {  	v25 =	vmin.u32 v46, $0x59FF;
	v31 =	vand.u32 $0x7FFFFF, v31;
	v27 =	vadd.f32 $8.388608000e+06, v41  }
0x3d4: {  	v26 =	vmin.u32 v26, $0x59FF;
	v31 =	vmin.u32 v31, $0x59FF;
	v47 =	vadd.f32 $8.388608000e+06, v63  }
0x3d5: {  	v51 =	vadd.s32 v11, v15;
	v27 =	vand.u32 $0x7FFFFF, v27;
	v28 =	vadd.f32 $8.388608000e+06, v42  }
0x3d6: {  	v24 =	vld.idx.msk [tilespmem:v24+s3+$0x0], $0xffff;
	v27 =	vmin.u32 v27, $0x59FF;
	v29 =	vand.u32 $0x7FFFFF, v47;
	v49 =	vadd.f32 $8.388608000e+06, v44  }
0x3d7: {  	v30 =	vld.idx.msk [tilespmem:v30+s3+$0x0], $0xffff;
	v29 =	vmin.u32 v29, $0x59FF;
	v28 =	vand.u32 $0x7FFFFF, v28;
	v32 =	vadd.f32 $8.388608000e+06, v48  }
0x3d8: {  	v50 =	vadd.s32 v11, v14;
	v25 =	vld.idx.msk [tilespmem:v25+s3+$0x0], $0xffff;
	v28 =	vmin.u32 v28, $0x59FF;
	v33 =	vand.u32 $0x7FFFFF, v49  }
0x3d9: {  	v45 =	vadd.s32 v11, v13;
	v26 =	vld.idx.msk [tilespmem:v26+s3+$0x0], $0xffff;
	v33 =	vmin.u32 v33, $0x59FF;
	v32 =	vand.u32 $0x7FFFFF, v32  }
0x3da: {  	[tilespmem:v21+s17+$0x0] =	vst.idx.msk $0xffff, v20;
	v56 =	vadd.s32 v11, v17;
	v55 =	vld.idx.msk [tilespmem:v31+s3+$0x0], $0xffff;
	v54 =	vmin.u32 v32, $0x59FF  }
0x3db: {  	v58 =	vadd.s32 v11, v18;
	[tilespmem:v43+s17+$0x0] =	vst.idx.msk $0xffff, v24;
	v57 =	vld.idx.msk [tilespmem:v27+s3+$0x0], $0xffff  }
0x3dc: {  	v53 =	vadd.s32 v11, v16;
	[tilespmem:v51+s17+$0x0] =	vst.idx.msk $0xffff, v30;
	v52 =	vld.idx.msk [tilespmem:v29+s3+$0x0], $0xffff  }
0x3dd: {  	[tilespmem:v50+s17+$0x0] =	vst.idx.msk $0xffff, v25;
	v60 =	vadd.s32 v11, v19;
	v59 =	vld.idx.msk [tilespmem:v28+s3+$0x0], $0xffff  }
0x3de: {  	v22 =	vadd.s32 v11, v22;
	[tilespmem:v45+s17+$0x0] =	vst.idx.msk $0xffff, v26;
	v61 =	vld.idx.msk [tilespmem:v33+s3+$0x0], $0xffff  }
0x3df: {  	v63 =	vadd.s32 v11, v23;
	[tilespmem:v56+s17+$0x0] =	vst.idx.msk $0xffff, v55;
	v62 =	vld.idx.msk [tilespmem:v54+s3+$0x0], $0xffff  }
0x3e0: {  	[tilespmem:v58+s17+$0x0] =	vst.idx.msk $0xffff, v57  }
0x3e1: {  	[tilespmem:v53+s17+$0x0] =	vst.idx.msk $0xffff, v52  }
0x3e2: {  	s21 =	sadd.s32 s9, s21;
	[tilespmem:v60+s17+$0x0] =	vst.idx.msk $0xffff, v59  }
0x3e3: {  	s21 =	sshrl.u32 s21, $0x3;
	[tilespmem:v22+s17+$0x0] =	vst.idx.msk $0xffff, v61  }
0x3e4: {  	s31 =	simm.s32 $0x16DA0;
	s21 =	sadd.s32 s4, s21;
	s22 =	simm.s32 $0x220;
	[tilespmem:v63+s17+$0x0] =	vst.idx.msk $0xffff, v62  }
0x3e5: {  	[hbm4b:s21+s3] =	stream.linear.scatter [tilespmem:s31], [sflag:$0x5], $0x80, $0x38;
	[tilespmem:$0x1CD40] =	vst v63  }
.LBB2_13:
0x3e6: {  	p0 =	sne.s32 s22, $0x17C60  }
.Ltmp6:
0x3e7: {  	_ = 	snop;
	(pc) =	sbr.rel @p0 .LBB2_13-.Ltmp6, $4  }
0x3e8: {  	_ = 	snop  }
0x3e9: {  	s23 =	sshra.s32 s22, $0x2;
	s22 =	sadd.s32 $0x220, s22  }
0x3ea: {  	s21 =	sadd.s32 $0x4000, s21;
	s23 =	sadd.s32 $0x16DA0, s23  }
0x3eb: {  	[hbm4b:s21+s3] =	stream.linear.scatter [tilespmem:s23], [sflag:$0x5], $0x80, $0x38;
	[tilespmem:$0x1CD40] =	vst v63  }
0x3ec: {  	s20 =	sadd.s32 $0x1, s20  }
0x3ed: {  	p0 =	sne.s32 s20, $0x20  }
.Ltmp7:
0x3ee: {  	_ = 	snop;
	(pc) =	sbr.rel @p0 .LBB2_2-.Ltmp7, $1  }
0x3ef: {  	_ =	sdelay $0x3  }
0x3f0: {  	s19 =	sadd.s32 $0x1, s19  }
0x3f1: {  	_ =	swait.ge [sflag:s18], $0x5A00;
	p0 =	sne.s32 s19, s10  }
.Ltmp8:
0x3f2: {  	[sflag:s18] =	ssyncset.done $0x0;
	(pc) =	sbr.rel @p0 .LBB2_1-.Ltmp8, $4  }
0x3f3: {  	[sflag:s18] =	ssyncadd.s32 $0xFFFFA600  }
0x3f4: {  	_ =	swait.ge [sflag:s16], $0x5A00  }
0x3f5: {  	[sflag:s16] =	ssyncset.done $0x0  }
0x3f6: {  	[sflag:s16] =	ssyncadd.s32 $0xFFFFA600  }
0x3f7: {  	_ =	sfence.sel $0x180000  }
0x3f8: {  	[bflag:$0x0] =	sbarrier.arrive $0xFFFF  }
0x3f9: {  	p0 =	sne.s32 s0, $0x0;
	_ =	strace $0x90000047  }
0x3fa: {  	s0 =	sadd.s32 @!p0 $0x100000, s1;
	[bflag:$0x2] =	sbarrier.arrive $0xFFFF  }
0x3fb: {  	[sflag:s0] =	ssyncadd.tile.s32 @!p0 $0x1;
	_ =	shalt  }
.Lfunc_end2:
_tile_overlayer_lowered:
.L_overlay_start_2:
0x3fc: {  	(tag) =	ssettag $0x2  }
0x3fd: {  	s0 =	rddreg [dreg:$0x0];
	s2 =	stileid.u32  }
0x3fe: {  	s1 =	rddreg [dreg:$0x1];
	p0 =	sne.s32 s2, $0x0  }
0x3ff: {  	s3 =	rddreg [dreg:$0x2];
	[bflag:$0x3] =	sbarrier.arrive $0xFFFF;
	s2 =	simm.s32 @!p0 $0x1C06  }
0x400: {  	[timem:s3], [sflag:s2] =	dma.local @!p0 [hbm:s0], s1  }
0x401: {  	s0 =	simm.s32 @!p0 $0x6  }
0x402: {  	_ =	swait.ge @!p0 [sflag:s0], s1  }
0x403: {  	s1 =	ssub.s32 @!p0 $0x0, s1;
	[sflag:s0] =	ssyncset.done @!p0 $0x0  }
0x404: {  	[sflag:s0] =	ssyncadd.s32 @!p0 s1  }
0x405: {  	[bflag:$0x3] =	sbarrier.arrive $0xFFFF  }
0x406: {  	_ =	shalt  }

</sc_bundles>
